<compile_context>
chip_gen: v7x
topology: tpu7x:2x2x1
jax: 0.10.2.dev20260603
libtpu: 0.0.44.dev20260713+nightly
codegen_flags: <defaults>
</compile_context>

<pallas_src>
import jax
import jax.numpy as jnp
from jax import lax
from jax.experimental import pallas as pl
from jax.experimental.pallas import tpu as pltpu
from jax.experimental.pallas import tpu_sc as plsc

_B = 32
_N = 32
_L = 16
_G = _B // _L
_ROW = _N * _L
_FULL = _N * _N * _L


def _sc_body(lt_hbm, out_hbm, l_v, o_v, u_v, g_v, c2_v, gt_v, sem):
    sidx = lax.axis_index("s")

    @pl.when(sidx < _G)
    def _():
        pltpu.async_copy(lt_hbm.at[sidx], l_v, sem).wait()

        ones = jnp.ones((_L,), jnp.float32)

        @pl.loop(0, _N)
        def _coef(m):
            base = m * _ROW
            for n in range(_N):
                cell = pl.ds(base + n * _L, _L)
                c2_v[cell] = 1.0 / (1.0 + jnp.exp(-l_v[cell]))

        for n in range(_N):
            u_v[pl.ds(n * _L, _L)] = ones
            g_v[pl.ds(n * _L, _L)] = jnp.full((_L,), float(n + 1), jnp.float32)
        gt_v[...] = jnp.full((_L,), float(_N), jnp.float32)

        @pl.loop(0, _N)
        def _row(m):
            base = m * _ROW
            gtot = gt_v[...]
            t = ones
            w = ones - gtot
            gacc = jnp.zeros((_L,), jnp.float32)
            for n in range(_N):
                off = n * _L
                col = pl.ds(off, _L)
                cell = pl.ds(base + off, _L)
                u = u_v[col]
                r = jnp.maximum(w + g_v[col], 0.0)
                q = jnp.minimum(t, u)
                p = r + c2_v[cell] * (q - r)
                o_v[cell] = p
                un = u - p
                u_v[col] = un
                gacc = gacc + jnp.maximum(un, 0.0)
                g_v[col] = gacc
                t = t - p
                w = w - p
            gt_v[...] = gacc

        pltpu.async_copy(o_v, out_hbm.at[sidx], sem).wait()


@jax.jit
def kernel(logits, x_mask):
    del x_mask

    lt = jnp.transpose(
        jnp.transpose(logits, (1, 2, 0)).reshape(_N, _N, _G, _L), (2, 0, 1, 3)
    ).reshape(_G, _FULL)

    mesh = plsc.VectorSubcoreMesh(
        core_axis_name="c", subcore_axis_name="s", num_cores=1
    )
    run = pl.kernel(
        _sc_body,
        out_type=jax.ShapeDtypeStruct((_G, _FULL), jnp.float32),
        mesh=mesh,
        scratch_types=[
            pltpu.VMEM((_FULL,), jnp.float32),
            pltpu.VMEM((_FULL,), jnp.float32),
            pltpu.VMEM((_ROW,), jnp.float32),
            pltpu.VMEM((_ROW,), jnp.float32),
            pltpu.VMEM((_FULL,), jnp.float32),
            pltpu.VMEM((_L,), jnp.float32),
            pltpu.SemaphoreType.DMA,
        ],
    )
    out = run(lt)
    return jnp.transpose(
        jnp.transpose(out.reshape(_G, _N, _N, _L), (1, 2, 0, 3)).reshape(
            _N, _N, _B
        ),
        (2, 0, 1),
    )

# --- scband reference (transcript-rebuilt; emitter-appended) ---
"""Pipeline reference for scband-stick-breaking-65953517797987 (READ-ONLY COPY).

The authoritative reference and input builder live on the scoring server;
editing this copy changes nothing except your own understanding.
"""

import jax, jax.numpy as jnp
import numpy as np


def stick_breaking(b, x_mask):
    B, N, _ = b.shape
    row_idx = jnp.arange(N)
    col_idx = jnp.arange(N)

    def body(step, x):
        m = step // N
        n = step % N
        row_lt_m = (row_idx < m).astype(b.dtype)      # [N]
        col_gt_n = (col_idx > n).astype(b.dtype)      # [N]
        col_lt_n = (col_idx < n).astype(b.dtype)      # [N]
        # A[b, c] = sum_{r < m} x[b, r, c]
        A = jnp.sum(x * row_lt_m[None, :, None], axis=1)          # [B, N]
        xm_row = jnp.take(x_mask, m, axis=1)                      # [B, N] = x_mask[:, m, :]
        x_row_m = jnp.take(x, m, axis=1)                          # [B, N] = x[:, m, :]
        # max(0, x_mask[:, m, n+1:] - sum(x[:, :m, n+1:], axis=1)) summed over cols > n
        max_future_vals = jnp.maximum(0.0, xm_row - A) * col_gt_n[None, :]
        max_future_mass = jnp.sum(max_future_vals, axis=1)        # [B]
        row_sum_before = jnp.sum(x_row_m * col_lt_n[None, :], axis=1)  # sum(x[:, m, :n])
        col_sum_above = jnp.take(A, n, axis=1)                    # sum(x[:, :m, n])
        xm_mn = jnp.take(xm_row, n, axis=1)                       # x_mask[:, m, n]
        b_mn = jnp.take(jnp.take(b, m, axis=1), n, axis=1)        # b[:, m, n]
        lower = xm_mn * jnp.maximum(0.0, 1.0 - row_sum_before - max_future_mass)
        upper = xm_mn * jnp.minimum(1.0 - row_sum_before, 1.0 - col_sum_above)
        p = lower + b_mn * (upper - lower)
        return x.at[:, m, n].set(p)

    x0 = jnp.zeros_like(b)
    return jax.lax.fori_loop(0, N * N, body, x0)


def setup_inputs(seed: int = 0) -> dict:
    key = jax.random.key(seed)
    k1, _ = jax.random.split(key)
    logits = jax.random.normal(k1, (32, 32, 32), dtype=jnp.float32)
    x_mask = jnp.ones((32, 32, 32), dtype=jnp.float32)
    return {"logits": logits, "x_mask": x_mask}


def reference(logits, x_mask):
    # StickBreaking.call: stick_breaking(sigmoid(inputs[0]), inputs[1])
    return stick_breaking(jax.nn.sigmoid(logits), x_mask)

if __name__ == "__main__":
    import jax
    _d = setup_inputs()
    print(jax.jit(kernel)(*tuple(_d.values())))

</pallas_src>

<mosaic_0001>
#map = affine_map<(d0, d1) -> (0, 0)>
module attributes {stable_mosaic.version = 14 : i64} {
  func.func @_sc_body(%arg0: i32, %arg1: i32, %arg2: memref<2x16384xf32, #tpu.memory_space<hbm>>, %arg3: memref<2x16384xf32, #tpu.memory_space<hbm>>, %arg4: memref<16384xf32, #tpu.memory_space<vmem>>, %arg5: memref<16384xf32, #tpu.memory_space<vmem>>, %arg6: memref<512xf32, #tpu.memory_space<vmem>>, %arg7: memref<512xf32, #tpu.memory_space<vmem>>, %arg8: memref<16384xf32, #tpu.memory_space<vmem>>, %arg9: memref<16xf32, #tpu.memory_space<vmem>>, %arg10: memref<!tpu.dma_semaphore, #tpu.memory_space<semaphore_mem>>) attributes {dimension_semantics = [#tpu.dimension_semantics<core_parallel>, #tpu.dimension_semantics<subcore_parallel>], iteration_bounds = array<i64: 1, 16>, scalar_prefetch = 0 : i64, scratch_operands = 7 : i64, tpu.core_type = #tpu.core_type<sc_vector_subcore>, window_params = [{transform_indices = #map}, {transform_indices = #map}]} {
    %lt3A = arith.constant 2 : i32
    %lt3A_0 = arith.cmpi slt, %arg1, %lt3A : i32
    %convert_element_type3A = arith.extui %lt3A_0 : i1 to i32
    %cond3A = arith.constant 0 : i32
    %cond3A_1 = arith.cmpi ne, %convert_element_type3A, %cond3A : i32
    scf.if %cond3A_1 {
      %dma_start3A = arith.constant 0 : i32
      %dma_start3A_2 = tpu.memref_slice %arg2[%arg1, %dma_start3A] : memref<2x16384xf32, #tpu.memory_space<hbm>> -> memref<1x16384xf32, #tpu.memory_space<hbm>>
      %dma_start3A_3 = tpu.memref_squeeze %dma_start3A_2 : memref<1x16384xf32, #tpu.memory_space<hbm>> -> memref<16384xf32, #tpu.memory_space<hbm>>
      %dma_start3A_4 = arith.constant 0 : i32
      %dma_start3A_5 = tpu.memref_slice %arg2[%arg1, %dma_start3A_4] : memref<2x16384xf32, #tpu.memory_space<hbm>> -> memref<1x16384xf32, #tpu.memory_space<hbm>>
      %dma_start3A_6 = tpu.memref_squeeze %dma_start3A_5 : memref<1x16384xf32, #tpu.memory_space<hbm>> -> memref<16384xf32, #tpu.memory_space<hbm>>
      tpu.enqueue_dma source(%dma_start3A_6 : memref<16384xf32, #tpu.memory_space<hbm>>) target(%arg4 : memref<16384xf32, #tpu.memory_space<vmem>>) target_semaphore(%arg10 : memref<!tpu.dma_semaphore, #tpu.memory_space<semaphore_mem>>)
      %dma_wait3A = arith.constant 0 : i32
      %dma_wait3A_7 = tpu.memref_slice %arg2[%arg1, %dma_wait3A] : memref<2x16384xf32, #tpu.memory_space<hbm>> -> memref<1x16384xf32, #tpu.memory_space<hbm>>
      %dma_wait3A_8 = tpu.memref_squeeze %dma_wait3A_7 : memref<1x16384xf32, #tpu.memory_space<hbm>> -> memref<16384xf32, #tpu.memory_space<hbm>>
      %dma_wait3A_9 = arith.constant 0 : i32
      %dma_wait3A_10 = tpu.memref_slice %arg2[%arg1, %dma_wait3A_9] : memref<2x16384xf32, #tpu.memory_space<hbm>> -> memref<1x16384xf32, #tpu.memory_space<hbm>>
      %dma_wait3A_11 = tpu.memref_squeeze %dma_wait3A_10 : memref<1x16384xf32, #tpu.memory_space<hbm>> -> memref<16384xf32, #tpu.memory_space<hbm>>
      tpu.wait_dma2 semaphore(%arg10 : memref<!tpu.dma_semaphore, #tpu.memory_space<semaphore_mem>>) src(%dma_wait3A_11 : memref<16384xf32, #tpu.memory_space<hbm>>) dst(%arg4 : memref<16384xf32, #tpu.memory_space<vmem>>)
      %broadcast_in_dim3A = arith.constant 1.000000e+00 : f32
      %broadcast_in_dim3A_12 = vector.broadcast %broadcast_in_dim3A : f32 to vector<16xf32>
      %scan3A = arith.constant 0 : i32
      %scan3A_13 = arith.constant 32 : i32
      %scan3A_14 = arith.addi %scan3A, %scan3A_13 : i32
      %scan3A_15 = arith.constant 1 : i32
      scf.for %scan3A_359 = %scan3A to %scan3A_14 step %scan3A_15  : i32 {
        %mul3A = arith.constant 1 : i32
        %mul3A_360 = arith.muli %scan3A_359, %mul3A : i32
        %add3A = arith.constant 0 : i32
        %add3A_361 = arith.addi %add3A, %mul3A_360 : i32
        %mul3A_362 = arith.constant 512 : i32
        %mul3A_363 = arith.muli %add3A_361, %mul3A_362 : i32
        %add3A_364 = arith.constant 0 : i32
        %add3A_365 = arith.addi %mul3A_363, %add3A_364 : i32
        %get3A = arith.index_cast %add3A_365 : i32 to index
        %get3A_366 = tpu.vector_load %arg4[%get3A] {strides = array<i32>} : memref<16384xf32, #tpu.memory_space<vmem>>, vector<16xf32>,
        %get3A_367 = vector.shape_cast %get3A_366 : vector<16xf32> to vector<16xf32>
        %neg3A = arith.constant 0.000000e+00 : f32
        %neg3A_368 = vector.broadcast %neg3A : f32 to vector<16xf32>
        %neg3A_369 = arith.subf %neg3A_368, %get3A_367 : vector<16xf32>
        %exp3A = math.exp %neg3A_369 : vector<16xf32>
        %add3A_370 = arith.constant 1.000000e+00 : f32
        %add3A_371 = vector.broadcast %add3A_370 : f32 to vector<16xf32>
        %add3A_372 = arith.addf %add3A_371, %exp3A : vector<16xf32>
        %div3A = arith.constant 1.000000e+00 : f32
        %div3A_373 = vector.broadcast %div3A : f32 to vector<16xf32>
        %div3A_374 = arith.divf %div3A_373, %add3A_372 : vector<16xf32>
        %swap3A_375 = arith.index_cast %add3A_365 : i32 to index
        %swap3A_376 = tpu.vector_load %arg8[%swap3A_375] {strides = array<i32>} : memref<16384xf32, #tpu.memory_space<vmem>>, vector<16xf32>,
        %swap3A_377 = vector.shape_cast %swap3A_376 : vector<16xf32> to vector<16xf32>
        %swap3A_378 = vector.shape_cast %div3A_374 : vector<16xf32> to vector<16xf32>
        tpu.vector_store %arg8[%swap3A_375], %swap3A_378 {strides = array<i32>} : memref<16384xf32, #tpu.memory_space<vmem>>, vector<16xf32>,
        %add3A_379 = arith.constant 16 : i32
        %add3A_380 = arith.addi %mul3A_363, %add3A_379 : i32
        %get3A_381 = arith.index_cast %add3A_380 : i32 to index
        %get3A_382 = tpu.vector_load %arg4[%get3A_381] {strides = array<i32>} : memref<16384xf32, #tpu.memory_space<vmem>>, vector<16xf32>,
        %get3A_383 = vector.shape_cast %get3A_382 : vector<16xf32> to vector<16xf32>
        %neg3A_384 = arith.constant 0.000000e+00 : f32
        %neg3A_385 = vector.broadcast %neg3A_384 : f32 to vector<16xf32>
        %neg3A_386 = arith.subf %neg3A_385, %get3A_383 : vector<16xf32>
        %exp3A_387 = math.exp %neg3A_386 : vector<16xf32>
        %add3A_388 = arith.constant 1.000000e+00 : f32
        %add3A_389 = vector.broadcast %add3A_388 : f32 to vector<16xf32>
        %add3A_390 = arith.addf %add3A_389, %exp3A_387 : vector<16xf32>
        %div3A_391 = arith.constant 1.000000e+00 : f32
        %div3A_392 = vector.broadcast %div3A_391 : f32 to vector<16xf32>
        %div3A_393 = arith.divf %div3A_392, %add3A_390 : vector<16xf32>
        %swap3A_394 = arith.index_cast %add3A_380 : i32 to index
        %swap3A_395 = tpu.vector_load %arg8[%swap3A_394] {strides = array<i32>} : memref<16384xf32, #tpu.memory_space<vmem>>, vector<16xf32>,
        %swap3A_396 = vector.shape_cast %swap3A_395 : vector<16xf32> to vector<16xf32>
        %swap3A_397 = vector.shape_cast %div3A_393 : vector<16xf32> to vector<16xf32>
        tpu.vector_store %arg8[%swap3A_394], %swap3A_397 {strides = array<i32>} : memref<16384xf32, #tpu.memory_space<vmem>>, vector<16xf32>,
        %add3A_398 = arith.constant 32 : i32
        %add3A_399 = arith.addi %mul3A_363, %add3A_398 : i32
        %get3A_400 = arith.index_cast %add3A_399 : i32 to index
        %get3A_401 = tpu.vector_load %arg4[%get3A_400] {strides = array<i32>} : memref<16384xf32, #tpu.memory_space<vmem>>, vector<16xf32>,
        %get3A_402 = vector.shape_cast %get3A_401 : vector<16xf32> to vector<16xf32>
        %neg3A_403 = arith.constant 0.000000e+00 : f32
        %neg3A_404 = vector.broadcast %neg3A_403 : f32 to vector<16xf32>
        %neg3A_405 = arith.subf %neg3A_404, %get3A_402 : vector<16xf32>
        %exp3A_406 = math.exp %neg3A_405 : vector<16xf32>
        %add3A_407 = arith.constant 1.000000e+00 : f32
        %add3A_408 = vector.broadcast %add3A_407 : f32 to vector<16xf32>
        %add3A_409 = arith.addf %add3A_408, %exp3A_406 : vector<16xf32>
        %div3A_410 = arith.constant 1.000000e+00 : f32
        %div3A_411 = vector.broadcast %div3A_410 : f32 to vector<16xf32>
        %div3A_412 = arith.divf %div3A_411, %add3A_409 : vector<16xf32>
        %swap3A_413 = arith.index_cast %add3A_399 : i32 to index
        %swap3A_414 = tpu.vector_load %arg8[%swap3A_413] {strides = array<i32>} : memref<16384xf32, #tpu.memory_space<vmem>>, vector<16xf32>,
        %swap3A_415 = vector.shape_cast %swap3A_414 : vector<16xf32> to vector<16xf32>
        %swap3A_416 = vector.shape_cast %div3A_412 : vector<16xf32> to vector<16xf32>
        tpu.vector_store %arg8[%swap3A_413], %swap3A_416 {strides = array<i32>} : memref<16384xf32, #tpu.memory_space<vmem>>, vector<16xf32>,
        %add3A_417 = arith.constant 48 : i32
        %add3A_418 = arith.addi %mul3A_363, %add3A_417 : i32
        %get3A_419 = arith.index_cast %add3A_418 : i32 to index
        %get3A_420 = tpu.vector_load %arg4[%get3A_419] {strides = array<i32>} : memref<16384xf32, #tpu.memory_space<vmem>>, vector<16xf32>,
        %get3A_421 = vector.shape_cast %get3A_420 : vector<16xf32> to vector<16xf32>
        %neg3A_422 = arith.constant 0.000000e+00 : f32
        %neg3A_423 = vector.broadcast %neg3A_422 : f32 to vector<16xf32>
        %neg3A_424 = arith.subf %neg3A_423, %get3A_421 : vector<16xf32>
        %exp3A_425 = math.exp %neg3A_424 : vector<16xf32>
        %add3A_426 = arith.constant 1.000000e+00 : f32
        %add3A_427 = vector.broadcast %add3A_426 : f32 to vector<16xf32>
        %add3A_428 = arith.addf %add3A_427, %exp3A_425 : vector<16xf32>
        %div3A_429 = arith.constant 1.000000e+00 : f32
        %div3A_430 = vector.broadcast %div3A_429 : f32 to vector<16xf32>
        %div3A_431 = arith.divf %div3A_430, %add3A_428 : vector<16xf32>
        %swap3A_432 = arith.index_cast %add3A_418 : i32 to index
        %swap3A_433 = tpu.vector_load %arg8[%swap3A_432] {strides = array<i32>} : memref<16384xf32, #tpu.memory_space<vmem>>, vector<16xf32>,
        %swap3A_434 = vector.shape_cast %swap3A_433 : vector<16xf32> to vector<16xf32>
        %swap3A_435 = vector.shape_cast %div3A_431 : vector<16xf32> to vector<16xf32>
        tpu.vector_store %arg8[%swap3A_432], %swap3A_435 {strides = array<i32>} : memref<16384xf32, #tpu.memory_space<vmem>>, vector<16xf32>,
        %add3A_436 = arith.constant 64 : i32
        %add3A_437 = arith.addi %mul3A_363, %add3A_436 : i32
        %get3A_438 = arith.index_cast %add3A_437 : i32 to index
        %get3A_439 = tpu.vector_load %arg4[%get3A_438] {strides = array<i32>} : memref<16384xf32, #tpu.memory_space<vmem>>, vector<16xf32>,
        %get3A_440 = vector.shape_cast %get3A_439 : vector<16xf32> to vector<16xf32>
        %neg3A_441 = arith.constant 0.000000e+00 : f32
        %neg3A_442 = vector.broadcast %neg3A_441 : f32 to vector<16xf32>
        %neg3A_443 = arith.subf %neg3A_442, %get3A_440 : vector<16xf32>
        %exp3A_444 = math.exp %neg3A_443 : vector<16xf32>
        %add3A_445 = arith.constant 1.000000e+00 : f32
        %add3A_446 = vector.broadcast %add3A_445 : f32 to vector<16xf32>
        %add3A_447 = arith.addf %add3A_446, %exp3A_444 : vector<16xf32>
        %div3A_448 = arith.constant 1.000000e+00 : f32
        %div3A_449 = vector.broadcast %div3A_448 : f32 to vector<16xf32>
        %div3A_450 = arith.divf %div3A_449, %add3A_447 : vector<16xf32>
        %swap3A_451 = arith.index_cast %add3A_437 : i32 to index
        %swap3A_452 = tpu.vector_load %arg8[%swap3A_451] {strides = array<i32>} : memref<16384xf32, #tpu.memory_space<vmem>>, vector<16xf32>,
        %swap3A_453 = vector.shape_cast %swap3A_452 : vector<16xf32> to vector<16xf32>
        %swap3A_454 = vector.shape_cast %div3A_450 : vector<16xf32> to vector<16xf32>
        tpu.vector_store %arg8[%swap3A_451], %swap3A_454 {strides = array<i32>} : memref<16384xf32, #tpu.memory_space<vmem>>, vector<16xf32>,
        %add3A_455 = arith.constant 80 : i32
        %add3A_456 = arith.addi %mul3A_363, %add3A_455 : i32
        %get3A_457 = arith.index_cast %add3A_456 : i32 to index
        %get3A_458 = tpu.vector_load %arg4[%get3A_457] {strides = array<i32>} : memref<16384xf32, #tpu.memory_space<vmem>>, vector<16xf32>,
        %get3A_459 = vector.shape_cast %get3A_458 : vector<16xf32> to vector<16xf32>
        %neg3A_460 = arith.constant 0.000000e+00 : f32
        %neg3A_461 = vector.broadcast %neg3A_460 : f32 to vector<16xf32>
        %neg3A_462 = arith.subf %neg3A_461, %get3A_459 : vector<16xf32>
        %exp3A_463 = math.exp %neg3A_462 : vector<16xf32>
        %add3A_464 = arith.constant 1.000000e+00 : f32
        %add3A_465 = vector.broadcast %add3A_464 : f32 to vector<16xf32>
        %add3A_466 = arith.addf %add3A_465, %exp3A_463 : vector<16xf32>
        %div3A_467 = arith.constant 1.000000e+00 : f32
        %div3A_468 = vector.broadcast %div3A_467 : f32 to vector<16xf32>
        %div3A_469 = arith.divf %div3A_468, %add3A_466 : vector<16xf32>
        %swap3A_470 = arith.index_cast %add3A_456 : i32 to index
        %swap3A_471 = tpu.vector_load %arg8[%swap3A_470] {strides = array<i32>} : memref<16384xf32, #tpu.memory_space<vmem>>, vector<16xf32>,
        %swap3A_472 = vector.shape_cast %swap3A_471 : vector<16xf32> to vector<16xf32>
        %swap3A_473 = vector.shape_cast %div3A_469 : vector<16xf32> to vector<16xf32>
        tpu.vector_store %arg8[%swap3A_470], %swap3A_473 {strides = array<i32>} : memref<16384xf32, #tpu.memory_space<vmem>>, vector<16xf32>,
        %add3A_474 = arith.constant 96 : i32
        %add3A_475 = arith.addi %mul3A_363, %add3A_474 : i32
        %get3A_476 = arith.index_cast %add3A_475 : i32 to index
        %get3A_477 = tpu.vector_load %arg4[%get3A_476] {strides = array<i32>} : memref<16384xf32, #tpu.memory_space<vmem>>, vector<16xf32>,
        %get3A_478 = vector.shape_cast %get3A_477 : vector<16xf32> to vector<16xf32>
        %neg3A_479 = arith.constant 0.000000e+00 : f32
        %neg3A_480 = vector.broadcast %neg3A_479 : f32 to vector<16xf32>
        %neg3A_481 = arith.subf %neg3A_480, %get3A_478 : vector<16xf32>
        %exp3A_482 = math.exp %neg3A_481 : vector<16xf32>
        %add3A_483 = arith.constant 1.000000e+00 : f32
        %add3A_484 = vector.broadcast %add3A_483 : f32 to vector<16xf32>
        %add3A_485 = arith.addf %add3A_484, %exp3A_482 : vector<16xf32>
        %div3A_486 = arith.constant 1.000000e+00 : f32
        %div3A_487 = vector.broadcast %div3A_486 : f32 to vector<16xf32>
        %div3A_488 = arith.divf %div3A_487, %add3A_485 : vector<16xf32>
        %swap3A_489 = arith.index_cast %add3A_475 : i32 to index
        %swap3A_490 = tpu.vector_load %arg8[%swap3A_489] {strides = array<i32>} : memref<16384xf32, #tpu.memory_space<vmem>>, vector<16xf32>,
        %swap3A_491 = vector.shape_cast %swap3A_490 : vector<16xf32> to vector<16xf32>
        %swap3A_492 = vector.shape_cast %div3A_488 : vector<16xf32> to vector<16xf32>
        tpu.vector_store %arg8[%swap3A_489], %swap3A_492 {strides = array<i32>} : memref<16384xf32, #tpu.memory_space<vmem>>, vector<16xf32>,
        %add3A_493 = arith.constant 112 : i32
        %add3A_494 = arith.addi %mul3A_363, %add3A_493 : i32
        %get3A_495 = arith.index_cast %add3A_494 : i32 to index
        %get3A_496 = tpu.vector_load %arg4[%get3A_495] {strides = array<i32>} : memref<16384xf32, #tpu.memory_space<vmem>>, vector<16xf32>,
        %get3A_497 = vector.shape_cast %get3A_496 : vector<16xf32> to vector<16xf32>
        %neg3A_498 = arith.constant 0.000000e+00 : f32
        %neg3A_499 = vector.broadcast %neg3A_498 : f32 to vector<16xf32>
        %neg3A_500 = arith.subf %neg3A_499, %get3A_497 : vector<16xf32>
        %exp3A_501 = math.exp %neg3A_500 : vector<16xf32>
        %add3A_502 = arith.constant 1.000000e+00 : f32
        %add3A_503 = vector.broadcast %add3A_502 : f32 to vector<16xf32>
        %add3A_504 = arith.addf %add3A_503, %exp3A_501 : vector<16xf32>
        %div3A_505 = arith.constant 1.000000e+00 : f32
        %div3A_506 = vector.broadcast %div3A_505 : f32 to vector<16xf32>
        %div3A_507 = arith.divf %div3A_506, %add3A_504 : vector<16xf32>
        %swap3A_508 = arith.index_cast %add3A_494 : i32 to index
        %swap3A_509 = tpu.vector_load %arg8[%swap3A_508] {strides = array<i32>} : memref<16384xf32, #tpu.memory_space<vmem>>, vector<16xf32>,
        %swap3A_510 = vector.shape_cast %swap3A_509 : vector<16xf32> to vector<16xf32>
        %swap3A_511 = vector.shape_cast %div3A_507 : vector<16xf32> to vector<16xf32>
        tpu.vector_store %arg8[%swap3A_508], %swap3A_511 {strides = array<i32>} : memref<16384xf32, #tpu.memory_space<vmem>>, vector<16xf32>,
        %add3A_512 = arith.constant 128 : i32
        %add3A_513 = arith.addi %mul3A_363, %add3A_512 : i32
        %get3A_514 = arith.index_cast %add3A_513 : i32 to index
        %get3A_515 = tpu.vector_load %arg4[%get3A_514] {strides = array<i32>} : memref<16384xf32, #tpu.memory_space<vmem>>, vector<16xf32>,
        %get3A_516 = vector.shape_cast %get3A_515 : vector<16xf32> to vector<16xf32>
        %neg3A_517 = arith.constant 0.000000e+00 : f32
        %neg3A_518 = vector.broadcast %neg3A_517 : f32 to vector<16xf32>
        %neg3A_519 = arith.subf %neg3A_518, %get3A_516 : vector<16xf32>
        %exp3A_520 = math.exp %neg3A_519 : vector<16xf32>
        %add3A_521 = arith.constant 1.000000e+00 : f32
        %add3A_522 = vector.broadcast %add3A_521 : f32 to vector<16xf32>
        %add3A_523 = arith.addf %add3A_522, %exp3A_520 : vector<16xf32>
        %div3A_524 = arith.constant 1.000000e+00 : f32
        %div3A_525 = vector.broadcast %div3A_524 : f32 to vector<16xf32>
        %div3A_526 = arith.divf %div3A_525, %add3A_523 : vector<16xf32>
        %swap3A_527 = arith.index_cast %add3A_513 : i32 to index
        %swap3A_528 = tpu.vector_load %arg8[%swap3A_527] {strides = array<i32>} : memref<16384xf32, #tpu.memory_space<vmem>>, vector<16xf32>,
        %swap3A_529 = vector.shape_cast %swap3A_528 : vector<16xf32> to vector<16xf32>
        %swap3A_530 = vector.shape_cast %div3A_526 : vector<16xf32> to vector<16xf32>
        tpu.vector_store %arg8[%swap3A_527], %swap3A_530 {strides = array<i32>} : memref<16384xf32, #tpu.memory_space<vmem>>, vector<16xf32>,
        %add3A_531 = arith.constant 144 : i32
        %add3A_532 = arith.addi %mul3A_363, %add3A_531 : i32
        %get3A_533 = arith.index_cast %add3A_532 : i32 to index
        %get3A_534 = tpu.vector_load %arg4[%get3A_533] {strides = array<i32>} : memref<16384xf32, #tpu.memory_space<vmem>>, vector<16xf32>,
        %get3A_535 = vector.shape_cast %get3A_534 : vector<16xf32> to vector<16xf32>
        %neg3A_536 = arith.constant 0.000000e+00 : f32
        %neg3A_537 = vector.broadcast %neg3A_536 : f32 to vector<16xf32>
        %neg3A_538 = arith.subf %neg3A_537, %get3A_535 : vector<16xf32>
        %exp3A_539 = math.exp %neg3A_538 : vector<16xf32>
        %add3A_540 = arith.constant 1.000000e+00 : f32
        %add3A_541 = vector.broadcast %add3A_540 : f32 to vector<16xf32>
        %add3A_542 = arith.addf %add3A_541, %exp3A_539 : vector<16xf32>
        %div3A_543 = arith.constant 1.000000e+00 : f32
        %div3A_544 = vector.broadcast %div3A_543 : f32 to vector<16xf32>
        %div3A_545 = arith.divf %div3A_544, %add3A_542 : vector<16xf32>
        %swap3A_546 = arith.index_cast %add3A_532 : i32 to index
        %swap3A_547 = tpu.vector_load %arg8[%swap3A_546] {strides = array<i32>} : memref<16384xf32, #tpu.memory_space<vmem>>, vector<16xf32>,
        %swap3A_548 = vector.shape_cast %swap3A_547 : vector<16xf32> to vector<16xf32>
        %swap3A_549 = vector.shape_cast %div3A_545 : vector<16xf32> to vector<16xf32>
        tpu.vector_store %arg8[%swap3A_546], %swap3A_549 {strides = array<i32>} : memref<16384xf32, #tpu.memory_space<vmem>>, vector<16xf32>,
        %add3A_550 = arith.constant 160 : i32
        %add3A_551 = arith.addi %mul3A_363, %add3A_550 : i32
        %get3A_552 = arith.index_cast %add3A_551 : i32 to index
        %get3A_553 = tpu.vector_load %arg4[%get3A_552] {strides = array<i32>} : memref<16384xf32, #tpu.memory_space<vmem>>, vector<16xf32>,
        %get3A_554 = vector.shape_cast %get3A_553 : vector<16xf32> to vector<16xf32>
        %neg3A_555 = arith.constant 0.000000e+00 : f32
        %neg3A_556 = vector.broadcast %neg3A_555 : f32 to vector<16xf32>
        %neg3A_557 = arith.subf %neg3A_556, %get3A_554 : vector<16xf32>
        %exp3A_558 = math.exp %neg3A_557 : vector<16xf32>
        %add3A_559 = arith.constant 1.000000e+00 : f32
        %add3A_560 = vector.broadcast %add3A_559 : f32 to vector<16xf32>
        %add3A_561 = arith.addf %add3A_560, %exp3A_558 : vector<16xf32>
        %div3A_562 = arith.constant 1.000000e+00 : f32
        %div3A_563 = vector.broadcast %div3A_562 : f32 to vector<16xf32>
        %div3A_564 = arith.divf %div3A_563, %add3A_561 : vector<16xf32>
        %swap3A_565 = arith.index_cast %add3A_551 : i32 to index
        %swap3A_566 = tpu.vector_load %arg8[%swap3A_565] {strides = array<i32>} : memref<16384xf32, #tpu.memory_space<vmem>>, vector<16xf32>,
        %swap3A_567 = vector.shape_cast %swap3A_566 : vector<16xf32> to vector<16xf32>
        %swap3A_568 = vector.shape_cast %div3A_564 : vector<16xf32> to vector<16xf32>
        tpu.vector_store %arg8[%swap3A_565], %swap3A_568 {strides = array<i32>} : memref<16384xf32, #tpu.memory_space<vmem>>, vector<16xf32>,
        %add3A_569 = arith.constant 176 : i32
        %add3A_570 = arith.addi %mul3A_363, %add3A_569 : i32
        %get3A_571 = arith.index_cast %add3A_570 : i32 to index
        %get3A_572 = tpu.vector_load %arg4[%get3A_571] {strides = array<i32>} : memref<16384xf32, #tpu.memory_space<vmem>>, vector<16xf32>,
        %get3A_573 = vector.shape_cast %get3A_572 : vector<16xf32> to vector<16xf32>
        %neg3A_574 = arith.constant 0.000000e+00 : f32
        %neg3A_575 = vector.broadcast %neg3A_574 : f32 to vector<16xf32>
        %neg3A_576 = arith.subf %neg3A_575, %get3A_573 : vector<16xf32>
        %exp3A_577 = math.exp %neg3A_576 : vector<16xf32>
        %add3A_578 = arith.constant 1.000000e+00 : f32
        %add3A_579 = vector.broadcast %add3A_578 : f32 to vector<16xf32>
        %add3A_580 = arith.addf %add3A_579, %exp3A_577 : vector<16xf32>
        %div3A_581 = arith.constant 1.000000e+00 : f32
        %div3A_582 = vector.broadcast %div3A_581 : f32 to vector<16xf32>
        %div3A_583 = arith.divf %div3A_582, %add3A_580 : vector<16xf32>
        %swap3A_584 = arith.index_cast %add3A_570 : i32 to index
        %swap3A_585 = tpu.vector_load %arg8[%swap3A_584] {strides = array<i32>} : memref<16384xf32, #tpu.memory_space<vmem>>, vector<16xf32>,
        %swap3A_586 = vector.shape_cast %swap3A_585 : vector<16xf32> to vector<16xf32>
        %swap3A_587 = vector.shape_cast %div3A_583 : vector<16xf32> to vector<16xf32>
        tpu.vector_store %arg8[%swap3A_584], %swap3A_587 {strides = array<i32>} : memref<16384xf32, #tpu.memory_space<vmem>>, vector<16xf32>,
        %add3A_588 = arith.constant 192 : i32
        %add3A_589 = arith.addi %mul3A_363, %add3A_588 : i32
        %get3A_590 = arith.index_cast %add3A_589 : i32 to index
        %get3A_591 = tpu.vector_load %arg4[%get3A_590] {strides = array<i32>} : memref<16384xf32, #tpu.memory_space<vmem>>, vector<16xf32>,
        %get3A_592 = vector.shape_cast %get3A_591 : vector<16xf32> to vector<16xf32>
        %neg3A_593 = arith.constant 0.000000e+00 : f32
        %neg3A_594 = vector.broadcast %neg3A_593 : f32 to vector<16xf32>
        %neg3A_595 = arith.subf %neg3A_594, %get3A_592 : vector<16xf32>
        %exp3A_596 = math.exp %neg3A_595 : vector<16xf32>
        %add3A_597 = arith.constant 1.000000e+00 : f32
        %add3A_598 = vector.broadcast %add3A_597 : f32 to vector<16xf32>
        %add3A_599 = arith.addf %add3A_598, %exp3A_596 : vector<16xf32>
        %div3A_600 = arith.constant 1.000000e+00 : f32
        %div3A_601 = vector.broadcast %div3A_600 : f32 to vector<16xf32>
        %div3A_602 = arith.divf %div3A_601, %add3A_599 : vector<16xf32>
        %swap3A_603 = arith.index_cast %add3A_589 : i32 to index
        %swap3A_604 = tpu.vector_load %arg8[%swap3A_603] {strides = array<i32>} : memref<16384xf32, #tpu.memory_space<vmem>>, vector<16xf32>,
        %swap3A_605 = vector.shape_cast %swap3A_604 : vector<16xf32> to vector<16xf32>
        %swap3A_606 = vector.shape_cast %div3A_602 : vector<16xf32> to vector<16xf32>
        tpu.vector_store %arg8[%swap3A_603], %swap3A_606 {strides = array<i32>} : memref<16384xf32, #tpu.memory_space<vmem>>, vector<16xf32>,
        %add3A_607 = arith.constant 208 : i32
        %add3A_608 = arith.addi %mul3A_363, %add3A_607 : i32
        %get3A_609 = arith.index_cast %add3A_608 : i32 to index
        %get3A_610 = tpu.vector_load %arg4[%get3A_609] {strides = array<i32>} : memref<16384xf32, #tpu.memory_space<vmem>>, vector<16xf32>,
        %get3A_611 = vector.shape_cast %get3A_610 : vector<16xf32> to vector<16xf32>
        %neg3A_612 = arith.constant 0.000000e+00 : f32
        %neg3A_613 = vector.broadcast %neg3A_612 : f32 to vector<16xf32>
        %neg3A_614 = arith.subf %neg3A_613, %get3A_611 : vector<16xf32>
        %exp3A_615 = math.exp %neg3A_614 : vector<16xf32>
        %add3A_616 = arith.constant 1.000000e+00 : f32
        %add3A_617 = vector.broadcast %add3A_616 : f32 to vector<16xf32>
        %add3A_618 = arith.addf %add3A_617, %exp3A_615 : vector<16xf32>
        %div3A_619 = arith.constant 1.000000e+00 : f32
        %div3A_620 = vector.broadcast %div3A_619 : f32 to vector<16xf32>
        %div3A_621 = arith.divf %div3A_620, %add3A_618 : vector<16xf32>
        %swap3A_622 = arith.index_cast %add3A_608 : i32 to index
        %swap3A_623 = tpu.vector_load %arg8[%swap3A_622] {strides = array<i32>} : memref<16384xf32, #tpu.memory_space<vmem>>, vector<16xf32>,
        %swap3A_624 = vector.shape_cast %swap3A_623 : vector<16xf32> to vector<16xf32>
        %swap3A_625 = vector.shape_cast %div3A_621 : vector<16xf32> to vector<16xf32>
        tpu.vector_store %arg8[%swap3A_622], %swap3A_625 {strides = array<i32>} : memref<16384xf32, #tpu.memory_space<vmem>>, vector<16xf32>,
        %add3A_626 = arith.constant 224 : i32
        %add3A_627 = arith.addi %mul3A_363, %add3A_626 : i32
        %get3A_628 = arith.index_cast %add3A_627 : i32 to index
        %get3A_629 = tpu.vector_load %arg4[%get3A_628] {strides = array<i32>} : memref<16384xf32, #tpu.memory_space<vmem>>, vector<16xf32>,
        %get3A_630 = vector.shape_cast %get3A_629 : vector<16xf32> to vector<16xf32>
        %neg3A_631 = arith.constant 0.000000e+00 : f32
        %neg3A_632 = vector.broadcast %neg3A_631 : f32 to vector<16xf32>
        %neg3A_633 = arith.subf %neg3A_632, %get3A_630 : vector<16xf32>
        %exp3A_634 = math.exp %neg3A_633 : vector<16xf32>
        %add3A_635 = arith.constant 1.000000e+00 : f32
        %add3A_636 = vector.broadcast %add3A_635 : f32 to vector<16xf32>
        %add3A_637 = arith.addf %add3A_636, %exp3A_634 : vector<16xf32>
        %div3A_638 = arith.constant 1.000000e+00 : f32
        %div3A_639 = vector.broadcast %div3A_638 : f32 to vector<16xf32>
        %div3A_640 = arith.divf %div3A_639, %add3A_637 : vector<16xf32>
        %swap3A_641 = arith.index_cast %add3A_627 : i32 to index
        %swap3A_642 = tpu.vector_load %arg8[%swap3A_641] {strides = array<i32>} : memref<16384xf32, #tpu.memory_space<vmem>>, vector<16xf32>,
        %swap3A_643 = vector.shape_cast %swap3A_642 : vector<16xf32> to vector<16xf32>
        %swap3A_644 = vector.shape_cast %div3A_640 : vector<16xf32> to vector<16xf32>
        tpu.vector_store %arg8[%swap3A_641], %swap3A_644 {strides = array<i32>} : memref<16384xf32, #tpu.memory_space<vmem>>, vector<16xf32>,
        %add3A_645 = arith.constant 240 : i32
        %add3A_646 = arith.addi %mul3A_363, %add3A_645 : i32
        %get3A_647 = arith.index_cast %add3A_646 : i32 to index
        %get3A_648 = tpu.vector_load %arg4[%get3A_647] {strides = array<i32>} : memref<16384xf32, #tpu.memory_space<vmem>>, vector<16xf32>,
        %get3A_649 = vector.shape_cast %get3A_648 : vector<16xf32> to vector<16xf32>
        %neg3A_650 = arith.constant 0.000000e+00 : f32
        %neg3A_651 = vector.broadcast %neg3A_650 : f32 to vector<16xf32>
        %neg3A_652 = arith.subf %neg3A_651, %get3A_649 : vector<16xf32>
        %exp3A_653 = math.exp %neg3A_652 : vector<16xf32>
        %add3A_654 = arith.constant 1.000000e+00 : f32
        %add3A_655 = vector.broadcast %add3A_654 : f32 to vector<16xf32>
        %add3A_656 = arith.addf %add3A_655, %exp3A_653 : vector<16xf32>
        %div3A_657 = arith.constant 1.000000e+00 : f32
        %div3A_658 = vector.broadcast %div3A_657 : f32 to vector<16xf32>
        %div3A_659 = arith.divf %div3A_658, %add3A_656 : vector<16xf32>
        %swap3A_660 = arith.index_cast %add3A_646 : i32 to index
        %swap3A_661 = tpu.vector_load %arg8[%swap3A_660] {strides = array<i32>} : memref<16384xf32, #tpu.memory_space<vmem>>, vector<16xf32>,
        %swap3A_662 = vector.shape_cast %swap3A_661 : vector<16xf32> to vector<16xf32>
        %swap3A_663 = vector.shape_cast %div3A_659 : vector<16xf32> to vector<16xf32>
        tpu.vector_store %arg8[%swap3A_660], %swap3A_663 {strides = array<i32>} : memref<16384xf32, #tpu.memory_space<vmem>>, vector<16xf32>,
        %add3A_664 = arith.constant 256 : i32
        %add3A_665 = arith.addi %mul3A_363, %add3A_664 : i32
        %get3A_666 = arith.index_cast %add3A_665 : i32 to index
        %get3A_667 = tpu.vector_load %arg4[%get3A_666] {strides = array<i32>} : memref<16384xf32, #tpu.memory_space<vmem>>, vector<16xf32>,
        %get3A_668 = vector.shape_cast %get3A_667 : vector<16xf32> to vector<16xf32>
        %neg3A_669 = arith.constant 0.000000e+00 : f32
        %neg3A_670 = vector.broadcast %neg3A_669 : f32 to vector<16xf32>
        %neg3A_671 = arith.subf %neg3A_670, %get3A_668 : vector<16xf32>
        %exp3A_672 = math.exp %neg3A_671 : vector<16xf32>
        %add3A_673 = arith.constant 1.000000e+00 : f32
        %add3A_674 = vector.broadcast %add3A_673 : f32 to vector<16xf32>
        %add3A_675 = arith.addf %add3A_674, %exp3A_672 : vector<16xf32>
        %div3A_676 = arith.constant 1.000000e+00 : f32
        %div3A_677 = vector.broadcast %div3A_676 : f32 to vector<16xf32>
        %div3A_678 = arith.divf %div3A_677, %add3A_675 : vector<16xf32>
        %swap3A_679 = arith.index_cast %add3A_665 : i32 to index
        %swap3A_680 = tpu.vector_load %arg8[%swap3A_679] {strides = array<i32>} : memref<16384xf32, #tpu.memory_space<vmem>>, vector<16xf32>,
        %swap3A_681 = vector.shape_cast %swap3A_680 : vector<16xf32> to vector<16xf32>
        %swap3A_682 = vector.shape_cast %div3A_678 : vector<16xf32> to vector<16xf32>
        tpu.vector_store %arg8[%swap3A_679], %swap3A_682 {strides = array<i32>} : memref<16384xf32, #tpu.memory_space<vmem>>, vector<16xf32>,
        %add3A_683 = arith.constant 272 : i32
        %add3A_684 = arith.addi %mul3A_363, %add3A_683 : i32
        %get3A_685 = arith.index_cast %add3A_684 : i32 to index
        %get3A_686 = tpu.vector_load %arg4[%get3A_685] {strides = array<i32>} : memref<16384xf32, #tpu.memory_space<vmem>>, vector<16xf32>,
        %get3A_687 = vector.shape_cast %get3A_686 : vector<16xf32> to vector<16xf32>
        %neg3A_688 = arith.constant 0.000000e+00 : f32
        %neg3A_689 = vector.broadcast %neg3A_688 : f32 to vector<16xf32>
        %neg3A_690 = arith.subf %neg3A_689, %get3A_687 : vector<16xf32>
        %exp3A_691 = math.exp %neg3A_690 : vector<16xf32>
        %add3A_692 = arith.constant 1.000000e+00 : f32
        %add3A_693 = vector.broadcast %add3A_692 : f32 to vector<16xf32>
        %add3A_694 = arith.addf %add3A_693, %exp3A_691 : vector<16xf32>
        %div3A_695 = arith.constant 1.000000e+00 : f32
        %div3A_696 = vector.broadcast %div3A_695 : f32 to vector<16xf32>
        %div3A_697 = arith.divf %div3A_696, %add3A_694 : vector<16xf32>
        %swap3A_698 = arith.index_cast %add3A_684 : i32 to index
        %swap3A_699 = tpu.vector_load %arg8[%swap3A_698] {strides = array<i32>} : memref<16384xf32, #tpu.memory_space<vmem>>, vector<16xf32>,
        %swap3A_700 = vector.shape_cast %swap3A_699 : vector<16xf32> to vector<16xf32>
        %swap3A_701 = vector.shape_cast %div3A_697 : vector<16xf32> to vector<16xf32>
        tpu.vector_store %arg8[%swap3A_698], %swap3A_701 {strides = array<i32>} : memref<16384xf32, #tpu.memory_space<vmem>>, vector<16xf32>,
        %add3A_702 = arith.constant 288 : i32
        %add3A_703 = arith.addi %mul3A_363, %add3A_702 : i32
        %get3A_704 = arith.index_cast %add3A_703 : i32 to index
        %get3A_705 = tpu.vector_load %arg4[%get3A_704] {strides = array<i32>} : memref<16384xf32, #tpu.memory_space<vmem>>, vector<16xf32>,
        %get3A_706 = vector.shape_cast %get3A_705 : vector<16xf32> to vector<16xf32>
        %neg3A_707 = arith.constant 0.000000e+00 : f32
        %neg3A_708 = vector.broadcast %neg3A_707 : f32 to vector<16xf32>
        %neg3A_709 = arith.subf %neg3A_708, %get3A_706 : vector<16xf32>
        %exp3A_710 = math.exp %neg3A_709 : vector<16xf32>
        %add3A_711 = arith.constant 1.000000e+00 : f32
        %add3A_712 = vector.broadcast %add3A_711 : f32 to vector<16xf32>
        %add3A_713 = arith.addf %add3A_712, %exp3A_710 : vector<16xf32>
        %div3A_714 = arith.constant 1.000000e+00 : f32
        %div3A_715 = vector.broadcast %div3A_714 : f32 to vector<16xf32>
        %div3A_716 = arith.divf %div3A_715, %add3A_713 : vector<16xf32>
        %swap3A_717 = arith.index_cast %add3A_703 : i32 to index
        %swap3A_718 = tpu.vector_load %arg8[%swap3A_717] {strides = array<i32>} : memref<16384xf32, #tpu.memory_space<vmem>>, vector<16xf32>,
        %swap3A_719 = vector.shape_cast %swap3A_718 : vector<16xf32> to vector<16xf32>
        %swap3A_720 = vector.shape_cast %div3A_716 : vector<16xf32> to vector<16xf32>
        tpu.vector_store %arg8[%swap3A_717], %swap3A_720 {strides = array<i32>} : memref<16384xf32, #tpu.memory_space<vmem>>, vector<16xf32>,
        %add3A_721 = arith.constant 304 : i32
        %add3A_722 = arith.addi %mul3A_363, %add3A_721 : i32
        %get3A_723 = arith.index_cast %add3A_722 : i32 to index
        %get3A_724 = tpu.vector_load %arg4[%get3A_723] {strides = array<i32>} : memref<16384xf32, #tpu.memory_space<vmem>>, vector<16xf32>,
        %get3A_725 = vector.shape_cast %get3A_724 : vector<16xf32> to vector<16xf32>
        %neg3A_726 = arith.constant 0.000000e+00 : f32
        %neg3A_727 = vector.broadcast %neg3A_726 : f32 to vector<16xf32>
        %neg3A_728 = arith.subf %neg3A_727, %get3A_725 : vector<16xf32>
        %exp3A_729 = math.exp %neg3A_728 : vector<16xf32>
        %add3A_730 = arith.constant 1.000000e+00 : f32
        %add3A_731 = vector.broadcast %add3A_730 : f32 to vector<16xf32>
        %add3A_732 = arith.addf %add3A_731, %exp3A_729 : vector<16xf32>
        %div3A_733 = arith.constant 1.000000e+00 : f32
        %div3A_734 = vector.broadcast %div3A_733 : f32 to vector<16xf32>
        %div3A_735 = arith.divf %div3A_734, %add3A_732 : vector<16xf32>
        %swap3A_736 = arith.index_cast %add3A_722 : i32 to index
        %swap3A_737 = tpu.vector_load %arg8[%swap3A_736] {strides = array<i32>} : memref<16384xf32, #tpu.memory_space<vmem>>, vector<16xf32>,
        %swap3A_738 = vector.shape_cast %swap3A_737 : vector<16xf32> to vector<16xf32>
        %swap3A_739 = vector.shape_cast %div3A_735 : vector<16xf32> to vector<16xf32>
        tpu.vector_store %arg8[%swap3A_736], %swap3A_739 {strides = array<i32>} : memref<16384xf32, #tpu.memory_space<vmem>>, vector<16xf32>,
        %add3A_740 = arith.constant 320 : i32
        %add3A_741 = arith.addi %mul3A_363, %add3A_740 : i32
        %get3A_742 = arith.index_cast %add3A_741 : i32 to index
        %get3A_743 = tpu.vector_load %arg4[%get3A_742] {strides = array<i32>} : memref<16384xf32, #tpu.memory_space<vmem>>, vector<16xf32>,
        %get3A_744 = vector.shape_cast %get3A_743 : vector<16xf32> to vector<16xf32>
        %neg3A_745 = arith.constant 0.000000e+00 : f32
        %neg3A_746 = vector.broadcast %neg3A_745 : f32 to vector<16xf32>
        %neg3A_747 = arith.subf %neg3A_746, %get3A_744 : vector<16xf32>
        %exp3A_748 = math.exp %neg3A_747 : vector<16xf32>
        %add3A_749 = arith.constant 1.000000e+00 : f32
        %add3A_750 = vector.broadcast %add3A_749 : f32 to vector<16xf32>
        %add3A_751 = arith.addf %add3A_750, %exp3A_748 : vector<16xf32>
        %div3A_752 = arith.constant 1.000000e+00 : f32
        %div3A_753 = vector.broadcast %div3A_752 : f32 to vector<16xf32>
        %div3A_754 = arith.divf %div3A_753, %add3A_751 : vector<16xf32>
        %swap3A_755 = arith.index_cast %add3A_741 : i32 to index
        %swap3A_756 = tpu.vector_load %arg8[%swap3A_755] {strides = array<i32>} : memref<16384xf32, #tpu.memory_space<vmem>>, vector<16xf32>,
        %swap3A_757 = vector.shape_cast %swap3A_756 : vector<16xf32> to vector<16xf32>
        %swap3A_758 = vector.shape_cast %div3A_754 : vector<16xf32> to vector<16xf32>
        tpu.vector_store %arg8[%swap3A_755], %swap3A_758 {strides = array<i32>} : memref<16384xf32, #tpu.memory_space<vmem>>, vector<16xf32>,
        %add3A_759 = arith.constant 336 : i32
        %add3A_760 = arith.addi %mul3A_363, %add3A_759 : i32
        %get3A_761 = arith.index_cast %add3A_760 : i32 to index
        %get3A_762 = tpu.vector_load %arg4[%get3A_761] {strides = array<i32>} : memref<16384xf32, #tpu.memory_space<vmem>>, vector<16xf32>,
        %get3A_763 = vector.shape_cast %get3A_762 : vector<16xf32> to vector<16xf32>
        %neg3A_764 = arith.constant 0.000000e+00 : f32
        %neg3A_765 = vector.broadcast %neg3A_764 : f32 to vector<16xf32>
        %neg3A_766 = arith.subf %neg3A_765, %get3A_763 : vector<16xf32>
        %exp3A_767 = math.exp %neg3A_766 : vector<16xf32>
        %add3A_768 = arith.constant 1.000000e+00 : f32
        %add3A_769 = vector.broadcast %add3A_768 : f32 to vector<16xf32>
        %add3A_770 = arith.addf %add3A_769, %exp3A_767 : vector<16xf32>
        %div3A_771 = arith.constant 1.000000e+00 : f32
        %div3A_772 = vector.broadcast %div3A_771 : f32 to vector<16xf32>
        %div3A_773 = arith.divf %div3A_772, %add3A_770 : vector<16xf32>
        %swap3A_774 = arith.index_cast %add3A_760 : i32 to index
        %swap3A_775 = tpu.vector_load %arg8[%swap3A_774] {strides = array<i32>} : memref<16384xf32, #tpu.memory_space<vmem>>, vector<16xf32>,
        %swap3A_776 = vector.shape_cast %swap3A_775 : vector<16xf32> to vector<16xf32>
        %swap3A_777 = vector.shape_cast %div3A_773 : vector<16xf32> to vector<16xf32>
        tpu.vector_store %arg8[%swap3A_774], %swap3A_777 {strides = array<i32>} : memref<16384xf32, #tpu.memory_space<vmem>>, vector<16xf32>,
        %add3A_778 = arith.constant 352 : i32
        %add3A_779 = arith.addi %mul3A_363, %add3A_778 : i32
        %get3A_780 = arith.index_cast %add3A_779 : i32 to index
        %get3A_781 = tpu.vector_load %arg4[%get3A_780] {strides = array<i32>} : memref<16384xf32, #tpu.memory_space<vmem>>, vector<16xf32>,
        %get3A_782 = vector.shape_cast %get3A_781 : vector<16xf32> to vector<16xf32>
        %neg3A_783 = arith.constant 0.000000e+00 : f32
        %neg3A_784 = vector.broadcast %neg3A_783 : f32 to vector<16xf32>
        %neg3A_785 = arith.subf %neg3A_784, %get3A_782 : vector<16xf32>
        %exp3A_786 = math.exp %neg3A_785 : vector<16xf32>
        %add3A_787 = arith.constant 1.000000e+00 : f32
        %add3A_788 = vector.broadcast %add3A_787 : f32 to vector<16xf32>
        %add3A_789 = arith.addf %add3A_788, %exp3A_786 : vector<16xf32>
        %div3A_790 = arith.constant 1.000000e+00 : f32
        %div3A_791 = vector.broadcast %div3A_790 : f32 to vector<16xf32>
        %div3A_792 = arith.divf %div3A_791, %add3A_789 : vector<16xf32>
        %swap3A_793 = arith.index_cast %add3A_779 : i32 to index
        %swap3A_794 = tpu.vector_load %arg8[%swap3A_793] {strides = array<i32>} : memref<16384xf32, #tpu.memory_space<vmem>>, vector<16xf32>,
        %swap3A_795 = vector.shape_cast %swap3A_794 : vector<16xf32> to vector<16xf32>
        %swap3A_796 = vector.shape_cast %div3A_792 : vector<16xf32> to vector<16xf32>
        tpu.vector_store %arg8[%swap3A_793], %swap3A_796 {strides = array<i32>} : memref<16384xf32, #tpu.memory_space<vmem>>, vector<16xf32>,
        %add3A_797 = arith.constant 368 : i32
        %add3A_798 = arith.addi %mul3A_363, %add3A_797 : i32
        %get3A_799 = arith.index_cast %add3A_798 : i32 to index
        %get3A_800 = tpu.vector_load %arg4[%get3A_799] {strides = array<i32>} : memref<16384xf32, #tpu.memory_space<vmem>>, vector<16xf32>,
        %get3A_801 = vector.shape_cast %get3A_800 : vector<16xf32> to vector<16xf32>
        %neg3A_802 = arith.constant 0.000000e+00 : f32
        %neg3A_803 = vector.broadcast %neg3A_802 : f32 to vector<16xf32>
        %neg3A_804 = arith.subf %neg3A_803, %get3A_801 : vector<16xf32>
        %exp3A_805 = math.exp %neg3A_804 : vector<16xf32>
        %add3A_806 = arith.constant 1.000000e+00 : f32
        %add3A_807 = vector.broadcast %add3A_806 : f32 to vector<16xf32>
        %add3A_808 = arith.addf %add3A_807, %exp3A_805 : vector<16xf32>
        %div3A_809 = arith.constant 1.000000e+00 : f32
        %div3A_810 = vector.broadcast %div3A_809 : f32 to vector<16xf32>
        %div3A_811 = arith.divf %div3A_810, %add3A_808 : vector<16xf32>
        %swap3A_812 = arith.index_cast %add3A_798 : i32 to index
        %swap3A_813 = tpu.vector_load %arg8[%swap3A_812] {strides = array<i32>} : memref<16384xf32, #tpu.memory_space<vmem>>, vector<16xf32>,
        %swap3A_814 = vector.shape_cast %swap3A_813 : vector<16xf32> to vector<16xf32>
        %swap3A_815 = vector.shape_cast %div3A_811 : vector<16xf32> to vector<16xf32>
        tpu.vector_store %arg8[%swap3A_812], %swap3A_815 {strides = array<i32>} : memref<16384xf32, #tpu.memory_space<vmem>>, vector<16xf32>,
        %add3A_816 = arith.constant 384 : i32
        %add3A_817 = arith.addi %mul3A_363, %add3A_816 : i32
        %get3A_818 = arith.index_cast %add3A_817 : i32 to index
        %get3A_819 = tpu.vector_load %arg4[%get3A_818] {strides = array<i32>} : memref<16384xf32, #tpu.memory_space<vmem>>, vector<16xf32>,
        %get3A_820 = vector.shape_cast %get3A_819 : vector<16xf32> to vector<16xf32>
        %neg3A_821 = arith.constant 0.000000e+00 : f32
        %neg3A_822 = vector.broadcast %neg3A_821 : f32 to vector<16xf32>
        %neg3A_823 = arith.subf %neg3A_822, %get3A_820 : vector<16xf32>
        %exp3A_824 = math.exp %neg3A_823 : vector<16xf32>
        %add3A_825 = arith.constant 1.000000e+00 : f32
        %add3A_826 = vector.broadcast %add3A_825 : f32 to vector<16xf32>
        %add3A_827 = arith.addf %add3A_826, %exp3A_824 : vector<16xf32>
        %div3A_828 = arith.constant 1.000000e+00 : f32
        %div3A_829 = vector.broadcast %div3A_828 : f32 to vector<16xf32>
        %div3A_830 = arith.divf %div3A_829, %add3A_827 : vector<16xf32>
        %swap3A_831 = arith.index_cast %add3A_817 : i32 to index
        %swap3A_832 = tpu.vector_load %arg8[%swap3A_831] {strides = array<i32>} : memref<16384xf32, #tpu.memory_space<vmem>>, vector<16xf32>,
        %swap3A_833 = vector.shape_cast %swap3A_832 : vector<16xf32> to vector<16xf32>
        %swap3A_834 = vector.shape_cast %div3A_830 : vector<16xf32> to vector<16xf32>
        tpu.vector_store %arg8[%swap3A_831], %swap3A_834 {strides = array<i32>} : memref<16384xf32, #tpu.memory_space<vmem>>, vector<16xf32>,
        %add3A_835 = arith.constant 400 : i32
        %add3A_836 = arith.addi %mul3A_363, %add3A_835 : i32
        %get3A_837 = arith.index_cast %add3A_836 : i32 to index
        %get3A_838 = tpu.vector_load %arg4[%get3A_837] {strides = array<i32>} : memref<16384xf32, #tpu.memory_space<vmem>>, vector<16xf32>,
        %get3A_839 = vector.shape_cast %get3A_838 : vector<16xf32> to vector<16xf32>
        %neg3A_840 = arith.constant 0.000000e+00 : f32
        %neg3A_841 = vector.broadcast %neg3A_840 : f32 to vector<16xf32>
        %neg3A_842 = arith.subf %neg3A_841, %get3A_839 : vector<16xf32>
        %exp3A_843 = math.exp %neg3A_842 : vector<16xf32>
        %add3A_844 = arith.constant 1.000000e+00 : f32
        %add3A_845 = vector.broadcast %add3A_844 : f32 to vector<16xf32>
        %add3A_846 = arith.addf %add3A_845, %exp3A_843 : vector<16xf32>
        %div3A_847 = arith.constant 1.000000e+00 : f32
        %div3A_848 = vector.broadcast %div3A_847 : f32 to vector<16xf32>
        %div3A_849 = arith.divf %div3A_848, %add3A_846 : vector<16xf32>
        %swap3A_850 = arith.index_cast %add3A_836 : i32 to index
        %swap3A_851 = tpu.vector_load %arg8[%swap3A_850] {strides = array<i32>} : memref<16384xf32, #tpu.memory_space<vmem>>, vector<16xf32>,
        %swap3A_852 = vector.shape_cast %swap3A_851 : vector<16xf32> to vector<16xf32>
        %swap3A_853 = vector.shape_cast %div3A_849 : vector<16xf32> to vector<16xf32>
        tpu.vector_store %arg8[%swap3A_850], %swap3A_853 {strides = array<i32>} : memref<16384xf32, #tpu.memory_space<vmem>>, vector<16xf32>,
        %add3A_854 = arith.constant 416 : i32
        %add3A_855 = arith.addi %mul3A_363, %add3A_854 : i32
        %get3A_856 = arith.index_cast %add3A_855 : i32 to index
        %get3A_857 = tpu.vector_load %arg4[%get3A_856] {strides = array<i32>} : memref<16384xf32, #tpu.memory_space<vmem>>, vector<16xf32>,
        %get3A_858 = vector.shape_cast %get3A_857 : vector<16xf32> to vector<16xf32>
        %neg3A_859 = arith.constant 0.000000e+00 : f32
        %neg3A_860 = vector.broadcast %neg3A_859 : f32 to vector<16xf32>
        %neg3A_861 = arith.subf %neg3A_860, %get3A_858 : vector<16xf32>
        %exp3A_862 = math.exp %neg3A_861 : vector<16xf32>
        %add3A_863 = arith.constant 1.000000e+00 : f32
        %add3A_864 = vector.broadcast %add3A_863 : f32 to vector<16xf32>
        %add3A_865 = arith.addf %add3A_864, %exp3A_862 : vector<16xf32>
        %div3A_866 = arith.constant 1.000000e+00 : f32
        %div3A_867 = vector.broadcast %div3A_866 : f32 to vector<16xf32>
        %div3A_868 = arith.divf %div3A_867, %add3A_865 : vector<16xf32>
        %swap3A_869 = arith.index_cast %add3A_855 : i32 to index
        %swap3A_870 = tpu.vector_load %arg8[%swap3A_869] {strides = array<i32>} : memref<16384xf32, #tpu.memory_space<vmem>>, vector<16xf32>,
        %swap3A_871 = vector.shape_cast %swap3A_870 : vector<16xf32> to vector<16xf32>
        %swap3A_872 = vector.shape_cast %div3A_868 : vector<16xf32> to vector<16xf32>
        tpu.vector_store %arg8[%swap3A_869], %swap3A_872 {strides = array<i32>} : memref<16384xf32, #tpu.memory_space<vmem>>, vector<16xf32>,
        %add3A_873 = arith.constant 432 : i32
        %add3A_874 = arith.addi %mul3A_363, %add3A_873 : i32
        %get3A_875 = arith.index_cast %add3A_874 : i32 to index
        %get3A_876 = tpu.vector_load %arg4[%get3A_875] {strides = array<i32>} : memref<16384xf32, #tpu.memory_space<vmem>>, vector<16xf32>,
        %get3A_877 = vector.shape_cast %get3A_876 : vector<16xf32> to vector<16xf32>
        %neg3A_878 = arith.constant 0.000000e+00 : f32
        %neg3A_879 = vector.broadcast %neg3A_878 : f32 to vector<16xf32>
        %neg3A_880 = arith.subf %neg3A_879, %get3A_877 : vector<16xf32>
        %exp3A_881 = math.exp %neg3A_880 : vector<16xf32>
        %add3A_882 = arith.constant 1.000000e+00 : f32
        %add3A_883 = vector.broadcast %add3A_882 : f32 to vector<16xf32>
        %add3A_884 = arith.addf %add3A_883, %exp3A_881 : vector<16xf32>
        %div3A_885 = arith.constant 1.000000e+00 : f32
        %div3A_886 = vector.broadcast %div3A_885 : f32 to vector<16xf32>
        %div3A_887 = arith.divf %div3A_886, %add3A_884 : vector<16xf32>
        %swap3A_888 = arith.index_cast %add3A_874 : i32 to index
        %swap3A_889 = tpu.vector_load %arg8[%swap3A_888] {strides = array<i32>} : memref<16384xf32, #tpu.memory_space<vmem>>, vector<16xf32>,
        %swap3A_890 = vector.shape_cast %swap3A_889 : vector<16xf32> to vector<16xf32>
        %swap3A_891 = vector.shape_cast %div3A_887 : vector<16xf32> to vector<16xf32>
        tpu.vector_store %arg8[%swap3A_888], %swap3A_891 {strides = array<i32>} : memref<16384xf32, #tpu.memory_space<vmem>>, vector<16xf32>,
        %add3A_892 = arith.constant 448 : i32
        %add3A_893 = arith.addi %mul3A_363, %add3A_892 : i32
        %get3A_894 = arith.index_cast %add3A_893 : i32 to index
        %get3A_895 = tpu.vector_load %arg4[%get3A_894] {strides = array<i32>} : memref<16384xf32, #tpu.memory_space<vmem>>, vector<16xf32>,
        %get3A_896 = vector.shape_cast %get3A_895 : vector<16xf32> to vector<16xf32>
        %neg3A_897 = arith.constant 0.000000e+00 : f32
        %neg3A_898 = vector.broadcast %neg3A_897 : f32 to vector<16xf32>
        %neg3A_899 = arith.subf %neg3A_898, %get3A_896 : vector<16xf32>
        %exp3A_900 = math.exp %neg3A_899 : vector<16xf32>
        %add3A_901 = arith.constant 1.000000e+00 : f32
        %add3A_902 = vector.broadcast %add3A_901 : f32 to vector<16xf32>
        %add3A_903 = arith.addf %add3A_902, %exp3A_900 : vector<16xf32>
        %div3A_904 = arith.constant 1.000000e+00 : f32
        %div3A_905 = vector.broadcast %div3A_904 : f32 to vector<16xf32>
        %div3A_906 = arith.divf %div3A_905, %add3A_903 : vector<16xf32>
        %swap3A_907 = arith.index_cast %add3A_893 : i32 to index
        %swap3A_908 = tpu.vector_load %arg8[%swap3A_907] {strides = array<i32>} : memref<16384xf32, #tpu.memory_space<vmem>>, vector<16xf32>,
        %swap3A_909 = vector.shape_cast %swap3A_908 : vector<16xf32> to vector<16xf32>
        %swap3A_910 = vector.shape_cast %div3A_906 : vector<16xf32> to vector<16xf32>
        tpu.vector_store %arg8[%swap3A_907], %swap3A_910 {strides = array<i32>} : memref<16384xf32, #tpu.memory_space<vmem>>, vector<16xf32>,
        %add3A_911 = arith.constant 464 : i32
        %add3A_912 = arith.addi %mul3A_363, %add3A_911 : i32
        %get3A_913 = arith.index_cast %add3A_912 : i32 to index
        %get3A_914 = tpu.vector_load %arg4[%get3A_913] {strides = array<i32>} : memref<16384xf32, #tpu.memory_space<vmem>>, vector<16xf32>,
        %get3A_915 = vector.shape_cast %get3A_914 : vector<16xf32> to vector<16xf32>
        %neg3A_916 = arith.constant 0.000000e+00 : f32
        %neg3A_917 = vector.broadcast %neg3A_916 : f32 to vector<16xf32>
        %neg3A_918 = arith.subf %neg3A_917, %get3A_915 : vector<16xf32>
        %exp3A_919 = math.exp %neg3A_918 : vector<16xf32>
        %add3A_920 = arith.constant 1.000000e+00 : f32
        %add3A_921 = vector.broadcast %add3A_920 : f32 to vector<16xf32>
        %add3A_922 = arith.addf %add3A_921, %exp3A_919 : vector<16xf32>
        %div3A_923 = arith.constant 1.000000e+00 : f32
        %div3A_924 = vector.broadcast %div3A_923 : f32 to vector<16xf32>
        %div3A_925 = arith.divf %div3A_924, %add3A_922 : vector<16xf32>
        %swap3A_926 = arith.index_cast %add3A_912 : i32 to index
        %swap3A_927 = tpu.vector_load %arg8[%swap3A_926] {strides = array<i32>} : memref<16384xf32, #tpu.memory_space<vmem>>, vector<16xf32>,
        %swap3A_928 = vector.shape_cast %swap3A_927 : vector<16xf32> to vector<16xf32>
        %swap3A_929 = vector.shape_cast %div3A_925 : vector<16xf32> to vector<16xf32>
        tpu.vector_store %arg8[%swap3A_926], %swap3A_929 {strides = array<i32>} : memref<16384xf32, #tpu.memory_space<vmem>>, vector<16xf32>,
        %add3A_930 = arith.constant 480 : i32
        %add3A_931 = arith.addi %mul3A_363, %add3A_930 : i32
        %get3A_932 = arith.index_cast %add3A_931 : i32 to index
        %get3A_933 = tpu.vector_load %arg4[%get3A_932] {strides = array<i32>} : memref<16384xf32, #tpu.memory_space<vmem>>, vector<16xf32>,
        %get3A_934 = vector.shape_cast %get3A_933 : vector<16xf32> to vector<16xf32>
        %neg3A_935 = arith.constant 0.000000e+00 : f32
        %neg3A_936 = vector.broadcast %neg3A_935 : f32 to vector<16xf32>
        %neg3A_937 = arith.subf %neg3A_936, %get3A_934 : vector<16xf32>
        %exp3A_938 = math.exp %neg3A_937 : vector<16xf32>
        %add3A_939 = arith.constant 1.000000e+00 : f32
        %add3A_940 = vector.broadcast %add3A_939 : f32 to vector<16xf32>
        %add3A_941 = arith.addf %add3A_940, %exp3A_938 : vector<16xf32>
        %div3A_942 = arith.constant 1.000000e+00 : f32
        %div3A_943 = vector.broadcast %div3A_942 : f32 to vector<16xf32>
        %div3A_944 = arith.divf %div3A_943, %add3A_941 : vector<16xf32>
        %swap3A_945 = arith.index_cast %add3A_931 : i32 to index
        %swap3A_946 = tpu.vector_load %arg8[%swap3A_945] {strides = array<i32>} : memref<16384xf32, #tpu.memory_space<vmem>>, vector<16xf32>,
        %swap3A_947 = vector.shape_cast %swap3A_946 : vector<16xf32> to vector<16xf32>
        %swap3A_948 = vector.shape_cast %div3A_944 : vector<16xf32> to vector<16xf32>
        tpu.vector_store %arg8[%swap3A_945], %swap3A_948 {strides = array<i32>} : memref<16384xf32, #tpu.memory_space<vmem>>, vector<16xf32>,
        %add3A_949 = arith.constant 496 : i32
        %add3A_950 = arith.addi %mul3A_363, %add3A_949 : i32
        %get3A_951 = arith.index_cast %add3A_950 : i32 to index
        %get3A_952 = tpu.vector_load %arg4[%get3A_951] {strides = array<i32>} : memref<16384xf32, #tpu.memory_space<vmem>>, vector<16xf32>,
        %get3A_953 = vector.shape_cast %get3A_952 : vector<16xf32> to vector<16xf32>
        %neg3A_954 = arith.constant 0.000000e+00 : f32
        %neg3A_955 = vector.broadcast %neg3A_954 : f32 to vector<16xf32>
        %neg3A_956 = arith.subf %neg3A_955, %get3A_953 : vector<16xf32>
        %exp3A_957 = math.exp %neg3A_956 : vector<16xf32>
        %add3A_958 = arith.constant 1.000000e+00 : f32
        %add3A_959 = vector.broadcast %add3A_958 : f32 to vector<16xf32>
        %add3A_960 = arith.addf %add3A_959, %exp3A_957 : vector<16xf32>
        %div3A_961 = arith.constant 1.000000e+00 : f32
        %div3A_962 = vector.broadcast %div3A_961 : f32 to vector<16xf32>
        %div3A_963 = arith.divf %div3A_962, %add3A_960 : vector<16xf32>
        %swap3A_964 = arith.index_cast %add3A_950 : i32 to index
        %swap3A_965 = tpu.vector_load %arg8[%swap3A_964] {strides = array<i32>} : memref<16384xf32, #tpu.memory_space<vmem>>, vector<16xf32>,
        %swap3A_966 = vector.shape_cast %swap3A_965 : vector<16xf32> to vector<16xf32>
        %swap3A_967 = vector.shape_cast %div3A_963 : vector<16xf32> to vector<16xf32>
        tpu.vector_store %arg8[%swap3A_964], %swap3A_967 {strides = array<i32>} : memref<16384xf32, #tpu.memory_space<vmem>>, vector<16xf32>,
      }
      %scan3A_16 = arith.constant 32 : i32
      %swap3A = arith.constant 0 : index
      %swap3A_17 = tpu.vector_load %arg6[%swap3A] {strides = array<i32>} : memref<512xf32, #tpu.memory_space<vmem>>, vector<16xf32>,
      %swap3A_18 = vector.shape_cast %swap3A_17 : vector<16xf32> to vector<16xf32>
      %swap3A_19 = vector.shape_cast %broadcast_in_dim3A_12 : vector<16xf32> to vector<16xf32>
      tpu.vector_store %arg6[%swap3A], %swap3A_19 {strides = array<i32>} : memref<512xf32, #tpu.memory_space<vmem>>, vector<16xf32>,
      %broadcast_in_dim3A_20 = arith.constant 1.000000e+00 : f32
      %broadcast_in_dim3A_21 = vector.broadcast %broadcast_in_dim3A_20 : f32 to vector<16xf32>
      %swap3A_22 = arith.constant 0 : index
      %swap3A_23 = tpu.vector_load %arg7[%swap3A_22] {strides = array<i32>} : memref<512xf32, #tpu.memory_space<vmem>>, vector<16xf32>,
      %swap3A_24 = vector.shape_cast %swap3A_23 : vector<16xf32> to vector<16xf32>
      %swap3A_25 = vector.shape_cast %broadcast_in_dim3A_21 : vector<16xf32> to vector<16xf32>
      tpu.vector_store %arg7[%swap3A_22], %swap3A_25 {strides = array<i32>} : memref<512xf32, #tpu.memory_space<vmem>>, vector<16xf32>,
      %swap3A_26 = arith.constant 16 : index
      %swap3A_27 = tpu.vector_load %arg6[%swap3A_26] {strides = array<i32>} : memref<512xf32, #tpu.memory_space<vmem>>, vector<16xf32>,
      %swap3A_28 = vector.shape_cast %swap3A_27 : vector<16xf32> to vector<16xf32>
      %swap3A_29 = vector.shape_cast %broadcast_in_dim3A_12 : vector<16xf32> to vector<16xf32>
      tpu.vector_store %arg6[%swap3A_26], %swap3A_29 {strides = array<i32>} : memref<512xf32, #tpu.memory_space<vmem>>, vector<16xf32>,
      %broadcast_in_dim3A_30 = arith.constant 2.000000e+00 : f32
      %broadcast_in_dim3A_31 = vector.broadcast %broadcast_in_dim3A_30 : f32 to vector<16xf32>
      %swap3A_32 = arith.constant 16 : index
      %swap3A_33 = tpu.vector_load %arg7[%swap3A_32] {strides = array<i32>} : memref<512xf32, #tpu.memory_space<vmem>>, vector<16xf32>,
      %swap3A_34 = vector.shape_cast %swap3A_33 : vector<16xf32> to vector<16xf32>
      %swap3A_35 = vector.shape_cast %broadcast_in_dim3A_31 : vector<16xf32> to vector<16xf32>
      tpu.vector_store %arg7[%swap3A_32], %swap3A_35 {strides = array<i32>} : memref<512xf32, #tpu.memory_space<vmem>>, vector<16xf32>,
      %swap3A_36 = arith.constant 32 : index
      %swap3A_37 = tpu.vector_load %arg6[%swap3A_36] {strides = array<i32>} : memref<512xf32, #tpu.memory_space<vmem>>, vector<16xf32>,
      %swap3A_38 = vector.shape_cast %swap3A_37 : vector<16xf32> to vector<16xf32>
      %swap3A_39 = vector.shape_cast %broadcast_in_dim3A_12 : vector<16xf32> to vector<16xf32>
      tpu.vector_store %arg6[%swap3A_36], %swap3A_39 {strides = array<i32>} : memref<512xf32, #tpu.memory_space<vmem>>, vector<16xf32>,
      %broadcast_in_dim3A_40 = arith.constant 3.000000e+00 : f32
      %broadcast_in_dim3A_41 = vector.broadcast %broadcast_in_dim3A_40 : f32 to vector<16xf32>
      %swap3A_42 = arith.constant 32 : index
      %swap3A_43 = tpu.vector_load %arg7[%swap3A_42] {strides = array<i32>} : memref<512xf32, #tpu.memory_space<vmem>>, vector<16xf32>,
      %swap3A_44 = vector.shape_cast %swap3A_43 : vector<16xf32> to vector<16xf32>
      %swap3A_45 = vector.shape_cast %broadcast_in_dim3A_41 : vector<16xf32> to vector<16xf32>
      tpu.vector_store %arg7[%swap3A_42], %swap3A_45 {strides = array<i32>} : memref<512xf32, #tpu.memory_space<vmem>>, vector<16xf32>,
      %swap3A_46 = arith.constant 48 : index
      %swap3A_47 = tpu.vector_load %arg6[%swap3A_46] {strides = array<i32>} : memref<512xf32, #tpu.memory_space<vmem>>, vector<16xf32>,
      %swap3A_48 = vector.shape_cast %swap3A_47 : vector<16xf32> to vector<16xf32>
      %swap3A_49 = vector.shape_cast %broadcast_in_dim3A_12 : vector<16xf32> to vector<16xf32>
      tpu.vector_store %arg6[%swap3A_46], %swap3A_49 {strides = array<i32>} : memref<512xf32, #tpu.memory_space<vmem>>, vector<16xf32>,
      %broadcast_in_dim3A_50 = arith.constant 4.000000e+00 : f32
      %broadcast_in_dim3A_51 = vector.broadcast %broadcast_in_dim3A_50 : f32 to vector<16xf32>
      %swap3A_52 = arith.constant 48 : index
      %swap3A_53 = tpu.vector_load %arg7[%swap3A_52] {strides = array<i32>} : memref<512xf32, #tpu.memory_space<vmem>>, vector<16xf32>,
      %swap3A_54 = vector.shape_cast %swap3A_53 : vector<16xf32> to vector<16xf32>
      %swap3A_55 = vector.shape_cast %broadcast_in_dim3A_51 : vector<16xf32> to vector<16xf32>
      tpu.vector_store %arg7[%swap3A_52], %swap3A_55 {strides = array<i32>} : memref<512xf32, #tpu.memory_space<vmem>>, vector<16xf32>,
      %swap3A_56 = arith.constant 64 : index
      %swap3A_57 = tpu.vector_load %arg6[%swap3A_56] {strides = array<i32>} : memref<512xf32, #tpu.memory_space<vmem>>, vector<16xf32>,
      %swap3A_58 = vector.shape_cast %swap3A_57 : vector<16xf32> to vector<16xf32>
      %swap3A_59 = vector.shape_cast %broadcast_in_dim3A_12 : vector<16xf32> to vector<16xf32>
      tpu.vector_store %arg6[%swap3A_56], %swap3A_59 {strides = array<i32>} : memref<512xf32, #tpu.memory_space<vmem>>, vector<16xf32>,
      %broadcast_in_dim3A_60 = arith.constant 5.000000e+00 : f32
      %broadcast_in_dim3A_61 = vector.broadcast %broadcast_in_dim3A_60 : f32 to vector<16xf32>
      %swap3A_62 = arith.constant 64 : index
      %swap3A_63 = tpu.vector_load %arg7[%swap3A_62] {strides = array<i32>} : memref<512xf32, #tpu.memory_space<vmem>>, vector<16xf32>,
      %swap3A_64 = vector.shape_cast %swap3A_63 : vector<16xf32> to vector<16xf32>
      %swap3A_65 = vector.shape_cast %broadcast_in_dim3A_61 : vector<16xf32> to vector<16xf32>
      tpu.vector_store %arg7[%swap3A_62], %swap3A_65 {strides = array<i32>} : memref<512xf32, #tpu.memory_space<vmem>>, vector<16xf32>,
      %swap3A_66 = arith.constant 80 : index
      %swap3A_67 = tpu.vector_load %arg6[%swap3A_66] {strides = array<i32>} : memref<512xf32, #tpu.memory_space<vmem>>, vector<16xf32>,
      %swap3A_68 = vector.shape_cast %swap3A_67 : vector<16xf32> to vector<16xf32>
      %swap3A_69 = vector.shape_cast %broadcast_in_dim3A_12 : vector<16xf32> to vector<16xf32>
      tpu.vector_store %arg6[%swap3A_66], %swap3A_69 {strides = array<i32>} : memref<512xf32, #tpu.memory_space<vmem>>, vector<16xf32>,
      %broadcast_in_dim3A_70 = arith.constant 6.000000e+00 : f32
      %broadcast_in_dim3A_71 = vector.broadcast %broadcast_in_dim3A_70 : f32 to vector<16xf32>
      %swap3A_72 = arith.constant 80 : index
      %swap3A_73 = tpu.vector_load %arg7[%swap3A_72] {strides = array<i32>} : memref<512xf32, #tpu.memory_space<vmem>>, vector<16xf32>,
      %swap3A_74 = vector.shape_cast %swap3A_73 : vector<16xf32> to vector<16xf32>
      %swap3A_75 = vector.shape_cast %broadcast_in_dim3A_71 : vector<16xf32> to vector<16xf32>
      tpu.vector_store %arg7[%swap3A_72], %swap3A_75 {strides = array<i32>} : memref<512xf32, #tpu.memory_space<vmem>>, vector<16xf32>,
      %swap3A_76 = arith.constant 96 : index
      %swap3A_77 = tpu.vector_load %arg6[%swap3A_76] {strides = array<i32>} : memref<512xf32, #tpu.memory_space<vmem>>, vector<16xf32>,
      %swap3A_78 = vector.shape_cast %swap3A_77 : vector<16xf32> to vector<16xf32>
      %swap3A_79 = vector.shape_cast %broadcast_in_dim3A_12 : vector<16xf32> to vector<16xf32>
      tpu.vector_store %arg6[%swap3A_76], %swap3A_79 {strides = array<i32>} : memref<512xf32, #tpu.memory_space<vmem>>, vector<16xf32>,
      %broadcast_in_dim3A_80 = arith.constant 7.000000e+00 : f32
      %broadcast_in_dim3A_81 = vector.broadcast %broadcast_in_dim3A_80 : f32 to vector<16xf32>
      %swap3A_82 = arith.constant 96 : index
      %swap3A_83 = tpu.vector_load %arg7[%swap3A_82] {strides = array<i32>} : memref<512xf32, #tpu.memory_space<vmem>>, vector<16xf32>,
      %swap3A_84 = vector.shape_cast %swap3A_83 : vector<16xf32> to vector<16xf32>
      %swap3A_85 = vector.shape_cast %broadcast_in_dim3A_81 : vector<16xf32> to vector<16xf32>
      tpu.vector_store %arg7[%swap3A_82], %swap3A_85 {strides = array<i32>} : memref<512xf32, #tpu.memory_space<vmem>>, vector<16xf32>,
      %swap3A_86 = arith.constant 112 : index
      %swap3A_87 = tpu.vector_load %arg6[%swap3A_86] {strides = array<i32>} : memref<512xf32, #tpu.memory_space<vmem>>, vector<16xf32>,
      %swap3A_88 = vector.shape_cast %swap3A_87 : vector<16xf32> to vector<16xf32>
      %swap3A_89 = vector.shape_cast %broadcast_in_dim3A_12 : vector<16xf32> to vector<16xf32>
      tpu.vector_store %arg6[%swap3A_86], %swap3A_89 {strides = array<i32>} : memref<512xf32, #tpu.memory_space<vmem>>, vector<16xf32>,
      %broadcast_in_dim3A_90 = arith.constant 8.000000e+00 : f32
      %broadcast_in_dim3A_91 = vector.broadcast %broadcast_in_dim3A_90 : f32 to vector<16xf32>
      %swap3A_92 = arith.constant 112 : index
      %swap3A_93 = tpu.vector_load %arg7[%swap3A_92] {strides = array<i32>} : memref<512xf32, #tpu.memory_space<vmem>>, vector<16xf32>,
      %swap3A_94 = vector.shape_cast %swap3A_93 : vector<16xf32> to vector<16xf32>
      %swap3A_95 = vector.shape_cast %broadcast_in_dim3A_91 : vector<16xf32> to vector<16xf32>
      tpu.vector_store %arg7[%swap3A_92], %swap3A_95 {strides = array<i32>} : memref<512xf32, #tpu.memory_space<vmem>>, vector<16xf32>,
      %swap3A_96 = arith.constant 128 : index
      %swap3A_97 = tpu.vector_load %arg6[%swap3A_96] {strides = array<i32>} : memref<512xf32, #tpu.memory_space<vmem>>, vector<16xf32>,
      %swap3A_98 = vector.shape_cast %swap3A_97 : vector<16xf32> to vector<16xf32>
      %swap3A_99 = vector.shape_cast %broadcast_in_dim3A_12 : vector<16xf32> to vector<16xf32>
      tpu.vector_store %arg6[%swap3A_96], %swap3A_99 {strides = array<i32>} : memref<512xf32, #tpu.memory_space<vmem>>, vector<16xf32>,
      %broadcast_in_dim3A_100 = arith.constant 9.000000e+00 : f32
      %broadcast_in_dim3A_101 = vector.broadcast %broadcast_in_dim3A_100 : f32 to vector<16xf32>
      %swap3A_102 = arith.constant 128 : index
      %swap3A_103 = tpu.vector_load %arg7[%swap3A_102] {strides = array<i32>} : memref<512xf32, #tpu.memory_space<vmem>>, vector<16xf32>,
      %swap3A_104 = vector.shape_cast %swap3A_103 : vector<16xf32> to vector<16xf32>
      %swap3A_105 = vector.shape_cast %broadcast_in_dim3A_101 : vector<16xf32> to vector<16xf32>
      tpu.vector_store %arg7[%swap3A_102], %swap3A_105 {strides = array<i32>} : memref<512xf32, #tpu.memory_space<vmem>>, vector<16xf32>,
      %swap3A_106 = arith.constant 144 : index
      %swap3A_107 = tpu.vector_load %arg6[%swap3A_106] {strides = array<i32>} : memref<512xf32, #tpu.memory_space<vmem>>, vector<16xf32>,
      %swap3A_108 = vector.shape_cast %swap3A_107 : vector<16xf32> to vector<16xf32>
      %swap3A_109 = vector.shape_cast %broadcast_in_dim3A_12 : vector<16xf32> to vector<16xf32>
      tpu.vector_store %arg6[%swap3A_106], %swap3A_109 {strides = array<i32>} : memref<512xf32, #tpu.memory_space<vmem>>, vector<16xf32>,
      %broadcast_in_dim3A_110 = arith.constant 1.000000e+01 : f32
      %broadcast_in_dim3A_111 = vector.broadcast %broadcast_in_dim3A_110 : f32 to vector<16xf32>
      %swap3A_112 = arith.constant 144 : index
      %swap3A_113 = tpu.vector_load %arg7[%swap3A_112] {strides = array<i32>} : memref<512xf32, #tpu.memory_space<vmem>>, vector<16xf32>,
      %swap3A_114 = vector.shape_cast %swap3A_113 : vector<16xf32> to vector<16xf32>
      %swap3A_115 = vector.shape_cast %broadcast_in_dim3A_111 : vector<16xf32> to vector<16xf32>
      tpu.vector_store %arg7[%swap3A_112], %swap3A_115 {strides = array<i32>} : memref<512xf32, #tpu.memory_space<vmem>>, vector<16xf32>,
      %swap3A_116 = arith.constant 160 : index
      %swap3A_117 = tpu.vector_load %arg6[%swap3A_116] {strides = array<i32>} : memref<512xf32, #tpu.memory_space<vmem>>, vector<16xf32>,
      %swap3A_118 = vector.shape_cast %swap3A_117 : vector<16xf32> to vector<16xf32>
      %swap3A_119 = vector.shape_cast %broadcast_in_dim3A_12 : vector<16xf32> to vector<16xf32>
      tpu.vector_store %arg6[%swap3A_116], %swap3A_119 {strides = array<i32>} : memref<512xf32, #tpu.memory_space<vmem>>, vector<16xf32>,
      %broadcast_in_dim3A_120 = arith.constant 1.100000e+01 : f32
      %broadcast_in_dim3A_121 = vector.broadcast %broadcast_in_dim3A_120 : f32 to vector<16xf32>
      %swap3A_122 = arith.constant 160 : index
      %swap3A_123 = tpu.vector_load %arg7[%swap3A_122] {strides = array<i32>} : memref<512xf32, #tpu.memory_space<vmem>>, vector<16xf32>,
      %swap3A_124 = vector.shape_cast %swap3A_123 : vector<16xf32> to vector<16xf32>
      %swap3A_125 = vector.shape_cast %broadcast_in_dim3A_121 : vector<16xf32> to vector<16xf32>
      tpu.vector_store %arg7[%swap3A_122], %swap3A_125 {strides = array<i32>} : memref<512xf32, #tpu.memory_space<vmem>>, vector<16xf32>,
      %swap3A_126 = arith.constant 176 : index
      %swap3A_127 = tpu.vector_load %arg6[%swap3A_126] {strides = array<i32>} : memref<512xf32, #tpu.memory_space<vmem>>, vector<16xf32>,
      %swap3A_128 = vector.shape_cast %swap3A_127 : vector<16xf32> to vector<16xf32>
      %swap3A_129 = vector.shape_cast %broadcast_in_dim3A_12 : vector<16xf32> to vector<16xf32>
      tpu.vector_store %arg6[%swap3A_126], %swap3A_129 {strides = array<i32>} : memref<512xf32, #tpu.memory_space<vmem>>, vector<16xf32>,
      %broadcast_in_dim3A_130 = arith.constant 1.200000e+01 : f32
      %broadcast_in_dim3A_131 = vector.broadcast %broadcast_in_dim3A_130 : f32 to vector<16xf32>
      %swap3A_132 = arith.constant 176 : index
      %swap3A_133 = tpu.vector_load %arg7[%swap3A_132] {strides = array<i32>} : memref<512xf32, #tpu.memory_space<vmem>>, vector<16xf32>,
      %swap3A_134 = vector.shape_cast %swap3A_133 : vector<16xf32> to vector<16xf32>
      %swap3A_135 = vector.shape_cast %broadcast_in_dim3A_131 : vector<16xf32> to vector<16xf32>
      tpu.vector_store %arg7[%swap3A_132], %swap3A_135 {strides = array<i32>} : memref<512xf32, #tpu.memory_space<vmem>>, vector<16xf32>,
      %swap3A_136 = arith.constant 192 : index
      %swap3A_137 = tpu.vector_load %arg6[%swap3A_136] {strides = array<i32>} : memref<512xf32, #tpu.memory_space<vmem>>, vector<16xf32>,
      %swap3A_138 = vector.shape_cast %swap3A_137 : vector<16xf32> to vector<16xf32>
      %swap3A_139 = vector.shape_cast %broadcast_in_dim3A_12 : vector<16xf32> to vector<16xf32>
      tpu.vector_store %arg6[%swap3A_136], %swap3A_139 {strides = array<i32>} : memref<512xf32, #tpu.memory_space<vmem>>, vector<16xf32>,
      %broadcast_in_dim3A_140 = arith.constant 1.300000e+01 : f32
      %broadcast_in_dim3A_141 = vector.broadcast %broadcast_in_dim3A_140 : f32 to vector<16xf32>
      %swap3A_142 = arith.constant 192 : index
      %swap3A_143 = tpu.vector_load %arg7[%swap3A_142] {strides = array<i32>} : memref<512xf32, #tpu.memory_space<vmem>>, vector<16xf32>,
      %swap3A_144 = vector.shape_cast %swap3A_143 : vector<16xf32> to vector<16xf32>
      %swap3A_145 = vector.shape_cast %broadcast_in_dim3A_141 : vector<16xf32> to vector<16xf32>
      tpu.vector_store %arg7[%swap3A_142], %swap3A_145 {strides = array<i32>} : memref<512xf32, #tpu.memory_space<vmem>>, vector<16xf32>,
      %swap3A_146 = arith.constant 208 : index
      %swap3A_147 = tpu.vector_load %arg6[%swap3A_146] {strides = array<i32>} : memref<512xf32, #tpu.memory_space<vmem>>, vector<16xf32>,
      %swap3A_148 = vector.shape_cast %swap3A_147 : vector<16xf32> to vector<16xf32>
      %swap3A_149 = vector.shape_cast %broadcast_in_dim3A_12 : vector<16xf32> to vector<16xf32>
      tpu.vector_store %arg6[%swap3A_146], %swap3A_149 {strides = array<i32>} : memref<512xf32, #tpu.memory_space<vmem>>, vector<16xf32>,
      %broadcast_in_dim3A_150 = arith.constant 1.400000e+01 : f32
      %broadcast_in_dim3A_151 = vector.broadcast %broadcast_in_dim3A_150 : f32 to vector<16xf32>
      %swap3A_152 = arith.constant 208 : index
      %swap3A_153 = tpu.vector_load %arg7[%swap3A_152] {strides = array<i32>} : memref<512xf32, #tpu.memory_space<vmem>>, vector<16xf32>,
      %swap3A_154 = vector.shape_cast %swap3A_153 : vector<16xf32> to vector<16xf32>
      %swap3A_155 = vector.shape_cast %broadcast_in_dim3A_151 : vector<16xf32> to vector<16xf32>
      tpu.vector_store %arg7[%swap3A_152], %swap3A_155 {strides = array<i32>} : memref<512xf32, #tpu.memory_space<vmem>>, vector<16xf32>,
      %swap3A_156 = arith.constant 224 : index
      %swap3A_157 = tpu.vector_load %arg6[%swap3A_156] {strides = array<i32>} : memref<512xf32, #tpu.memory_space<vmem>>, vector<16xf32>,
      %swap3A_158 = vector.shape_cast %swap3A_157 : vector<16xf32> to vector<16xf32>
      %swap3A_159 = vector.shape_cast %broadcast_in_dim3A_12 : vector<16xf32> to vector<16xf32>
      tpu.vector_store %arg6[%swap3A_156], %swap3A_159 {strides = array<i32>} : memref<512xf32, #tpu.memory_space<vmem>>, vector<16xf32>,
      %broadcast_in_dim3A_160 = arith.constant 1.500000e+01 : f32
      %broadcast_in_dim3A_161 = vector.broadcast %broadcast_in_dim3A_160 : f32 to vector<16xf32>
      %swap3A_162 = arith.constant 224 : index
      %swap3A_163 = tpu.vector_load %arg7[%swap3A_162] {strides = array<i32>} : memref<512xf32, #tpu.memory_space<vmem>>, vector<16xf32>,
      %swap3A_164 = vector.shape_cast %swap3A_163 : vector<16xf32> to vector<16xf32>
      %swap3A_165 = vector.shape_cast %broadcast_in_dim3A_161 : vector<16xf32> to vector<16xf32>
      tpu.vector_store %arg7[%swap3A_162], %swap3A_165 {strides = array<i32>} : memref<512xf32, #tpu.memory_space<vmem>>, vector<16xf32>,
      %swap3A_166 = arith.constant 240 : index
      %swap3A_167 = tpu.vector_load %arg6[%swap3A_166] {strides = array<i32>} : memref<512xf32, #tpu.memory_space<vmem>>, vector<16xf32>,
      %swap3A_168 = vector.shape_cast %swap3A_167 : vector<16xf32> to vector<16xf32>
      %swap3A_169 = vector.shape_cast %broadcast_in_dim3A_12 : vector<16xf32> to vector<16xf32>
      tpu.vector_store %arg6[%swap3A_166], %swap3A_169 {strides = array<i32>} : memref<512xf32, #tpu.memory_space<vmem>>, vector<16xf32>,
      %broadcast_in_dim3A_170 = arith.constant 1.600000e+01 : f32
      %broadcast_in_dim3A_171 = vector.broadcast %broadcast_in_dim3A_170 : f32 to vector<16xf32>
      %swap3A_172 = arith.constant 240 : index
      %swap3A_173 = tpu.vector_load %arg7[%swap3A_172] {strides = array<i32>} : memref<512xf32, #tpu.memory_space<vmem>>, vector<16xf32>,
      %swap3A_174 = vector.shape_cast %swap3A_173 : vector<16xf32> to vector<16xf32>
      %swap3A_175 = vector.shape_cast %broadcast_in_dim3A_171 : vector<16xf32> to vector<16xf32>
      tpu.vector_store %arg7[%swap3A_172], %swap3A_175 {strides = array<i32>} : memref<512xf32, #tpu.memory_space<vmem>>, vector<16xf32>,
      %swap3A_176 = arith.constant 256 : index
      %swap3A_177 = tpu.vector_load %arg6[%swap3A_176] {strides = array<i32>} : memref<512xf32, #tpu.memory_space<vmem>>, vector<16xf32>,
      %swap3A_178 = vector.shape_cast %swap3A_177 : vector<16xf32> to vector<16xf32>
      %swap3A_179 = vector.shape_cast %broadcast_in_dim3A_12 : vector<16xf32> to vector<16xf32>
      tpu.vector_store %arg6[%swap3A_176], %swap3A_179 {strides = array<i32>} : memref<512xf32, #tpu.memory_space<vmem>>, vector<16xf32>,
      %broadcast_in_dim3A_180 = arith.constant 1.700000e+01 : f32
      %broadcast_in_dim3A_181 = vector.broadcast %broadcast_in_dim3A_180 : f32 to vector<16xf32>
      %swap3A_182 = arith.constant 256 : index
      %swap3A_183 = tpu.vector_load %arg7[%swap3A_182] {strides = array<i32>} : memref<512xf32, #tpu.memory_space<vmem>>, vector<16xf32>,
      %swap3A_184 = vector.shape_cast %swap3A_183 : vector<16xf32> to vector<16xf32>
      %swap3A_185 = vector.shape_cast %broadcast_in_dim3A_181 : vector<16xf32> to vector<16xf32>
      tpu.vector_store %arg7[%swap3A_182], %swap3A_185 {strides = array<i32>} : memref<512xf32, #tpu.memory_space<vmem>>, vector<16xf32>,
      %swap3A_186 = arith.constant 272 : index
      %swap3A_187 = tpu.vector_load %arg6[%swap3A_186] {strides = array<i32>} : memref<512xf32, #tpu.memory_space<vmem>>, vector<16xf32>,
      %swap3A_188 = vector.shape_cast %swap3A_187 : vector<16xf32> to vector<16xf32>
      %swap3A_189 = vector.shape_cast %broadcast_in_dim3A_12 : vector<16xf32> to vector<16xf32>
      tpu.vector_store %arg6[%swap3A_186], %swap3A_189 {strides = array<i32>} : memref<512xf32, #tpu.memory_space<vmem>>, vector<16xf32>,
      %broadcast_in_dim3A_190 = arith.constant 1.800000e+01 : f32
      %broadcast_in_dim3A_191 = vector.broadcast %broadcast_in_dim3A_190 : f32 to vector<16xf32>
      %swap3A_192 = arith.constant 272 : index
      %swap3A_193 = tpu.vector_load %arg7[%swap3A_192] {strides = array<i32>} : memref<512xf32, #tpu.memory_space<vmem>>, vector<16xf32>,
      %swap3A_194 = vector.shape_cast %swap3A_193 : vector<16xf32> to vector<16xf32>
      %swap3A_195 = vector.shape_cast %broadcast_in_dim3A_191 : vector<16xf32> to vector<16xf32>
      tpu.vector_store %arg7[%swap3A_192], %swap3A_195 {strides = array<i32>} : memref<512xf32, #tpu.memory_space<vmem>>, vector<16xf32>,
      %swap3A_196 = arith.constant 288 : index
      %swap3A_197 = tpu.vector_load %arg6[%swap3A_196] {strides = array<i32>} : memref<512xf32, #tpu.memory_space<vmem>>, vector<16xf32>,
      %swap3A_198 = vector.shape_cast %swap3A_197 : vector<16xf32> to vector<16xf32>
      %swap3A_199 = vector.shape_cast %broadcast_in_dim3A_12 : vector<16xf32> to vector<16xf32>
      tpu.vector_store %arg6[%swap3A_196], %swap3A_199 {strides = array<i32>} : memref<512xf32, #tpu.memory_space<vmem>>, vector<16xf32>,
      %broadcast_in_dim3A_200 = arith.constant 1.900000e+01 : f32
      %broadcast_in_dim3A_201 = vector.broadcast %broadcast_in_dim3A_200 : f32 to vector<16xf32>
      %swap3A_202 = arith.constant 288 : index
      %swap3A_203 = tpu.vector_load %arg7[%swap3A_202] {strides = array<i32>} : memref<512xf32, #tpu.memory_space<vmem>>, vector<16xf32>,
      %swap3A_204 = vector.shape_cast %swap3A_203 : vector<16xf32> to vector<16xf32>
      %swap3A_205 = vector.shape_cast %broadcast_in_dim3A_201 : vector<16xf32> to vector<16xf32>
      tpu.vector_store %arg7[%swap3A_202], %swap3A_205 {strides = array<i32>} : memref<512xf32, #tpu.memory_space<vmem>>, vector<16xf32>,
      %swap3A_206 = arith.constant 304 : index
      %swap3A_207 = tpu.vector_load %arg6[%swap3A_206] {strides = array<i32>} : memref<512xf32, #tpu.memory_space<vmem>>, vector<16xf32>,
      %swap3A_208 = vector.shape_cast %swap3A_207 : vector<16xf32> to vector<16xf32>
      %swap3A_209 = vector.shape_cast %broadcast_in_dim3A_12 : vector<16xf32> to vector<16xf32>
      tpu.vector_store %arg6[%swap3A_206], %swap3A_209 {strides = array<i32>} : memref<512xf32, #tpu.memory_space<vmem>>, vector<16xf32>,
      %broadcast_in_dim3A_210 = arith.constant 2.000000e+01 : f32
      %broadcast_in_dim3A_211 = vector.broadcast %broadcast_in_dim3A_210 : f32 to vector<16xf32>
      %swap3A_212 = arith.constant 304 : index
      %swap3A_213 = tpu.vector_load %arg7[%swap3A_212] {strides = array<i32>} : memref<512xf32, #tpu.memory_space<vmem>>, vector<16xf32>,
      %swap3A_214 = vector.shape_cast %swap3A_213 : vector<16xf32> to vector<16xf32>
      %swap3A_215 = vector.shape_cast %broadcast_in_dim3A_211 : vector<16xf32> to vector<16xf32>
      tpu.vector_store %arg7[%swap3A_212], %swap3A_215 {strides = array<i32>} : memref<512xf32, #tpu.memory_space<vmem>>, vector<16xf32>,
      %swap3A_216 = arith.constant 320 : index
      %swap3A_217 = tpu.vector_load %arg6[%swap3A_216] {strides = array<i32>} : memref<512xf32, #tpu.memory_space<vmem>>, vector<16xf32>,
      %swap3A_218 = vector.shape_cast %swap3A_217 : vector<16xf32> to vector<16xf32>
      %swap3A_219 = vector.shape_cast %broadcast_in_dim3A_12 : vector<16xf32> to vector<16xf32>
      tpu.vector_store %arg6[%swap3A_216], %swap3A_219 {strides = array<i32>} : memref<512xf32, #tpu.memory_space<vmem>>, vector<16xf32>,
      %broadcast_in_dim3A_220 = arith.constant 2.100000e+01 : f32
      %broadcast_in_dim3A_221 = vector.broadcast %broadcast_in_dim3A_220 : f32 to vector<16xf32>
      %swap3A_222 = arith.constant 320 : index
      %swap3A_223 = tpu.vector_load %arg7[%swap3A_222] {strides = array<i32>} : memref<512xf32, #tpu.memory_space<vmem>>, vector<16xf32>,
      %swap3A_224 = vector.shape_cast %swap3A_223 : vector<16xf32> to vector<16xf32>
      %swap3A_225 = vector.shape_cast %broadcast_in_dim3A_221 : vector<16xf32> to vector<16xf32>
      tpu.vector_store %arg7[%swap3A_222], %swap3A_225 {strides = array<i32>} : memref<512xf32, #tpu.memory_space<vmem>>, vector<16xf32>,
      %swap3A_226 = arith.constant 336 : index
      %swap3A_227 = tpu.vector_load %arg6[%swap3A_226] {strides = array<i32>} : memref<512xf32, #tpu.memory_space<vmem>>, vector<16xf32>,
      %swap3A_228 = vector.shape_cast %swap3A_227 : vector<16xf32> to vector<16xf32>
      %swap3A_229 = vector.shape_cast %broadcast_in_dim3A_12 : vector<16xf32> to vector<16xf32>
      tpu.vector_store %arg6[%swap3A_226], %swap3A_229 {strides = array<i32>} : memref<512xf32, #tpu.memory_space<vmem>>, vector<16xf32>,
      %broadcast_in_dim3A_230 = arith.constant 2.200000e+01 : f32
      %broadcast_in_dim3A_231 = vector.broadcast %broadcast_in_dim3A_230 : f32 to vector<16xf32>
      %swap3A_232 = arith.constant 336 : index
      %swap3A_233 = tpu.vector_load %arg7[%swap3A_232] {strides = array<i32>} : memref<512xf32, #tpu.memory_space<vmem>>, vector<16xf32>,
      %swap3A_234 = vector.shape_cast %swap3A_233 : vector<16xf32> to vector<16xf32>
      %swap3A_235 = vector.shape_cast %broadcast_in_dim3A_231 : vector<16xf32> to vector<16xf32>
      tpu.vector_store %arg7[%swap3A_232], %swap3A_235 {strides = array<i32>} : memref<512xf32, #tpu.memory_space<vmem>>, vector<16xf32>,
      %swap3A_236 = arith.constant 352 : index
      %swap3A_237 = tpu.vector_load %arg6[%swap3A_236] {strides = array<i32>} : memref<512xf32, #tpu.memory_space<vmem>>, vector<16xf32>,
      %swap3A_238 = vector.shape_cast %swap3A_237 : vector<16xf32> to vector<16xf32>
      %swap3A_239 = vector.shape_cast %broadcast_in_dim3A_12 : vector<16xf32> to vector<16xf32>
      tpu.vector_store %arg6[%swap3A_236], %swap3A_239 {strides = array<i32>} : memref<512xf32, #tpu.memory_space<vmem>>, vector<16xf32>,
      %broadcast_in_dim3A_240 = arith.constant 2.300000e+01 : f32
      %broadcast_in_dim3A_241 = vector.broadcast %broadcast_in_dim3A_240 : f32 to vector<16xf32>
      %swap3A_242 = arith.constant 352 : index
      %swap3A_243 = tpu.vector_load %arg7[%swap3A_242] {strides = array<i32>} : memref<512xf32, #tpu.memory_space<vmem>>, vector<16xf32>,
      %swap3A_244 = vector.shape_cast %swap3A_243 : vector<16xf32> to vector<16xf32>
      %swap3A_245 = vector.shape_cast %broadcast_in_dim3A_241 : vector<16xf32> to vector<16xf32>
      tpu.vector_store %arg7[%swap3A_242], %swap3A_245 {strides = array<i32>} : memref<512xf32, #tpu.memory_space<vmem>>, vector<16xf32>,
      %swap3A_246 = arith.constant 368 : index
      %swap3A_247 = tpu.vector_load %arg6[%swap3A_246] {strides = array<i32>} : memref<512xf32, #tpu.memory_space<vmem>>, vector<16xf32>,
      %swap3A_248 = vector.shape_cast %swap3A_247 : vector<16xf32> to vector<16xf32>
      %swap3A_249 = vector.shape_cast %broadcast_in_dim3A_12 : vector<16xf32> to vector<16xf32>
      tpu.vector_store %arg6[%swap3A_246], %swap3A_249 {strides = array<i32>} : memref<512xf32, #tpu.memory_space<vmem>>, vector<16xf32>,
      %broadcast_in_dim3A_250 = arith.constant 2.400000e+01 : f32
      %broadcast_in_dim3A_251 = vector.broadcast %broadcast_in_dim3A_250 : f32 to vector<16xf32>
      %swap3A_252 = arith.constant 368 : index
      %swap3A_253 = tpu.vector_load %arg7[%swap3A_252] {strides = array<i32>} : memref<512xf32, #tpu.memory_space<vmem>>, vector<16xf32>,
      %swap3A_254 = vector.shape_cast %swap3A_253 : vector<16xf32> to vector<16xf32>
      %swap3A_255 = vector.shape_cast %broadcast_in_dim3A_251 : vector<16xf32> to vector<16xf32>
      tpu.vector_store %arg7[%swap3A_252], %swap3A_255 {strides = array<i32>} : memref<512xf32, #tpu.memory_space<vmem>>, vector<16xf32>,
      %swap3A_256 = arith.constant 384 : index
      %swap3A_257 = tpu.vector_load %arg6[%swap3A_256] {strides = array<i32>} : memref<512xf32, #tpu.memory_space<vmem>>, vector<16xf32>,
      %swap3A_258 = vector.shape_cast %swap3A_257 : vector<16xf32> to vector<16xf32>
      %swap3A_259 = vector.shape_cast %broadcast_in_dim3A_12 : vector<16xf32> to vector<16xf32>
      tpu.vector_store %arg6[%swap3A_256], %swap3A_259 {strides = array<i32>} : memref<512xf32, #tpu.memory_space<vmem>>, vector<16xf32>,
      %broadcast_in_dim3A_260 = arith.constant 2.500000e+01 : f32
      %broadcast_in_dim3A_261 = vector.broadcast %broadcast_in_dim3A_260 : f32 to vector<16xf32>
      %swap3A_262 = arith.constant 384 : index
      %swap3A_263 = tpu.vector_load %arg7[%swap3A_262] {strides = array<i32>} : memref<512xf32, #tpu.memory_space<vmem>>, vector<16xf32>,
      %swap3A_264 = vector.shape_cast %swap3A_263 : vector<16xf32> to vector<16xf32>
      %swap3A_265 = vector.shape_cast %broadcast_in_dim3A_261 : vector<16xf32> to vector<16xf32>
      tpu.vector_store %arg7[%swap3A_262], %swap3A_265 {strides = array<i32>} : memref<512xf32, #tpu.memory_space<vmem>>, vector<16xf32>,
      %swap3A_266 = arith.constant 400 : index
      %swap3A_267 = tpu.vector_load %arg6[%swap3A_266] {strides = array<i32>} : memref<512xf32, #tpu.memory_space<vmem>>, vector<16xf32>,
      %swap3A_268 = vector.shape_cast %swap3A_267 : vector<16xf32> to vector<16xf32>
      %swap3A_269 = vector.shape_cast %broadcast_in_dim3A_12 : vector<16xf32> to vector<16xf32>
      tpu.vector_store %arg6[%swap3A_266], %swap3A_269 {strides = array<i32>} : memref<512xf32, #tpu.memory_space<vmem>>, vector<16xf32>,
      %broadcast_in_dim3A_270 = arith.constant 2.600000e+01 : f32
      %broadcast_in_dim3A_271 = vector.broadcast %broadcast_in_dim3A_270 : f32 to vector<16xf32>
      %swap3A_272 = arith.constant 400 : index
      %swap3A_273 = tpu.vector_load %arg7[%swap3A_272] {strides = array<i32>} : memref<512xf32, #tpu.memory_space<vmem>>, vector<16xf32>,
      %swap3A_274 = vector.shape_cast %swap3A_273 : vector<16xf32> to vector<16xf32>
      %swap3A_275 = vector.shape_cast %broadcast_in_dim3A_271 : vector<16xf32> to vector<16xf32>
      tpu.vector_store %arg7[%swap3A_272], %swap3A_275 {strides = array<i32>} : memref<512xf32, #tpu.memory_space<vmem>>, vector<16xf32>,
      %swap3A_276 = arith.constant 416 : index
      %swap3A_277 = tpu.vector_load %arg6[%swap3A_276] {strides = array<i32>} : memref<512xf32, #tpu.memory_space<vmem>>, vector<16xf32>,
      %swap3A_278 = vector.shape_cast %swap3A_277 : vector<16xf32> to vector<16xf32>
      %swap3A_279 = vector.shape_cast %broadcast_in_dim3A_12 : vector<16xf32> to vector<16xf32>
      tpu.vector_store %arg6[%swap3A_276], %swap3A_279 {strides = array<i32>} : memref<512xf32, #tpu.memory_space<vmem>>, vector<16xf32>,
      %broadcast_in_dim3A_280 = arith.constant 2.700000e+01 : f32
      %broadcast_in_dim3A_281 = vector.broadcast %broadcast_in_dim3A_280 : f32 to vector<16xf32>
      %swap3A_282 = arith.constant 416 : index
      %swap3A_283 = tpu.vector_load %arg7[%swap3A_282] {strides = array<i32>} : memref<512xf32, #tpu.memory_space<vmem>>, vector<16xf32>,
      %swap3A_284 = vector.shape_cast %swap3A_283 : vector<16xf32> to vector<16xf32>
      %swap3A_285 = vector.shape_cast %broadcast_in_dim3A_281 : vector<16xf32> to vector<16xf32>
      tpu.vector_store %arg7[%swap3A_282], %swap3A_285 {strides = array<i32>} : memref<512xf32, #tpu.memory_space<vmem>>, vector<16xf32>,
      %swap3A_286 = arith.constant 432 : index
      %swap3A_287 = tpu.vector_load %arg6[%swap3A_286] {strides = array<i32>} : memref<512xf32, #tpu.memory_space<vmem>>, vector<16xf32>,
      %swap3A_288 = vector.shape_cast %swap3A_287 : vector<16xf32> to vector<16xf32>
      %swap3A_289 = vector.shape_cast %broadcast_in_dim3A_12 : vector<16xf32> to vector<16xf32>
      tpu.vector_store %arg6[%swap3A_286], %swap3A_289 {strides = array<i32>} : memref<512xf32, #tpu.memory_space<vmem>>, vector<16xf32>,
      %broadcast_in_dim3A_290 = arith.constant 2.800000e+01 : f32
      %broadcast_in_dim3A_291 = vector.broadcast %broadcast_in_dim3A_290 : f32 to vector<16xf32>
      %swap3A_292 = arith.constant 432 : index
      %swap3A_293 = tpu.vector_load %arg7[%swap3A_292] {strides = array<i32>} : memref<512xf32, #tpu.memory_space<vmem>>, vector<16xf32>,
      %swap3A_294 = vector.shape_cast %swap3A_293 : vector<16xf32> to vector<16xf32>
      %swap3A_295 = vector.shape_cast %broadcast_in_dim3A_291 : vector<16xf32> to vector<16xf32>
      tpu.vector_store %arg7[%swap3A_292], %swap3A_295 {strides = array<i32>} : memref<512xf32, #tpu.memory_space<vmem>>, vector<16xf32>,
      %swap3A_296 = arith.constant 448 : index
      %swap3A_297 = tpu.vector_load %arg6[%swap3A_296] {strides = array<i32>} : memref<512xf32, #tpu.memory_space<vmem>>, vector<16xf32>,
      %swap3A_298 = vector.shape_cast %swap3A_297 : vector<16xf32> to vector<16xf32>
      %swap3A_299 = vector.shape_cast %broadcast_in_dim3A_12 : vector<16xf32> to vector<16xf32>
      tpu.vector_store %arg6[%swap3A_296], %swap3A_299 {strides = array<i32>} : memref<512xf32, #tpu.memory_space<vmem>>, vector<16xf32>,
      %broadcast_in_dim3A_300 = arith.constant 2.900000e+01 : f32
      %broadcast_in_dim3A_301 = vector.broadcast %broadcast_in_dim3A_300 : f32 to vector<16xf32>
      %swap3A_302 = arith.constant 448 : index
      %swap3A_303 = tpu.vector_load %arg7[%swap3A_302] {strides = array<i32>} : memref<512xf32, #tpu.memory_space<vmem>>, vector<16xf32>,
      %swap3A_304 = vector.shape_cast %swap3A_303 : vector<16xf32> to vector<16xf32>
      %swap3A_305 = vector.shape_cast %broadcast_in_dim3A_301 : vector<16xf32> to vector<16xf32>
      tpu.vector_store %arg7[%swap3A_302], %swap3A_305 {strides = array<i32>} : memref<512xf32, #tpu.memory_space<vmem>>, vector<16xf32>,
      %swap3A_306 = arith.constant 464 : index
      %swap3A_307 = tpu.vector_load %arg6[%swap3A_306] {strides = array<i32>} : memref<512xf32, #tpu.memory_space<vmem>>, vector<16xf32>,
      %swap3A_308 = vector.shape_cast %swap3A_307 : vector<16xf32> to vector<16xf32>
      %swap3A_309 = vector.shape_cast %broadcast_in_dim3A_12 : vector<16xf32> to vector<16xf32>
      tpu.vector_store %arg6[%swap3A_306], %swap3A_309 {strides = array<i32>} : memref<512xf32, #tpu.memory_space<vmem>>, vector<16xf32>,
      %broadcast_in_dim3A_310 = arith.constant 3.000000e+01 : f32
      %broadcast_in_dim3A_311 = vector.broadcast %broadcast_in_dim3A_310 : f32 to vector<16xf32>
      %swap3A_312 = arith.constant 464 : index
      %swap3A_313 = tpu.vector_load %arg7[%swap3A_312] {strides = array<i32>} : memref<512xf32, #tpu.memory_space<vmem>>, vector<16xf32>,
      %swap3A_314 = vector.shape_cast %swap3A_313 : vector<16xf32> to vector<16xf32>
      %swap3A_315 = vector.shape_cast %broadcast_in_dim3A_311 : vector<16xf32> to vector<16xf32>
      tpu.vector_store %arg7[%swap3A_312], %swap3A_315 {strides = array<i32>} : memref<512xf32, #tpu.memory_space<vmem>>, vector<16xf32>,
      %swap3A_316 = arith.constant 480 : index
      %swap3A_317 = tpu.vector_load %arg6[%swap3A_316] {strides = array<i32>} : memref<512xf32, #tpu.memory_space<vmem>>, vector<16xf32>,
      %swap3A_318 = vector.shape_cast %swap3A_317 : vector<16xf32> to vector<16xf32>
      %swap3A_319 = vector.shape_cast %broadcast_in_dim3A_12 : vector<16xf32> to vector<16xf32>
      tpu.vector_store %arg6[%swap3A_316], %swap3A_319 {strides = array<i32>} : memref<512xf32, #tpu.memory_space<vmem>>, vector<16xf32>,
      %broadcast_in_dim3A_320 = arith.constant 3.100000e+01 : f32
      %broadcast_in_dim3A_321 = vector.broadcast %broadcast_in_dim3A_320 : f32 to vector<16xf32>
      %swap3A_322 = arith.constant 480 : index
      %swap3A_323 = tpu.vector_load %arg7[%swap3A_322] {strides = array<i32>} : memref<512xf32, #tpu.memory_space<vmem>>, vector<16xf32>,
      %swap3A_324 = vector.shape_cast %swap3A_323 : vector<16xf32> to vector<16xf32>
      %swap3A_325 = vector.shape_cast %broadcast_in_dim3A_321 : vector<16xf32> to vector<16xf32>
      tpu.vector_store %arg7[%swap3A_322], %swap3A_325 {strides = array<i32>} : memref<512xf32, #tpu.memory_space<vmem>>, vector<16xf32>,
      %swap3A_326 = arith.constant 496 : index
      %swap3A_327 = tpu.vector_load %arg6[%swap3A_326] {strides = array<i32>} : memref<512xf32, #tpu.memory_space<vmem>>, vector<16xf32>,
      %swap3A_328 = vector.shape_cast %swap3A_327 : vector<16xf32> to vector<16xf32>
      %swap3A_329 = vector.shape_cast %broadcast_in_dim3A_12 : vector<16xf32> to vector<16xf32>
      tpu.vector_store %arg6[%swap3A_326], %swap3A_329 {strides = array<i32>} : memref<512xf32, #tpu.memory_space<vmem>>, vector<16xf32>,
      %broadcast_in_dim3A_330 = arith.constant 3.200000e+01 : f32
      %broadcast_in_dim3A_331 = vector.broadcast %broadcast_in_dim3A_330 : f32 to vector<16xf32>
      %swap3A_332 = arith.constant 496 : index
      %swap3A_333 = tpu.vector_load %arg7[%swap3A_332] {strides = array<i32>} : memref<512xf32, #tpu.memory_space<vmem>>, vector<16xf32>,
      %swap3A_334 = vector.shape_cast %swap3A_333 : vector<16xf32> to vector<16xf32>
      %swap3A_335 = vector.shape_cast %broadcast_in_dim3A_331 : vector<16xf32> to vector<16xf32>
      tpu.vector_store %arg7[%swap3A_332], %swap3A_335 {strides = array<i32>} : memref<512xf32, #tpu.memory_space<vmem>>, vector<16xf32>,
      %broadcast_in_dim3A_336 = arith.constant 3.200000e+01 : f32
      %broadcast_in_dim3A_337 = vector.broadcast %broadcast_in_dim3A_336 : f32 to vector<16xf32>
      %swap3A_338 = arith.constant 0 : index
      %swap3A_339 = tpu.vector_load %arg9[%swap3A_338] {strides = array<i32>} : memref<16xf32, #tpu.memory_space<vmem>>, vector<16xf32>,
      %swap3A_340 = vector.shape_cast %swap3A_339 : vector<16xf32> to vector<16xf32>
      %swap3A_341 = vector.shape_cast %broadcast_in_dim3A_337 : vector<16xf32> to vector<16xf32>
      tpu.vector_store %arg9[%swap3A_338], %swap3A_341 {strides = array<i32>} : memref<16xf32, #tpu.memory_space<vmem>>, vector<16xf32>,
      %scan3A_342 = arith.constant 0 : i32
      %scan3A_343 = arith.constant 32 : i32
      %scan3A_344 = arith.addi %scan3A_342, %scan3A_343 : i32
      %scan3A_345 = arith.constant 1 : i32
      scf.for %scan3A_359 = %scan3A_342 to %scan3A_344 step %scan3A_345  : i32 {
        %mul3A = arith.constant 1 : i32
        %mul3A_360 = arith.muli %scan3A_359, %mul3A : i32
        %add3A = arith.constant 0 : i32
        %add3A_361 = arith.addi %add3A, %mul3A_360 : i32
        %mul3A_362 = arith.constant 512 : i32
        %mul3A_363 = arith.muli %add3A_361, %mul3A_362 : i32
        %get3A = arith.constant 0 : index
        %get3A_364 = tpu.vector_load %arg9[%get3A] {strides = array<i32>} : memref<16xf32, #tpu.memory_space<vmem>>, vector<16xf32>,
        %get3A_365 = vector.shape_cast %get3A_364 : vector<16xf32> to vector<16xf32>
        %sub3A = arith.subf %broadcast_in_dim3A_12, %get3A_365 : vector<16xf32>
        %broadcast_in_dim3A_366 = arith.constant 0.000000e+00 : f32
        %broadcast_in_dim3A_367 = vector.broadcast %broadcast_in_dim3A_366 : f32 to vector<16xf32>
        %add3A_368 = arith.constant 0 : i32
        %add3A_369 = arith.addi %mul3A_363, %add3A_368 : i32
        %get3A_370 = arith.constant 0 : index
        %get3A_371 = tpu.vector_load %arg6[%get3A_370] {strides = array<i32>} : memref<512xf32, #tpu.memory_space<vmem>>, vector<16xf32>,
        %get3A_372 = vector.shape_cast %get3A_371 : vector<16xf32> to vector<16xf32>
        %get3A_373 = arith.constant 0 : index
        %get3A_374 = tpu.vector_load %arg7[%get3A_373] {strides = array<i32>} : memref<512xf32, #tpu.memory_space<vmem>>, vector<16xf32>,
        %get3A_375 = vector.shape_cast %get3A_374 : vector<16xf32> to vector<16xf32>
        %add3A_376 = arith.addf %sub3A, %get3A_375 : vector<16xf32>
        %max3A = arith.constant 0.000000e+00 : f32
        %max3A_377 = vector.broadcast %max3A : f32 to vector<16xf32>
        %max3A_378 = arith.maximumf %add3A_376, %max3A_377 : vector<16xf32>
        %min3A = arith.minimumf %broadcast_in_dim3A_12, %get3A_372 : vector<16xf32>
        %get3A_379 = arith.index_cast %add3A_369 : i32 to index
        %get3A_380 = tpu.vector_load %arg8[%get3A_379] {strides = array<i32>} : memref<16384xf32, #tpu.memory_space<vmem>>, vector<16xf32>,
        %get3A_381 = vector.shape_cast %get3A_380 : vector<16xf32> to vector<16xf32>
        %sub3A_382 = arith.subf %min3A, %max3A_378 : vector<16xf32>
        %mul3A_383 = arith.mulf %get3A_381, %sub3A_382 : vector<16xf32>
        %add3A_384 = arith.addf %max3A_378, %mul3A_383 : vector<16xf32>
        %swap3A_385 = arith.index_cast %add3A_369 : i32 to index
        %swap3A_386 = tpu.vector_load %arg5[%swap3A_385] {strides = array<i32>} : memref<16384xf32, #tpu.memory_space<vmem>>, vector<16xf32>,
        %swap3A_387 = vector.shape_cast %swap3A_386 : vector<16xf32> to vector<16xf32>
        %swap3A_388 = vector.shape_cast %add3A_384 : vector<16xf32> to vector<16xf32>
        tpu.vector_store %arg5[%swap3A_385], %swap3A_388 {strides = array<i32>} : memref<16384xf32, #tpu.memory_space<vmem>>, vector<16xf32>,
        %sub3A_389 = arith.subf %get3A_372, %add3A_384 : vector<16xf32>
        %swap3A_390 = arith.constant 0 : index
        %swap3A_391 = tpu.vector_load %arg6[%swap3A_390] {strides = array<i32>} : memref<512xf32, #tpu.memory_space<vmem>>, vector<16xf32>,
        %swap3A_392 = vector.shape_cast %swap3A_391 : vector<16xf32> to vector<16xf32>
        %swap3A_393 = vector.shape_cast %sub3A_389 : vector<16xf32> to vector<16xf32>
        tpu.vector_store %arg6[%swap3A_390], %swap3A_393 {strides = array<i32>} : memref<512xf32, #tpu.memory_space<vmem>>, vector<16xf32>,
        %max3A_394 = arith.constant 0.000000e+00 : f32
        %max3A_395 = vector.broadcast %max3A_394 : f32 to vector<16xf32>
        %max3A_396 = arith.maximumf %sub3A_389, %max3A_395 : vector<16xf32>
        %add3A_397 = arith.addf %broadcast_in_dim3A_367, %max3A_396 : vector<16xf32>
        %swap3A_398 = arith.constant 0 : index
        %swap3A_399 = tpu.vector_load %arg7[%swap3A_398] {strides = array<i32>} : memref<512xf32, #tpu.memory_space<vmem>>, vector<16xf32>,
        %swap3A_400 = vector.shape_cast %swap3A_399 : vector<16xf32> to vector<16xf32>
        %swap3A_401 = vector.shape_cast %add3A_397 : vector<16xf32> to vector<16xf32>
        tpu.vector_store %arg7[%swap3A_398], %swap3A_401 {strides = array<i32>} : memref<512xf32, #tpu.memory_space<vmem>>, vector<16xf32>,
        %sub3A_402 = arith.subf %broadcast_in_dim3A_12, %add3A_384 : vector<16xf32>
        %sub3A_403 = arith.subf %sub3A, %add3A_384 : vector<16xf32>
        %add3A_404 = arith.constant 16 : i32
        %add3A_405 = arith.addi %mul3A_363, %add3A_404 : i32
        %get3A_406 = arith.constant 16 : index
        %get3A_407 = tpu.vector_load %arg6[%get3A_406] {strides = array<i32>} : memref<512xf32, #tpu.memory_space<vmem>>, vector<16xf32>,
        %get3A_408 = vector.shape_cast %get3A_407 : vector<16xf32> to vector<16xf32>
        %get3A_409 = arith.constant 16 : index
        %get3A_410 = tpu.vector_load %arg7[%get3A_409] {strides = array<i32>} : memref<512xf32, #tpu.memory_space<vmem>>, vector<16xf32>,
        %get3A_411 = vector.shape_cast %get3A_410 : vector<16xf32> to vector<16xf32>
        %add3A_412 = arith.addf %sub3A_403, %get3A_411 : vector<16xf32>
        %max3A_413 = arith.constant 0.000000e+00 : f32
        %max3A_414 = vector.broadcast %max3A_413 : f32 to vector<16xf32>
        %max3A_415 = arith.maximumf %add3A_412, %max3A_414 : vector<16xf32>
        %min3A_416 = arith.minimumf %sub3A_402, %get3A_408 : vector<16xf32>
        %get3A_417 = arith.index_cast %add3A_405 : i32 to index
        %get3A_418 = tpu.vector_load %arg8[%get3A_417] {strides = array<i32>} : memref<16384xf32, #tpu.memory_space<vmem>>, vector<16xf32>,
        %get3A_419 = vector.shape_cast %get3A_418 : vector<16xf32> to vector<16xf32>
        %sub3A_420 = arith.subf %min3A_416, %max3A_415 : vector<16xf32>
        %mul3A_421 = arith.mulf %get3A_419, %sub3A_420 : vector<16xf32>
        %add3A_422 = arith.addf %max3A_415, %mul3A_421 : vector<16xf32>
        %swap3A_423 = arith.index_cast %add3A_405 : i32 to index
        %swap3A_424 = tpu.vector_load %arg5[%swap3A_423] {strides = array<i32>} : memref<16384xf32, #tpu.memory_space<vmem>>, vector<16xf32>,
        %swap3A_425 = vector.shape_cast %swap3A_424 : vector<16xf32> to vector<16xf32>
        %swap3A_426 = vector.shape_cast %add3A_422 : vector<16xf32> to vector<16xf32>
        tpu.vector_store %arg5[%swap3A_423], %swap3A_426 {strides = array<i32>} : memref<16384xf32, #tpu.memory_space<vmem>>, vector<16xf32>,
        %sub3A_427 = arith.subf %get3A_408, %add3A_422 : vector<16xf32>
        %swap3A_428 = arith.constant 16 : index
        %swap3A_429 = tpu.vector_load %arg6[%swap3A_428] {strides = array<i32>} : memref<512xf32, #tpu.memory_space<vmem>>, vector<16xf32>,
        %swap3A_430 = vector.shape_cast %swap3A_429 : vector<16xf32> to vector<16xf32>
        %swap3A_431 = vector.shape_cast %sub3A_427 : vector<16xf32> to vector<16xf32>
        tpu.vector_store %arg6[%swap3A_428], %swap3A_431 {strides = array<i32>} : memref<512xf32, #tpu.memory_space<vmem>>, vector<16xf32>,
        %max3A_432 = arith.constant 0.000000e+00 : f32
        %max3A_433 = vector.broadcast %max3A_432 : f32 to vector<16xf32>
        %max3A_434 = arith.maximumf %sub3A_427, %max3A_433 : vector<16xf32>
        %add3A_435 = arith.addf %add3A_397, %max3A_434 : vector<16xf32>
        %swap3A_436 = arith.constant 16 : index
        %swap3A_437 = tpu.vector_load %arg7[%swap3A_436] {strides = array<i32>} : memref<512xf32, #tpu.memory_space<vmem>>, vector<16xf32>,
        %swap3A_438 = vector.shape_cast %swap3A_437 : vector<16xf32> to vector<16xf32>
        %swap3A_439 = vector.shape_cast %add3A_435 : vector<16xf32> to vector<16xf32>
        tpu.vector_store %arg7[%swap3A_436], %swap3A_439 {strides = array<i32>} : memref<512xf32, #tpu.memory_space<vmem>>, vector<16xf32>,
        %sub3A_440 = arith.subf %sub3A_402, %add3A_422 : vector<16xf32>
        %sub3A_441 = arith.subf %sub3A_403, %add3A_422 : vector<16xf32>
        %add3A_442 = arith.constant 32 : i32
        %add3A_443 = arith.addi %mul3A_363, %add3A_442 : i32
        %get3A_444 = arith.constant 32 : index
        %get3A_445 = tpu.vector_load %arg6[%get3A_444] {strides = array<i32>} : memref<512xf32, #tpu.memory_space<vmem>>, vector<16xf32>,
        %get3A_446 = vector.shape_cast %get3A_445 : vector<16xf32> to vector<16xf32>
        %get3A_447 = arith.constant 32 : index
        %get3A_448 = tpu.vector_load %arg7[%get3A_447] {strides = array<i32>} : memref<512xf32, #tpu.memory_space<vmem>>, vector<16xf32>,
        %get3A_449 = vector.shape_cast %get3A_448 : vector<16xf32> to vector<16xf32>
        %add3A_450 = arith.addf %sub3A_441, %get3A_449 : vector<16xf32>
        %max3A_451 = arith.constant 0.000000e+00 : f32
        %max3A_452 = vector.broadcast %max3A_451 : f32 to vector<16xf32>
        %max3A_453 = arith.maximumf %add3A_450, %max3A_452 : vector<16xf32>
        %min3A_454 = arith.minimumf %sub3A_440, %get3A_446 : vector<16xf32>
        %get3A_455 = arith.index_cast %add3A_443 : i32 to index
        %get3A_456 = tpu.vector_load %arg8[%get3A_455] {strides = array<i32>} : memref<16384xf32, #tpu.memory_space<vmem>>, vector<16xf32>,
        %get3A_457 = vector.shape_cast %get3A_456 : vector<16xf32> to vector<16xf32>
        %sub3A_458 = arith.subf %min3A_454, %max3A_453 : vector<16xf32>
        %mul3A_459 = arith.mulf %get3A_457, %sub3A_458 : vector<16xf32>
        %add3A_460 = arith.addf %max3A_453, %mul3A_459 : vector<16xf32>
        %swap3A_461 = arith.index_cast %add3A_443 : i32 to index
        %swap3A_462 = tpu.vector_load %arg5[%swap3A_461] {strides = array<i32>} : memref<16384xf32, #tpu.memory_space<vmem>>, vector<16xf32>,
        %swap3A_463 = vector.shape_cast %swap3A_462 : vector<16xf32> to vector<16xf32>
        %swap3A_464 = vector.shape_cast %add3A_460 : vector<16xf32> to vector<16xf32>
        tpu.vector_store %arg5[%swap3A_461], %swap3A_464 {strides = array<i32>} : memref<16384xf32, #tpu.memory_space<vmem>>, vector<16xf32>,
        %sub3A_465 = arith.subf %get3A_446, %add3A_460 : vector<16xf32>
        %swap3A_466 = arith.constant 32 : index
        %swap3A_467 = tpu.vector_load %arg6[%swap3A_466] {strides = array<i32>} : memref<512xf32, #tpu.memory_space<vmem>>, vector<16xf32>,
        %swap3A_468 = vector.shape_cast %swap3A_467 : vector<16xf32> to vector<16xf32>
        %swap3A_469 = vector.shape_cast %sub3A_465 : vector<16xf32> to vector<16xf32>
        tpu.vector_store %arg6[%swap3A_466], %swap3A_469 {strides = array<i32>} : memref<512xf32, #tpu.memory_space<vmem>>, vector<16xf32>,
        %max3A_470 = arith.constant 0.000000e+00 : f32
        %max3A_471 = vector.broadcast %max3A_470 : f32 to vector<16xf32>
        %max3A_472 = arith.maximumf %sub3A_465, %max3A_471 : vector<16xf32>
        %add3A_473 = arith.addf %add3A_435, %max3A_472 : vector<16xf32>
        %swap3A_474 = arith.constant 32 : index
        %swap3A_475 = tpu.vector_load %arg7[%swap3A_474] {strides = array<i32>} : memref<512xf32, #tpu.memory_space<vmem>>, vector<16xf32>,
        %swap3A_476 = vector.shape_cast %swap3A_475 : vector<16xf32> to vector<16xf32>
        %swap3A_477 = vector.shape_cast %add3A_473 : vector<16xf32> to vector<16xf32>
        tpu.vector_store %arg7[%swap3A_474], %swap3A_477 {strides = array<i32>} : memref<512xf32, #tpu.memory_space<vmem>>, vector<16xf32>,
        %sub3A_478 = arith.subf %sub3A_440, %add3A_460 : vector<16xf32>
        %sub3A_479 = arith.subf %sub3A_441, %add3A_460 : vector<16xf32>
        %add3A_480 = arith.constant 48 : i32
        %add3A_481 = arith.addi %mul3A_363, %add3A_480 : i32
        %get3A_482 = arith.constant 48 : index
        %get3A_483 = tpu.vector_load %arg6[%get3A_482] {strides = array<i32>} : memref<512xf32, #tpu.memory_space<vmem>>, vector<16xf32>,
        %get3A_484 = vector.shape_cast %get3A_483 : vector<16xf32> to vector<16xf32>
        %get3A_485 = arith.constant 48 : index
        %get3A_486 = tpu.vector_load %arg7[%get3A_485] {strides = array<i32>} : memref<512xf32, #tpu.memory_space<vmem>>, vector<16xf32>,
        %get3A_487 = vector.shape_cast %get3A_486 : vector<16xf32> to vector<16xf32>
        %add3A_488 = arith.addf %sub3A_479, %get3A_487 : vector<16xf32>
        %max3A_489 = arith.constant 0.000000e+00 : f32
        %max3A_490 = vector.broadcast %max3A_489 : f32 to vector<16xf32>
        %max3A_491 = arith.maximumf %add3A_488, %max3A_490 : vector<16xf32>
        %min3A_492 = arith.minimumf %sub3A_478, %get3A_484 : vector<16xf32>
        %get3A_493 = arith.index_cast %add3A_481 : i32 to index
        %get3A_494 = tpu.vector_load %arg8[%get3A_493] {strides = array<i32>} : memref<16384xf32, #tpu.memory_space<vmem>>, vector<16xf32>,
        %get3A_495 = vector.shape_cast %get3A_494 : vector<16xf32> to vector<16xf32>
        %sub3A_496 = arith.subf %min3A_492, %max3A_491 : vector<16xf32>
        %mul3A_497 = arith.mulf %get3A_495, %sub3A_496 : vector<16xf32>
        %add3A_498 = arith.addf %max3A_491, %mul3A_497 : vector<16xf32>
        %swap3A_499 = arith.index_cast %add3A_481 : i32 to index
        %swap3A_500 = tpu.vector_load %arg5[%swap3A_499] {strides = array<i32>} : memref<16384xf32, #tpu.memory_space<vmem>>, vector<16xf32>,
        %swap3A_501 = vector.shape_cast %swap3A_500 : vector<16xf32> to vector<16xf32>
        %swap3A_502 = vector.shape_cast %add3A_498 : vector<16xf32> to vector<16xf32>
        tpu.vector_store %arg5[%swap3A_499], %swap3A_502 {strides = array<i32>} : memref<16384xf32, #tpu.memory_space<vmem>>, vector<16xf32>,
        %sub3A_503 = arith.subf %get3A_484, %add3A_498 : vector<16xf32>
        %swap3A_504 = arith.constant 48 : index
        %swap3A_505 = tpu.vector_load %arg6[%swap3A_504] {strides = array<i32>} : memref<512xf32, #tpu.memory_space<vmem>>, vector<16xf32>,
        %swap3A_506 = vector.shape_cast %swap3A_505 : vector<16xf32> to vector<16xf32>
        %swap3A_507 = vector.shape_cast %sub3A_503 : vector<16xf32> to vector<16xf32>
        tpu.vector_store %arg6[%swap3A_504], %swap3A_507 {strides = array<i32>} : memref<512xf32, #tpu.memory_space<vmem>>, vector<16xf32>,
        %max3A_508 = arith.constant 0.000000e+00 : f32
        %max3A_509 = vector.broadcast %max3A_508 : f32 to vector<16xf32>
        %max3A_510 = arith.maximumf %sub3A_503, %max3A_509 : vector<16xf32>
        %add3A_511 = arith.addf %add3A_473, %max3A_510 : vector<16xf32>
        %swap3A_512 = arith.constant 48 : index
        %swap3A_513 = tpu.vector_load %arg7[%swap3A_512] {strides = array<i32>} : memref<512xf32, #tpu.memory_space<vmem>>, vector<16xf32>,
        %swap3A_514 = vector.shape_cast %swap3A_513 : vector<16xf32> to vector<16xf32>
        %swap3A_515 = vector.shape_cast %add3A_511 : vector<16xf32> to vector<16xf32>
        tpu.vector_store %arg7[%swap3A_512], %swap3A_515 {strides = array<i32>} : memref<512xf32, #tpu.memory_space<vmem>>, vector<16xf32>,
        %sub3A_516 = arith.subf %sub3A_478, %add3A_498 : vector<16xf32>
        %sub3A_517 = arith.subf %sub3A_479, %add3A_498 : vector<16xf32>
        %add3A_518 = arith.constant 64 : i32
        %add3A_519 = arith.addi %mul3A_363, %add3A_518 : i32
        %get3A_520 = arith.constant 64 : index
        %get3A_521 = tpu.vector_load %arg6[%get3A_520] {strides = array<i32>} : memref<512xf32, #tpu.memory_space<vmem>>, vector<16xf32>,
        %get3A_522 = vector.shape_cast %get3A_521 : vector<16xf32> to vector<16xf32>
        %get3A_523 = arith.constant 64 : index
        %get3A_524 = tpu.vector_load %arg7[%get3A_523] {strides = array<i32>} : memref<512xf32, #tpu.memory_space<vmem>>, vector<16xf32>,
        %get3A_525 = vector.shape_cast %get3A_524 : vector<16xf32> to vector<16xf32>
        %add3A_526 = arith.addf %sub3A_517, %get3A_525 : vector<16xf32>
        %max3A_527 = arith.constant 0.000000e+00 : f32
        %max3A_528 = vector.broadcast %max3A_527 : f32 to vector<16xf32>
        %max3A_529 = arith.maximumf %add3A_526, %max3A_528 : vector<16xf32>
        %min3A_530 = arith.minimumf %sub3A_516, %get3A_522 : vector<16xf32>
        %get3A_531 = arith.index_cast %add3A_519 : i32 to index
        %get3A_532 = tpu.vector_load %arg8[%get3A_531] {strides = array<i32>} : memref<16384xf32, #tpu.memory_space<vmem>>, vector<16xf32>,
        %get3A_533 = vector.shape_cast %get3A_532 : vector<16xf32> to vector<16xf32>
        %sub3A_534 = arith.subf %min3A_530, %max3A_529 : vector<16xf32>
        %mul3A_535 = arith.mulf %get3A_533, %sub3A_534 : vector<16xf32>
        %add3A_536 = arith.addf %max3A_529, %mul3A_535 : vector<16xf32>
        %swap3A_537 = arith.index_cast %add3A_519 : i32 to index
        %swap3A_538 = tpu.vector_load %arg5[%swap3A_537] {strides = array<i32>} : memref<16384xf32, #tpu.memory_space<vmem>>, vector<16xf32>,
        %swap3A_539 = vector.shape_cast %swap3A_538 : vector<16xf32> to vector<16xf32>
        %swap3A_540 = vector.shape_cast %add3A_536 : vector<16xf32> to vector<16xf32>
        tpu.vector_store %arg5[%swap3A_537], %swap3A_540 {strides = array<i32>} : memref<16384xf32, #tpu.memory_space<vmem>>, vector<16xf32>,
        %sub3A_541 = arith.subf %get3A_522, %add3A_536 : vector<16xf32>
        %swap3A_542 = arith.constant 64 : index
        %swap3A_543 = tpu.vector_load %arg6[%swap3A_542] {strides = array<i32>} : memref<512xf32, #tpu.memory_space<vmem>>, vector<16xf32>,
        %swap3A_544 = vector.shape_cast %swap3A_543 : vector<16xf32> to vector<16xf32>
        %swap3A_545 = vector.shape_cast %sub3A_541 : vector<16xf32> to vector<16xf32>
        tpu.vector_store %arg6[%swap3A_542], %swap3A_545 {strides = array<i32>} : memref<512xf32, #tpu.memory_space<vmem>>, vector<16xf32>,
        %max3A_546 = arith.constant 0.000000e+00 : f32
        %max3A_547 = vector.broadcast %max3A_546 : f32 to vector<16xf32>
        %max3A_548 = arith.maximumf %sub3A_541, %max3A_547 : vector<16xf32>
        %add3A_549 = arith.addf %add3A_511, %max3A_548 : vector<16xf32>
        %swap3A_550 = arith.constant 64 : index
        %swap3A_551 = tpu.vector_load %arg7[%swap3A_550] {strides = array<i32>} : memref<512xf32, #tpu.memory_space<vmem>>, vector<16xf32>,
        %swap3A_552 = vector.shape_cast %swap3A_551 : vector<16xf32> to vector<16xf32>
        %swap3A_553 = vector.shape_cast %add3A_549 : vector<16xf32> to vector<16xf32>
        tpu.vector_store %arg7[%swap3A_550], %swap3A_553 {strides = array<i32>} : memref<512xf32, #tpu.memory_space<vmem>>, vector<16xf32>,
        %sub3A_554 = arith.subf %sub3A_516, %add3A_536 : vector<16xf32>
        %sub3A_555 = arith.subf %sub3A_517, %add3A_536 : vector<16xf32>
        %add3A_556 = arith.constant 80 : i32
        %add3A_557 = arith.addi %mul3A_363, %add3A_556 : i32
        %get3A_558 = arith.constant 80 : index
        %get3A_559 = tpu.vector_load %arg6[%get3A_558] {strides = array<i32>} : memref<512xf32, #tpu.memory_space<vmem>>, vector<16xf32>,
        %get3A_560 = vector.shape_cast %get3A_559 : vector<16xf32> to vector<16xf32>
        %get3A_561 = arith.constant 80 : index
        %get3A_562 = tpu.vector_load %arg7[%get3A_561] {strides = array<i32>} : memref<512xf32, #tpu.memory_space<vmem>>, vector<16xf32>,
        %get3A_563 = vector.shape_cast %get3A_562 : vector<16xf32> to vector<16xf32>
        %add3A_564 = arith.addf %sub3A_555, %get3A_563 : vector<16xf32>
        %max3A_565 = arith.constant 0.000000e+00 : f32
        %max3A_566 = vector.broadcast %max3A_565 : f32 to vector<16xf32>
        %max3A_567 = arith.maximumf %add3A_564, %max3A_566 : vector<16xf32>
        %min3A_568 = arith.minimumf %sub3A_554, %get3A_560 : vector<16xf32>
        %get3A_569 = arith.index_cast %add3A_557 : i32 to index
        %get3A_570 = tpu.vector_load %arg8[%get3A_569] {strides = array<i32>} : memref<16384xf32, #tpu.memory_space<vmem>>, vector<16xf32>,
        %get3A_571 = vector.shape_cast %get3A_570 : vector<16xf32> to vector<16xf32>
        %sub3A_572 = arith.subf %min3A_568, %max3A_567 : vector<16xf32>
        %mul3A_573 = arith.mulf %get3A_571, %sub3A_572 : vector<16xf32>
        %add3A_574 = arith.addf %max3A_567, %mul3A_573 : vector<16xf32>
        %swap3A_575 = arith.index_cast %add3A_557 : i32 to index
        %swap3A_576 = tpu.vector_load %arg5[%swap3A_575] {strides = array<i32>} : memref<16384xf32, #tpu.memory_space<vmem>>, vector<16xf32>,
        %swap3A_577 = vector.shape_cast %swap3A_576 : vector<16xf32> to vector<16xf32>
        %swap3A_578 = vector.shape_cast %add3A_574 : vector<16xf32> to vector<16xf32>
        tpu.vector_store %arg5[%swap3A_575], %swap3A_578 {strides = array<i32>} : memref<16384xf32, #tpu.memory_space<vmem>>, vector<16xf32>,
        %sub3A_579 = arith.subf %get3A_560, %add3A_574 : vector<16xf32>
        %swap3A_580 = arith.constant 80 : index
        %swap3A_581 = tpu.vector_load %arg6[%swap3A_580] {strides = array<i32>} : memref<512xf32, #tpu.memory_space<vmem>>, vector<16xf32>,
        %swap3A_582 = vector.shape_cast %swap3A_581 : vector<16xf32> to vector<16xf32>
        %swap3A_583 = vector.shape_cast %sub3A_579 : vector<16xf32> to vector<16xf32>
        tpu.vector_store %arg6[%swap3A_580], %swap3A_583 {strides = array<i32>} : memref<512xf32, #tpu.memory_space<vmem>>, vector<16xf32>,
        %max3A_584 = arith.constant 0.000000e+00 : f32
        %max3A_585 = vector.broadcast %max3A_584 : f32 to vector<16xf32>
        %max3A_586 = arith.maximumf %sub3A_579, %max3A_585 : vector<16xf32>
        %add3A_587 = arith.addf %add3A_549, %max3A_586 : vector<16xf32>
        %swap3A_588 = arith.constant 80 : index
        %swap3A_589 = tpu.vector_load %arg7[%swap3A_588] {strides = array<i32>} : memref<512xf32, #tpu.memory_space<vmem>>, vector<16xf32>,
        %swap3A_590 = vector.shape_cast %swap3A_589 : vector<16xf32> to vector<16xf32>
        %swap3A_591 = vector.shape_cast %add3A_587 : vector<16xf32> to vector<16xf32>
        tpu.vector_store %arg7[%swap3A_588], %swap3A_591 {strides = array<i32>} : memref<512xf32, #tpu.memory_space<vmem>>, vector<16xf32>,
        %sub3A_592 = arith.subf %sub3A_554, %add3A_574 : vector<16xf32>
        %sub3A_593 = arith.subf %sub3A_555, %add3A_574 : vector<16xf32>
        %add3A_594 = arith.constant 96 : i32
        %add3A_595 = arith.addi %mul3A_363, %add3A_594 : i32
        %get3A_596 = arith.constant 96 : index
        %get3A_597 = tpu.vector_load %arg6[%get3A_596] {strides = array<i32>} : memref<512xf32, #tpu.memory_space<vmem>>, vector<16xf32>,
        %get3A_598 = vector.shape_cast %get3A_597 : vector<16xf32> to vector<16xf32>
        %get3A_599 = arith.constant 96 : index
        %get3A_600 = tpu.vector_load %arg7[%get3A_599] {strides = array<i32>} : memref<512xf32, #tpu.memory_space<vmem>>, vector<16xf32>,
        %get3A_601 = vector.shape_cast %get3A_600 : vector<16xf32> to vector<16xf32>
        %add3A_602 = arith.addf %sub3A_593, %get3A_601 : vector<16xf32>
        %max3A_603 = arith.constant 0.000000e+00 : f32
        %max3A_604 = vector.broadcast %max3A_603 : f32 to vector<16xf32>
        %max3A_605 = arith.maximumf %add3A_602, %max3A_604 : vector<16xf32>
        %min3A_606 = arith.minimumf %sub3A_592, %get3A_598 : vector<16xf32>
        %get3A_607 = arith.index_cast %add3A_595 : i32 to index
        %get3A_608 = tpu.vector_load %arg8[%get3A_607] {strides = array<i32>} : memref<16384xf32, #tpu.memory_space<vmem>>, vector<16xf32>,
        %get3A_609 = vector.shape_cast %get3A_608 : vector<16xf32> to vector<16xf32>
        %sub3A_610 = arith.subf %min3A_606, %max3A_605 : vector<16xf32>
        %mul3A_611 = arith.mulf %get3A_609, %sub3A_610 : vector<16xf32>
        %add3A_612 = arith.addf %max3A_605, %mul3A_611 : vector<16xf32>
        %swap3A_613 = arith.index_cast %add3A_595 : i32 to index
        %swap3A_614 = tpu.vector_load %arg5[%swap3A_613] {strides = array<i32>} : memref<16384xf32, #tpu.memory_space<vmem>>, vector<16xf32>,
        %swap3A_615 = vector.shape_cast %swap3A_614 : vector<16xf32> to vector<16xf32>
        %swap3A_616 = vector.shape_cast %add3A_612 : vector<16xf32> to vector<16xf32>
        tpu.vector_store %arg5[%swap3A_613], %swap3A_616 {strides = array<i32>} : memref<16384xf32, #tpu.memory_space<vmem>>, vector<16xf32>,
        %sub3A_617 = arith.subf %get3A_598, %add3A_612 : vector<16xf32>
        %swap3A_618 = arith.constant 96 : index
        %swap3A_619 = tpu.vector_load %arg6[%swap3A_618] {strides = array<i32>} : memref<512xf32, #tpu.memory_space<vmem>>, vector<16xf32>,
        %swap3A_620 = vector.shape_cast %swap3A_619 : vector<16xf32> to vector<16xf32>
        %swap3A_621 = vector.shape_cast %sub3A_617 : vector<16xf32> to vector<16xf32>
        tpu.vector_store %arg6[%swap3A_618], %swap3A_621 {strides = array<i32>} : memref<512xf32, #tpu.memory_space<vmem>>, vector<16xf32>,
        %max3A_622 = arith.constant 0.000000e+00 : f32
        %max3A_623 = vector.broadcast %max3A_622 : f32 to vector<16xf32>
        %max3A_624 = arith.maximumf %sub3A_617, %max3A_623 : vector<16xf32>
        %add3A_625 = arith.addf %add3A_587, %max3A_624 : vector<16xf32>
        %swap3A_626 = arith.constant 96 : index
        %swap3A_627 = tpu.vector_load %arg7[%swap3A_626] {strides = array<i32>} : memref<512xf32, #tpu.memory_space<vmem>>, vector<16xf32>,
        %swap3A_628 = vector.shape_cast %swap3A_627 : vector<16xf32> to vector<16xf32>
        %swap3A_629 = vector.shape_cast %add3A_625 : vector<16xf32> to vector<16xf32>
        tpu.vector_store %arg7[%swap3A_626], %swap3A_629 {strides = array<i32>} : memref<512xf32, #tpu.memory_space<vmem>>, vector<16xf32>,
        %sub3A_630 = arith.subf %sub3A_592, %add3A_612 : vector<16xf32>
        %sub3A_631 = arith.subf %sub3A_593, %add3A_612 : vector<16xf32>
        %add3A_632 = arith.constant 112 : i32
        %add3A_633 = arith.addi %mul3A_363, %add3A_632 : i32
        %get3A_634 = arith.constant 112 : index
        %get3A_635 = tpu.vector_load %arg6[%get3A_634] {strides = array<i32>} : memref<512xf32, #tpu.memory_space<vmem>>, vector<16xf32>,
        %get3A_636 = vector.shape_cast %get3A_635 : vector<16xf32> to vector<16xf32>
        %get3A_637 = arith.constant 112 : index
        %get3A_638 = tpu.vector_load %arg7[%get3A_637] {strides = array<i32>} : memref<512xf32, #tpu.memory_space<vmem>>, vector<16xf32>,
        %get3A_639 = vector.shape_cast %get3A_638 : vector<16xf32> to vector<16xf32>
        %add3A_640 = arith.addf %sub3A_631, %get3A_639 : vector<16xf32>
        %max3A_641 = arith.constant 0.000000e+00 : f32
        %max3A_642 = vector.broadcast %max3A_641 : f32 to vector<16xf32>
        %max3A_643 = arith.maximumf %add3A_640, %max3A_642 : vector<16xf32>
        %min3A_644 = arith.minimumf %sub3A_630, %get3A_636 : vector<16xf32>
        %get3A_645 = arith.index_cast %add3A_633 : i32 to index
        %get3A_646 = tpu.vector_load %arg8[%get3A_645] {strides = array<i32>} : memref<16384xf32, #tpu.memory_space<vmem>>, vector<16xf32>,
        %get3A_647 = vector.shape_cast %get3A_646 : vector<16xf32> to vector<16xf32>
        %sub3A_648 = arith.subf %min3A_644, %max3A_643 : vector<16xf32>
        %mul3A_649 = arith.mulf %get3A_647, %sub3A_648 : vector<16xf32>
        %add3A_650 = arith.addf %max3A_643, %mul3A_649 : vector<16xf32>
        %swap3A_651 = arith.index_cast %add3A_633 : i32 to index
        %swap3A_652 = tpu.vector_load %arg5[%swap3A_651] {strides = array<i32>} : memref<16384xf32, #tpu.memory_space<vmem>>, vector<16xf32>,
        %swap3A_653 = vector.shape_cast %swap3A_652 : vector<16xf32> to vector<16xf32>
        %swap3A_654 = vector.shape_cast %add3A_650 : vector<16xf32> to vector<16xf32>
        tpu.vector_store %arg5[%swap3A_651], %swap3A_654 {strides = array<i32>} : memref<16384xf32, #tpu.memory_space<vmem>>, vector<16xf32>,
        %sub3A_655 = arith.subf %get3A_636, %add3A_650 : vector<16xf32>
        %swap3A_656 = arith.constant 112 : index
        %swap3A_657 = tpu.vector_load %arg6[%swap3A_656] {strides = array<i32>} : memref<512xf32, #tpu.memory_space<vmem>>, vector<16xf32>,
        %swap3A_658 = vector.shape_cast %swap3A_657 : vector<16xf32> to vector<16xf32>
        %swap3A_659 = vector.shape_cast %sub3A_655 : vector<16xf32> to vector<16xf32>
        tpu.vector_store %arg6[%swap3A_656], %swap3A_659 {strides = array<i32>} : memref<512xf32, #tpu.memory_space<vmem>>, vector<16xf32>,
        %max3A_660 = arith.constant 0.000000e+00 : f32
        %max3A_661 = vector.broadcast %max3A_660 : f32 to vector<16xf32>
        %max3A_662 = arith.maximumf %sub3A_655, %max3A_661 : vector<16xf32>
        %add3A_663 = arith.addf %add3A_625, %max3A_662 : vector<16xf32>
        %swap3A_664 = arith.constant 112 : index
        %swap3A_665 = tpu.vector_load %arg7[%swap3A_664] {strides = array<i32>} : memref<512xf32, #tpu.memory_space<vmem>>, vector<16xf32>,
        %swap3A_666 = vector.shape_cast %swap3A_665 : vector<16xf32> to vector<16xf32>
        %swap3A_667 = vector.shape_cast %add3A_663 : vector<16xf32> to vector<16xf32>
        tpu.vector_store %arg7[%swap3A_664], %swap3A_667 {strides = array<i32>} : memref<512xf32, #tpu.memory_space<vmem>>, vector<16xf32>,
        %sub3A_668 = arith.subf %sub3A_630, %add3A_650 : vector<16xf32>
        %sub3A_669 = arith.subf %sub3A_631, %add3A_650 : vector<16xf32>
        %add3A_670 = arith.constant 128 : i32
        %add3A_671 = arith.addi %mul3A_363, %add3A_670 : i32
        %get3A_672 = arith.constant 128 : index
        %get3A_673 = tpu.vector_load %arg6[%get3A_672] {strides = array<i32>} : memref<512xf32, #tpu.memory_space<vmem>>, vector<16xf32>,
        %get3A_674 = vector.shape_cast %get3A_673 : vector<16xf32> to vector<16xf32>
        %get3A_675 = arith.constant 128 : index
        %get3A_676 = tpu.vector_load %arg7[%get3A_675] {strides = array<i32>} : memref<512xf32, #tpu.memory_space<vmem>>, vector<16xf32>,
        %get3A_677 = vector.shape_cast %get3A_676 : vector<16xf32> to vector<16xf32>
        %add3A_678 = arith.addf %sub3A_669, %get3A_677 : vector<16xf32>
        %max3A_679 = arith.constant 0.000000e+00 : f32
        %max3A_680 = vector.broadcast %max3A_679 : f32 to vector<16xf32>
        %max3A_681 = arith.maximumf %add3A_678, %max3A_680 : vector<16xf32>
        %min3A_682 = arith.minimumf %sub3A_668, %get3A_674 : vector<16xf32>
        %get3A_683 = arith.index_cast %add3A_671 : i32 to index
        %get3A_684 = tpu.vector_load %arg8[%get3A_683] {strides = array<i32>} : memref<16384xf32, #tpu.memory_space<vmem>>, vector<16xf32>,
        %get3A_685 = vector.shape_cast %get3A_684 : vector<16xf32> to vector<16xf32>
        %sub3A_686 = arith.subf %min3A_682, %max3A_681 : vector<16xf32>
        %mul3A_687 = arith.mulf %get3A_685, %sub3A_686 : vector<16xf32>
        %add3A_688 = arith.addf %max3A_681, %mul3A_687 : vector<16xf32>
        %swap3A_689 = arith.index_cast %add3A_671 : i32 to index
        %swap3A_690 = tpu.vector_load %arg5[%swap3A_689] {strides = array<i32>} : memref<16384xf32, #tpu.memory_space<vmem>>, vector<16xf32>,
        %swap3A_691 = vector.shape_cast %swap3A_690 : vector<16xf32> to vector<16xf32>
        %swap3A_692 = vector.shape_cast %add3A_688 : vector<16xf32> to vector<16xf32>
        tpu.vector_store %arg5[%swap3A_689], %swap3A_692 {strides = array<i32>} : memref<16384xf32, #tpu.memory_space<vmem>>, vector<16xf32>,
        %sub3A_693 = arith.subf %get3A_674, %add3A_688 : vector<16xf32>
        %swap3A_694 = arith.constant 128 : index
        %swap3A_695 = tpu.vector_load %arg6[%swap3A_694] {strides = array<i32>} : memref<512xf32, #tpu.memory_space<vmem>>, vector<16xf32>,
        %swap3A_696 = vector.shape_cast %swap3A_695 : vector<16xf32> to vector<16xf32>
        %swap3A_697 = vector.shape_cast %sub3A_693 : vector<16xf32> to vector<16xf32>
        tpu.vector_store %arg6[%swap3A_694], %swap3A_697 {strides = array<i32>} : memref<512xf32, #tpu.memory_space<vmem>>, vector<16xf32>,
        %max3A_698 = arith.constant 0.000000e+00 : f32
        %max3A_699 = vector.broadcast %max3A_698 : f32 to vector<16xf32>
        %max3A_700 = arith.maximumf %sub3A_693, %max3A_699 : vector<16xf32>
        %add3A_701 = arith.addf %add3A_663, %max3A_700 : vector<16xf32>
        %swap3A_702 = arith.constant 128 : index
        %swap3A_703 = tpu.vector_load %arg7[%swap3A_702] {strides = array<i32>} : memref<512xf32, #tpu.memory_space<vmem>>, vector<16xf32>,
        %swap3A_704 = vector.shape_cast %swap3A_703 : vector<16xf32> to vector<16xf32>
        %swap3A_705 = vector.shape_cast %add3A_701 : vector<16xf32> to vector<16xf32>
        tpu.vector_store %arg7[%swap3A_702], %swap3A_705 {strides = array<i32>} : memref<512xf32, #tpu.memory_space<vmem>>, vector<16xf32>,
        %sub3A_706 = arith.subf %sub3A_668, %add3A_688 : vector<16xf32>
        %sub3A_707 = arith.subf %sub3A_669, %add3A_688 : vector<16xf32>
        %add3A_708 = arith.constant 144 : i32
        %add3A_709 = arith.addi %mul3A_363, %add3A_708 : i32
        %get3A_710 = arith.constant 144 : index
        %get3A_711 = tpu.vector_load %arg6[%get3A_710] {strides = array<i32>} : memref<512xf32, #tpu.memory_space<vmem>>, vector<16xf32>,
        %get3A_712 = vector.shape_cast %get3A_711 : vector<16xf32> to vector<16xf32>
        %get3A_713 = arith.constant 144 : index
        %get3A_714 = tpu.vector_load %arg7[%get3A_713] {strides = array<i32>} : memref<512xf32, #tpu.memory_space<vmem>>, vector<16xf32>,
        %get3A_715 = vector.shape_cast %get3A_714 : vector<16xf32> to vector<16xf32>
        %add3A_716 = arith.addf %sub3A_707, %get3A_715 : vector<16xf32>
        %max3A_717 = arith.constant 0.000000e+00 : f32
        %max3A_718 = vector.broadcast %max3A_717 : f32 to vector<16xf32>
        %max3A_719 = arith.maximumf %add3A_716, %max3A_718 : vector<16xf32>
        %min3A_720 = arith.minimumf %sub3A_706, %get3A_712 : vector<16xf32>
        %get3A_721 = arith.index_cast %add3A_709 : i32 to index
        %get3A_722 = tpu.vector_load %arg8[%get3A_721] {strides = array<i32>} : memref<16384xf32, #tpu.memory_space<vmem>>, vector<16xf32>,
        %get3A_723 = vector.shape_cast %get3A_722 : vector<16xf32> to vector<16xf32>
        %sub3A_724 = arith.subf %min3A_720, %max3A_719 : vector<16xf32>
        %mul3A_725 = arith.mulf %get3A_723, %sub3A_724 : vector<16xf32>
        %add3A_726 = arith.addf %max3A_719, %mul3A_725 : vector<16xf32>
        %swap3A_727 = arith.index_cast %add3A_709 : i32 to index
        %swap3A_728 = tpu.vector_load %arg5[%swap3A_727] {strides = array<i32>} : memref<16384xf32, #tpu.memory_space<vmem>>, vector<16xf32>,
        %swap3A_729 = vector.shape_cast %swap3A_728 : vector<16xf32> to vector<16xf32>
        %swap3A_730 = vector.shape_cast %add3A_726 : vector<16xf32> to vector<16xf32>
        tpu.vector_store %arg5[%swap3A_727], %swap3A_730 {strides = array<i32>} : memref<16384xf32, #tpu.memory_space<vmem>>, vector<16xf32>,
        %sub3A_731 = arith.subf %get3A_712, %add3A_726 : vector<16xf32>
        %swap3A_732 = arith.constant 144 : index
        %swap3A_733 = tpu.vector_load %arg6[%swap3A_732] {strides = array<i32>} : memref<512xf32, #tpu.memory_space<vmem>>, vector<16xf32>,
        %swap3A_734 = vector.shape_cast %swap3A_733 : vector<16xf32> to vector<16xf32>
        %swap3A_735 = vector.shape_cast %sub3A_731 : vector<16xf32> to vector<16xf32>
        tpu.vector_store %arg6[%swap3A_732], %swap3A_735 {strides = array<i32>} : memref<512xf32, #tpu.memory_space<vmem>>, vector<16xf32>,
        %max3A_736 = arith.constant 0.000000e+00 : f32
        %max3A_737 = vector.broadcast %max3A_736 : f32 to vector<16xf32>
        %max3A_738 = arith.maximumf %sub3A_731, %max3A_737 : vector<16xf32>
        %add3A_739 = arith.addf %add3A_701, %max3A_738 : vector<16xf32>
        %swap3A_740 = arith.constant 144 : index
        %swap3A_741 = tpu.vector_load %arg7[%swap3A_740] {strides = array<i32>} : memref<512xf32, #tpu.memory_space<vmem>>, vector<16xf32>,
        %swap3A_742 = vector.shape_cast %swap3A_741 : vector<16xf32> to vector<16xf32>
        %swap3A_743 = vector.shape_cast %add3A_739 : vector<16xf32> to vector<16xf32>
        tpu.vector_store %arg7[%swap3A_740], %swap3A_743 {strides = array<i32>} : memref<512xf32, #tpu.memory_space<vmem>>, vector<16xf32>,
        %sub3A_744 = arith.subf %sub3A_706, %add3A_726 : vector<16xf32>
        %sub3A_745 = arith.subf %sub3A_707, %add3A_726 : vector<16xf32>
        %add3A_746 = arith.constant 160 : i32
        %add3A_747 = arith.addi %mul3A_363, %add3A_746 : i32
        %get3A_748 = arith.constant 160 : index
        %get3A_749 = tpu.vector_load %arg6[%get3A_748] {strides = array<i32>} : memref<512xf32, #tpu.memory_space<vmem>>, vector<16xf32>,
        %get3A_750 = vector.shape_cast %get3A_749 : vector<16xf32> to vector<16xf32>
        %get3A_751 = arith.constant 160 : index
        %get3A_752 = tpu.vector_load %arg7[%get3A_751] {strides = array<i32>} : memref<512xf32, #tpu.memory_space<vmem>>, vector<16xf32>,
        %get3A_753 = vector.shape_cast %get3A_752 : vector<16xf32> to vector<16xf32>
        %add3A_754 = arith.addf %sub3A_745, %get3A_753 : vector<16xf32>
        %max3A_755 = arith.constant 0.000000e+00 : f32
        %max3A_756 = vector.broadcast %max3A_755 : f32 to vector<16xf32>
        %max3A_757 = arith.maximumf %add3A_754, %max3A_756 : vector<16xf32>
        %min3A_758 = arith.minimumf %sub3A_744, %get3A_750 : vector<16xf32>
        %get3A_759 = arith.index_cast %add3A_747 : i32 to index
        %get3A_760 = tpu.vector_load %arg8[%get3A_759] {strides = array<i32>} : memref<16384xf32, #tpu.memory_space<vmem>>, vector<16xf32>,
        %get3A_761 = vector.shape_cast %get3A_760 : vector<16xf32> to vector<16xf32>
        %sub3A_762 = arith.subf %min3A_758, %max3A_757 : vector<16xf32>
        %mul3A_763 = arith.mulf %get3A_761, %sub3A_762 : vector<16xf32>
        %add3A_764 = arith.addf %max3A_757, %mul3A_763 : vector<16xf32>
        %swap3A_765 = arith.index_cast %add3A_747 : i32 to index
        %swap3A_766 = tpu.vector_load %arg5[%swap3A_765] {strides = array<i32>} : memref<16384xf32, #tpu.memory_space<vmem>>, vector<16xf32>,
        %swap3A_767 = vector.shape_cast %swap3A_766 : vector<16xf32> to vector<16xf32>
        %swap3A_768 = vector.shape_cast %add3A_764 : vector<16xf32> to vector<16xf32>
        tpu.vector_store %arg5[%swap3A_765], %swap3A_768 {strides = array<i32>} : memref<16384xf32, #tpu.memory_space<vmem>>, vector<16xf32>,
        %sub3A_769 = arith.subf %get3A_750, %add3A_764 : vector<16xf32>
        %swap3A_770 = arith.constant 160 : index
        %swap3A_771 = tpu.vector_load %arg6[%swap3A_770] {strides = array<i32>} : memref<512xf32, #tpu.memory_space<vmem>>, vector<16xf32>,
        %swap3A_772 = vector.shape_cast %swap3A_771 : vector<16xf32> to vector<16xf32>
        %swap3A_773 = vector.shape_cast %sub3A_769 : vector<16xf32> to vector<16xf32>
        tpu.vector_store %arg6[%swap3A_770], %swap3A_773 {strides = array<i32>} : memref<512xf32, #tpu.memory_space<vmem>>, vector<16xf32>,
        %max3A_774 = arith.constant 0.000000e+00 : f32
        %max3A_775 = vector.broadcast %max3A_774 : f32 to vector<16xf32>
        %max3A_776 = arith.maximumf %sub3A_769, %max3A_775 : vector<16xf32>
        %add3A_777 = arith.addf %add3A_739, %max3A_776 : vector<16xf32>
        %swap3A_778 = arith.constant 160 : index
        %swap3A_779 = tpu.vector_load %arg7[%swap3A_778] {strides = array<i32>} : memref<512xf32, #tpu.memory_space<vmem>>, vector<16xf32>,
        %swap3A_780 = vector.shape_cast %swap3A_779 : vector<16xf32> to vector<16xf32>
        %swap3A_781 = vector.shape_cast %add3A_777 : vector<16xf32> to vector<16xf32>
        tpu.vector_store %arg7[%swap3A_778], %swap3A_781 {strides = array<i32>} : memref<512xf32, #tpu.memory_space<vmem>>, vector<16xf32>,
        %sub3A_782 = arith.subf %sub3A_744, %add3A_764 : vector<16xf32>
        %sub3A_783 = arith.subf %sub3A_745, %add3A_764 : vector<16xf32>
        %add3A_784 = arith.constant 176 : i32
        %add3A_785 = arith.addi %mul3A_363, %add3A_784 : i32
        %get3A_786 = arith.constant 176 : index
        %get3A_787 = tpu.vector_load %arg6[%get3A_786] {strides = array<i32>} : memref<512xf32, #tpu.memory_space<vmem>>, vector<16xf32>,
        %get3A_788 = vector.shape_cast %get3A_787 : vector<16xf32> to vector<16xf32>
        %get3A_789 = arith.constant 176 : index
        %get3A_790 = tpu.vector_load %arg7[%get3A_789] {strides = array<i32>} : memref<512xf32, #tpu.memory_space<vmem>>, vector<16xf32>,
        %get3A_791 = vector.shape_cast %get3A_790 : vector<16xf32> to vector<16xf32>
        %add3A_792 = arith.addf %sub3A_783, %get3A_791 : vector<16xf32>
        %max3A_793 = arith.constant 0.000000e+00 : f32
        %max3A_794 = vector.broadcast %max3A_793 : f32 to vector<16xf32>
        %max3A_795 = arith.maximumf %add3A_792, %max3A_794 : vector<16xf32>
        %min3A_796 = arith.minimumf %sub3A_782, %get3A_788 : vector<16xf32>
        %get3A_797 = arith.index_cast %add3A_785 : i32 to index
        %get3A_798 = tpu.vector_load %arg8[%get3A_797] {strides = array<i32>} : memref<16384xf32, #tpu.memory_space<vmem>>, vector<16xf32>,
        %get3A_799 = vector.shape_cast %get3A_798 : vector<16xf32> to vector<16xf32>
        %sub3A_800 = arith.subf %min3A_796, %max3A_795 : vector<16xf32>
        %mul3A_801 = arith.mulf %get3A_799, %sub3A_800 : vector<16xf32>
        %add3A_802 = arith.addf %max3A_795, %mul3A_801 : vector<16xf32>
        %swap3A_803 = arith.index_cast %add3A_785 : i32 to index
        %swap3A_804 = tpu.vector_load %arg5[%swap3A_803] {strides = array<i32>} : memref<16384xf32, #tpu.memory_space<vmem>>, vector<16xf32>,
        %swap3A_805 = vector.shape_cast %swap3A_804 : vector<16xf32> to vector<16xf32>
        %swap3A_806 = vector.shape_cast %add3A_802 : vector<16xf32> to vector<16xf32>
        tpu.vector_store %arg5[%swap3A_803], %swap3A_806 {strides = array<i32>} : memref<16384xf32, #tpu.memory_space<vmem>>, vector<16xf32>,
        %sub3A_807 = arith.subf %get3A_788, %add3A_802 : vector<16xf32>
        %swap3A_808 = arith.constant 176 : index
        %swap3A_809 = tpu.vector_load %arg6[%swap3A_808] {strides = array<i32>} : memref<512xf32, #tpu.memory_space<vmem>>, vector<16xf32>,
        %swap3A_810 = vector.shape_cast %swap3A_809 : vector<16xf32> to vector<16xf32>
        %swap3A_811 = vector.shape_cast %sub3A_807 : vector<16xf32> to vector<16xf32>
        tpu.vector_store %arg6[%swap3A_808], %swap3A_811 {strides = array<i32>} : memref<512xf32, #tpu.memory_space<vmem>>, vector<16xf32>,
        %max3A_812 = arith.constant 0.000000e+00 : f32
        %max3A_813 = vector.broadcast %max3A_812 : f32 to vector<16xf32>
        %max3A_814 = arith.maximumf %sub3A_807, %max3A_813 : vector<16xf32>
        %add3A_815 = arith.addf %add3A_777, %max3A_814 : vector<16xf32>
        %swap3A_816 = arith.constant 176 : index
        %swap3A_817 = tpu.vector_load %arg7[%swap3A_816] {strides = array<i32>} : memref<512xf32, #tpu.memory_space<vmem>>, vector<16xf32>,
        %swap3A_818 = vector.shape_cast %swap3A_817 : vector<16xf32> to vector<16xf32>
        %swap3A_819 = vector.shape_cast %add3A_815 : vector<16xf32> to vector<16xf32>
        tpu.vector_store %arg7[%swap3A_816], %swap3A_819 {strides = array<i32>} : memref<512xf32, #tpu.memory_space<vmem>>, vector<16xf32>,
        %sub3A_820 = arith.subf %sub3A_782, %add3A_802 : vector<16xf32>
        %sub3A_821 = arith.subf %sub3A_783, %add3A_802 : vector<16xf32>
        %add3A_822 = arith.constant 192 : i32
        %add3A_823 = arith.addi %mul3A_363, %add3A_822 : i32
        %get3A_824 = arith.constant 192 : index
        %get3A_825 = tpu.vector_load %arg6[%get3A_824] {strides = array<i32>} : memref<512xf32, #tpu.memory_space<vmem>>, vector<16xf32>,
        %get3A_826 = vector.shape_cast %get3A_825 : vector<16xf32> to vector<16xf32>
        %get3A_827 = arith.constant 192 : index
        %get3A_828 = tpu.vector_load %arg7[%get3A_827] {strides = array<i32>} : memref<512xf32, #tpu.memory_space<vmem>>, vector<16xf32>,
        %get3A_829 = vector.shape_cast %get3A_828 : vector<16xf32> to vector<16xf32>
        %add3A_830 = arith.addf %sub3A_821, %get3A_829 : vector<16xf32>
        %max3A_831 = arith.constant 0.000000e+00 : f32
        %max3A_832 = vector.broadcast %max3A_831 : f32 to vector<16xf32>
        %max3A_833 = arith.maximumf %add3A_830, %max3A_832 : vector<16xf32>
        %min3A_834 = arith.minimumf %sub3A_820, %get3A_826 : vector<16xf32>
        %get3A_835 = arith.index_cast %add3A_823 : i32 to index
        %get3A_836 = tpu.vector_load %arg8[%get3A_835] {strides = array<i32>} : memref<16384xf32, #tpu.memory_space<vmem>>, vector<16xf32>,
        %get3A_837 = vector.shape_cast %get3A_836 : vector<16xf32> to vector<16xf32>
        %sub3A_838 = arith.subf %min3A_834, %max3A_833 : vector<16xf32>
        %mul3A_839 = arith.mulf %get3A_837, %sub3A_838 : vector<16xf32>
        %add3A_840 = arith.addf %max3A_833, %mul3A_839 : vector<16xf32>
        %swap3A_841 = arith.index_cast %add3A_823 : i32 to index
        %swap3A_842 = tpu.vector_load %arg5[%swap3A_841] {strides = array<i32>} : memref<16384xf32, #tpu.memory_space<vmem>>, vector<16xf32>,
        %swap3A_843 = vector.shape_cast %swap3A_842 : vector<16xf32> to vector<16xf32>
        %swap3A_844 = vector.shape_cast %add3A_840 : vector<16xf32> to vector<16xf32>
        tpu.vector_store %arg5[%swap3A_841], %swap3A_844 {strides = array<i32>} : memref<16384xf32, #tpu.memory_space<vmem>>, vector<16xf32>,
        %sub3A_845 = arith.subf %get3A_826, %add3A_840 : vector<16xf32>
        %swap3A_846 = arith.constant 192 : index
        %swap3A_847 = tpu.vector_load %arg6[%swap3A_846] {strides = array<i32>} : memref<512xf32, #tpu.memory_space<vmem>>, vector<16xf32>,
        %swap3A_848 = vector.shape_cast %swap3A_847 : vector<16xf32> to vector<16xf32>
        %swap3A_849 = vector.shape_cast %sub3A_845 : vector<16xf32> to vector<16xf32>
        tpu.vector_store %arg6[%swap3A_846], %swap3A_849 {strides = array<i32>} : memref<512xf32, #tpu.memory_space<vmem>>, vector<16xf32>,
        %max3A_850 = arith.constant 0.000000e+00 : f32
        %max3A_851 = vector.broadcast %max3A_850 : f32 to vector<16xf32>
        %max3A_852 = arith.maximumf %sub3A_845, %max3A_851 : vector<16xf32>
        %add3A_853 = arith.addf %add3A_815, %max3A_852 : vector<16xf32>
        %swap3A_854 = arith.constant 192 : index
        %swap3A_855 = tpu.vector_load %arg7[%swap3A_854] {strides = array<i32>} : memref<512xf32, #tpu.memory_space<vmem>>, vector<16xf32>,
        %swap3A_856 = vector.shape_cast %swap3A_855 : vector<16xf32> to vector<16xf32>
        %swap3A_857 = vector.shape_cast %add3A_853 : vector<16xf32> to vector<16xf32>
        tpu.vector_store %arg7[%swap3A_854], %swap3A_857 {strides = array<i32>} : memref<512xf32, #tpu.memory_space<vmem>>, vector<16xf32>,
        %sub3A_858 = arith.subf %sub3A_820, %add3A_840 : vector<16xf32>
        %sub3A_859 = arith.subf %sub3A_821, %add3A_840 : vector<16xf32>
        %add3A_860 = arith.constant 208 : i32
        %add3A_861 = arith.addi %mul3A_363, %add3A_860 : i32
        %get3A_862 = arith.constant 208 : index
        %get3A_863 = tpu.vector_load %arg6[%get3A_862] {strides = array<i32>} : memref<512xf32, #tpu.memory_space<vmem>>, vector<16xf32>,
        %get3A_864 = vector.shape_cast %get3A_863 : vector<16xf32> to vector<16xf32>
        %get3A_865 = arith.constant 208 : index
        %get3A_866 = tpu.vector_load %arg7[%get3A_865] {strides = array<i32>} : memref<512xf32, #tpu.memory_space<vmem>>, vector<16xf32>,
        %get3A_867 = vector.shape_cast %get3A_866 : vector<16xf32> to vector<16xf32>
        %add3A_868 = arith.addf %sub3A_859, %get3A_867 : vector<16xf32>
        %max3A_869 = arith.constant 0.000000e+00 : f32
        %max3A_870 = vector.broadcast %max3A_869 : f32 to vector<16xf32>
        %max3A_871 = arith.maximumf %add3A_868, %max3A_870 : vector<16xf32>
        %min3A_872 = arith.minimumf %sub3A_858, %get3A_864 : vector<16xf32>
        %get3A_873 = arith.index_cast %add3A_861 : i32 to index
        %get3A_874 = tpu.vector_load %arg8[%get3A_873] {strides = array<i32>} : memref<16384xf32, #tpu.memory_space<vmem>>, vector<16xf32>,
        %get3A_875 = vector.shape_cast %get3A_874 : vector<16xf32> to vector<16xf32>
        %sub3A_876 = arith.subf %min3A_872, %max3A_871 : vector<16xf32>
        %mul3A_877 = arith.mulf %get3A_875, %sub3A_876 : vector<16xf32>
        %add3A_878 = arith.addf %max3A_871, %mul3A_877 : vector<16xf32>
        %swap3A_879 = arith.index_cast %add3A_861 : i32 to index
        %swap3A_880 = tpu.vector_load %arg5[%swap3A_879] {strides = array<i32>} : memref<16384xf32, #tpu.memory_space<vmem>>, vector<16xf32>,
        %swap3A_881 = vector.shape_cast %swap3A_880 : vector<16xf32> to vector<16xf32>
        %swap3A_882 = vector.shape_cast %add3A_878 : vector<16xf32> to vector<16xf32>
        tpu.vector_store %arg5[%swap3A_879], %swap3A_882 {strides = array<i32>} : memref<16384xf32, #tpu.memory_space<vmem>>, vector<16xf32>,
        %sub3A_883 = arith.subf %get3A_864, %add3A_878 : vector<16xf32>
        %swap3A_884 = arith.constant 208 : index
        %swap3A_885 = tpu.vector_load %arg6[%swap3A_884] {strides = array<i32>} : memref<512xf32, #tpu.memory_space<vmem>>, vector<16xf32>,
        %swap3A_886 = vector.shape_cast %swap3A_885 : vector<16xf32> to vector<16xf32>
        %swap3A_887 = vector.shape_cast %sub3A_883 : vector<16xf32> to vector<16xf32>
        tpu.vector_store %arg6[%swap3A_884], %swap3A_887 {strides = array<i32>} : memref<512xf32, #tpu.memory_space<vmem>>, vector<16xf32>,
        %max3A_888 = arith.constant 0.000000e+00 : f32
        %max3A_889 = vector.broadcast %max3A_888 : f32 to vector<16xf32>
        %max3A_890 = arith.maximumf %sub3A_883, %max3A_889 : vector<16xf32>
        %add3A_891 = arith.addf %add3A_853, %max3A_890 : vector<16xf32>
        %swap3A_892 = arith.constant 208 : index
        %swap3A_893 = tpu.vector_load %arg7[%swap3A_892] {strides = array<i32>} : memref<512xf32, #tpu.memory_space<vmem>>, vector<16xf32>,
        %swap3A_894 = vector.shape_cast %swap3A_893 : vector<16xf32> to vector<16xf32>
        %swap3A_895 = vector.shape_cast %add3A_891 : vector<16xf32> to vector<16xf32>
        tpu.vector_store %arg7[%swap3A_892], %swap3A_895 {strides = array<i32>} : memref<512xf32, #tpu.memory_space<vmem>>, vector<16xf32>,
        %sub3A_896 = arith.subf %sub3A_858, %add3A_878 : vector<16xf32>
        %sub3A_897 = arith.subf %sub3A_859, %add3A_878 : vector<16xf32>
        %add3A_898 = arith.constant 224 : i32
        %add3A_899 = arith.addi %mul3A_363, %add3A_898 : i32
        %get3A_900 = arith.constant 224 : index
        %get3A_901 = tpu.vector_load %arg6[%get3A_900] {strides = array<i32>} : memref<512xf32, #tpu.memory_space<vmem>>, vector<16xf32>,
        %get3A_902 = vector.shape_cast %get3A_901 : vector<16xf32> to vector<16xf32>
        %get3A_903 = arith.constant 224 : index
        %get3A_904 = tpu.vector_load %arg7[%get3A_903] {strides = array<i32>} : memref<512xf32, #tpu.memory_space<vmem>>, vector<16xf32>,
        %get3A_905 = vector.shape_cast %get3A_904 : vector<16xf32> to vector<16xf32>
        %add3A_906 = arith.addf %sub3A_897, %get3A_905 : vector<16xf32>
        %max3A_907 = arith.constant 0.000000e+00 : f32
        %max3A_908 = vector.broadcast %max3A_907 : f32 to vector<16xf32>
        %max3A_909 = arith.maximumf %add3A_906, %max3A_908 : vector<16xf32>
        %min3A_910 = arith.minimumf %sub3A_896, %get3A_902 : vector<16xf32>
        %get3A_911 = arith.index_cast %add3A_899 : i32 to index
        %get3A_912 = tpu.vector_load %arg8[%get3A_911] {strides = array<i32>} : memref<16384xf32, #tpu.memory_space<vmem>>, vector<16xf32>,
        %get3A_913 = vector.shape_cast %get3A_912 : vector<16xf32> to vector<16xf32>
        %sub3A_914 = arith.subf %min3A_910, %max3A_909 : vector<16xf32>
        %mul3A_915 = arith.mulf %get3A_913, %sub3A_914 : vector<16xf32>
        %add3A_916 = arith.addf %max3A_909, %mul3A_915 : vector<16xf32>
        %swap3A_917 = arith.index_cast %add3A_899 : i32 to index
        %swap3A_918 = tpu.vector_load %arg5[%swap3A_917] {strides = array<i32>} : memref<16384xf32, #tpu.memory_space<vmem>>, vector<16xf32>,
        %swap3A_919 = vector.shape_cast %swap3A_918 : vector<16xf32> to vector<16xf32>
        %swap3A_920 = vector.shape_cast %add3A_916 : vector<16xf32> to vector<16xf32>
        tpu.vector_store %arg5[%swap3A_917], %swap3A_920 {strides = array<i32>} : memref<16384xf32, #tpu.memory_space<vmem>>, vector<16xf32>,
        %sub3A_921 = arith.subf %get3A_902, %add3A_916 : vector<16xf32>
        %swap3A_922 = arith.constant 224 : index
        %swap3A_923 = tpu.vector_load %arg6[%swap3A_922] {strides = array<i32>} : memref<512xf32, #tpu.memory_space<vmem>>, vector<16xf32>,
        %swap3A_924 = vector.shape_cast %swap3A_923 : vector<16xf32> to vector<16xf32>
        %swap3A_925 = vector.shape_cast %sub3A_921 : vector<16xf32> to vector<16xf32>
        tpu.vector_store %arg6[%swap3A_922], %swap3A_925 {strides = array<i32>} : memref<512xf32, #tpu.memory_space<vmem>>, vector<16xf32>,
        %max3A_926 = arith.constant 0.000000e+00 : f32
        %max3A_927 = vector.broadcast %max3A_926 : f32 to vector<16xf32>
        %max3A_928 = arith.maximumf %sub3A_921, %max3A_927 : vector<16xf32>
        %add3A_929 = arith.addf %add3A_891, %max3A_928 : vector<16xf32>
        %swap3A_930 = arith.constant 224 : index
        %swap3A_931 = tpu.vector_load %arg7[%swap3A_930] {strides = array<i32>} : memref<512xf32, #tpu.memory_space<vmem>>, vector<16xf32>,
        %swap3A_932 = vector.shape_cast %swap3A_931 : vector<16xf32> to vector<16xf32>
        %swap3A_933 = vector.shape_cast %add3A_929 : vector<16xf32> to vector<16xf32>
        tpu.vector_store %arg7[%swap3A_930], %swap3A_933 {strides = array<i32>} : memref<512xf32, #tpu.memory_space<vmem>>, vector<16xf32>,
        %sub3A_934 = arith.subf %sub3A_896, %add3A_916 : vector<16xf32>
        %sub3A_935 = arith.subf %sub3A_897, %add3A_916 : vector<16xf32>
        %add3A_936 = arith.constant 240 : i32
        %add3A_937 = arith.addi %mul3A_363, %add3A_936 : i32
        %get3A_938 = arith.constant 240 : index
        %get3A_939 = tpu.vector_load %arg6[%get3A_938] {strides = array<i32>} : memref<512xf32, #tpu.memory_space<vmem>>, vector<16xf32>,
        %get3A_940 = vector.shape_cast %get3A_939 : vector<16xf32> to vector<16xf32>
        %get3A_941 = arith.constant 240 : index
        %get3A_942 = tpu.vector_load %arg7[%get3A_941] {strides = array<i32>} : memref<512xf32, #tpu.memory_space<vmem>>, vector<16xf32>,
        %get3A_943 = vector.shape_cast %get3A_942 : vector<16xf32> to vector<16xf32>
        %add3A_944 = arith.addf %sub3A_935, %get3A_943 : vector<16xf32>
        %max3A_945 = arith.constant 0.000000e+00 : f32
        %max3A_946 = vector.broadcast %max3A_945 : f32 to vector<16xf32>
        %max3A_947 = arith.maximumf %add3A_944, %max3A_946 : vector<16xf32>
        %min3A_948 = arith.minimumf %sub3A_934, %get3A_940 : vector<16xf32>
        %get3A_949 = arith.index_cast %add3A_937 : i32 to index
        %get3A_950 = tpu.vector_load %arg8[%get3A_949] {strides = array<i32>} : memref<16384xf32, #tpu.memory_space<vmem>>, vector<16xf32>,
        %get3A_951 = vector.shape_cast %get3A_950 : vector<16xf32> to vector<16xf32>
        %sub3A_952 = arith.subf %min3A_948, %max3A_947 : vector<16xf32>
        %mul3A_953 = arith.mulf %get3A_951, %sub3A_952 : vector<16xf32>
        %add3A_954 = arith.addf %max3A_947, %mul3A_953 : vector<16xf32>
        %swap3A_955 = arith.index_cast %add3A_937 : i32 to index
        %swap3A_956 = tpu.vector_load %arg5[%swap3A_955] {strides = array<i32>} : memref<16384xf32, #tpu.memory_space<vmem>>, vector<16xf32>,
        %swap3A_957 = vector.shape_cast %swap3A_956 : vector<16xf32> to vector<16xf32>
        %swap3A_958 = vector.shape_cast %add3A_954 : vector<16xf32> to vector<16xf32>
        tpu.vector_store %arg5[%swap3A_955], %swap3A_958 {strides = array<i32>} : memref<16384xf32, #tpu.memory_space<vmem>>, vector<16xf32>,
        %sub3A_959 = arith.subf %get3A_940, %add3A_954 : vector<16xf32>
        %swap3A_960 = arith.constant 240 : index
        %swap3A_961 = tpu.vector_load %arg6[%swap3A_960] {strides = array<i32>} : memref<512xf32, #tpu.memory_space<vmem>>, vector<16xf32>,
        %swap3A_962 = vector.shape_cast %swap3A_961 : vector<16xf32> to vector<16xf32>
        %swap3A_963 = vector.shape_cast %sub3A_959 : vector<16xf32> to vector<16xf32>
        tpu.vector_store %arg6[%swap3A_960], %swap3A_963 {strides = array<i32>} : memref<512xf32, #tpu.memory_space<vmem>>, vector<16xf32>,
        %max3A_964 = arith.constant 0.000000e+00 : f32
        %max3A_965 = vector.broadcast %max3A_964 : f32 to vector<16xf32>
        %max3A_966 = arith.maximumf %sub3A_959, %max3A_965 : vector<16xf32>
        %add3A_967 = arith.addf %add3A_929, %max3A_966 : vector<16xf32>
        %swap3A_968 = arith.constant 240 : index
        %swap3A_969 = tpu.vector_load %arg7[%swap3A_968] {strides = array<i32>} : memref<512xf32, #tpu.memory_space<vmem>>, vector<16xf32>,
        %swap3A_970 = vector.shape_cast %swap3A_969 : vector<16xf32> to vector<16xf32>
        %swap3A_971 = vector.shape_cast %add3A_967 : vector<16xf32> to vector<16xf32>
        tpu.vector_store %arg7[%swap3A_968], %swap3A_971 {strides = array<i32>} : memref<512xf32, #tpu.memory_space<vmem>>, vector<16xf32>,
        %sub3A_972 = arith.subf %sub3A_934, %add3A_954 : vector<16xf32>
        %sub3A_973 = arith.subf %sub3A_935, %add3A_954 : vector<16xf32>
        %add3A_974 = arith.constant 256 : i32
        %add3A_975 = arith.addi %mul3A_363, %add3A_974 : i32
        %get3A_976 = arith.constant 256 : index
        %get3A_977 = tpu.vector_load %arg6[%get3A_976] {strides = array<i32>} : memref<512xf32, #tpu.memory_space<vmem>>, vector<16xf32>,
        %get3A_978 = vector.shape_cast %get3A_977 : vector<16xf32> to vector<16xf32>
        %get3A_979 = arith.constant 256 : index
        %get3A_980 = tpu.vector_load %arg7[%get3A_979] {strides = array<i32>} : memref<512xf32, #tpu.memory_space<vmem>>, vector<16xf32>,
        %get3A_981 = vector.shape_cast %get3A_980 : vector<16xf32> to vector<16xf32>
        %add3A_982 = arith.addf %sub3A_973, %get3A_981 : vector<16xf32>
        %max3A_983 = arith.constant 0.000000e+00 : f32
        %max3A_984 = vector.broadcast %max3A_983 : f32 to vector<16xf32>
        %max3A_985 = arith.maximumf %add3A_982, %max3A_984 : vector<16xf32>
        %min3A_986 = arith.minimumf %sub3A_972, %get3A_978 : vector<16xf32>
        %get3A_987 = arith.index_cast %add3A_975 : i32 to index
        %get3A_988 = tpu.vector_load %arg8[%get3A_987] {strides = array<i32>} : memref<16384xf32, #tpu.memory_space<vmem>>, vector<16xf32>,
        %get3A_989 = vector.shape_cast %get3A_988 : vector<16xf32> to vector<16xf32>
        %sub3A_990 = arith.subf %min3A_986, %max3A_985 : vector<16xf32>
        %mul3A_991 = arith.mulf %get3A_989, %sub3A_990 : vector<16xf32>
        %add3A_992 = arith.addf %max3A_985, %mul3A_991 : vector<16xf32>
        %swap3A_993 = arith.index_cast %add3A_975 : i32 to index
        %swap3A_994 = tpu.vector_load %arg5[%swap3A_993] {strides = array<i32>} : memref<16384xf32, #tpu.memory_space<vmem>>, vector<16xf32>,
        %swap3A_995 = vector.shape_cast %swap3A_994 : vector<16xf32> to vector<16xf32>
        %swap3A_996 = vector.shape_cast %add3A_992 : vector<16xf32> to vector<16xf32>
        tpu.vector_store %arg5[%swap3A_993], %swap3A_996 {strides = array<i32>} : memref<16384xf32, #tpu.memory_space<vmem>>, vector<16xf32>,
        %sub3A_997 = arith.subf %get3A_978, %add3A_992 : vector<16xf32>
        %swap3A_998 = arith.constant 256 : index
        %swap3A_999 = tpu.vector_load %arg6[%swap3A_998] {strides = array<i32>} : memref<512xf32, #tpu.memory_space<vmem>>, vector<16xf32>,
        %swap3A_1000 = vector.shape_cast %swap3A_999 : vector<16xf32> to vector<16xf32>
        %swap3A_1001 = vector.shape_cast %sub3A_997 : vector<16xf32> to vector<16xf32>
        tpu.vector_store %arg6[%swap3A_998], %swap3A_1001 {strides = array<i32>} : memref<512xf32, #tpu.memory_space<vmem>>, vector<16xf32>,
        %max3A_1002 = arith.constant 0.000000e+00 : f32
        %max3A_1003 = vector.broadcast %max3A_1002 : f32 to vector<16xf32>
        %max3A_1004 = arith.maximumf %sub3A_997, %max3A_1003 : vector<16xf32>
        %add3A_1005 = arith.addf %add3A_967, %max3A_1004 : vector<16xf32>
        %swap3A_1006 = arith.constant 256 : index
        %swap3A_1007 = tpu.vector_load %arg7[%swap3A_1006] {strides = array<i32>} : memref<512xf32, #tpu.memory_space<vmem>>, vector<16xf32>,
        %swap3A_1008 = vector.shape_cast %swap3A_1007 : vector<16xf32> to vector<16xf32>
        %swap3A_1009 = vector.shape_cast %add3A_1005 : vector<16xf32> to vector<16xf32>
        tpu.vector_store %arg7[%swap3A_1006], %swap3A_1009 {strides = array<i32>} : memref<512xf32, #tpu.memory_space<vmem>>, vector<16xf32>,
        %sub3A_1010 = arith.subf %sub3A_972, %add3A_992 : vector<16xf32>
        %sub3A_1011 = arith.subf %sub3A_973, %add3A_992 : vector<16xf32>
        %add3A_1012 = arith.constant 272 : i32
        %add3A_1013 = arith.addi %mul3A_363, %add3A_1012 : i32
        %get3A_1014 = arith.constant 272 : index
        %get3A_1015 = tpu.vector_load %arg6[%get3A_1014] {strides = array<i32>} : memref<512xf32, #tpu.memory_space<vmem>>, vector<16xf32>,
        %get3A_1016 = vector.shape_cast %get3A_1015 : vector<16xf32> to vector<16xf32>
        %get3A_1017 = arith.constant 272 : index
        %get3A_1018 = tpu.vector_load %arg7[%get3A_1017] {strides = array<i32>} : memref<512xf32, #tpu.memory_space<vmem>>, vector<16xf32>,
        %get3A_1019 = vector.shape_cast %get3A_1018 : vector<16xf32> to vector<16xf32>
        %add3A_1020 = arith.addf %sub3A_1011, %get3A_1019 : vector<16xf32>
        %max3A_1021 = arith.constant 0.000000e+00 : f32
        %max3A_1022 = vector.broadcast %max3A_1021 : f32 to vector<16xf32>
        %max3A_1023 = arith.maximumf %add3A_1020, %max3A_1022 : vector<16xf32>
        %min3A_1024 = arith.minimumf %sub3A_1010, %get3A_1016 : vector<16xf32>
        %get3A_1025 = arith.index_cast %add3A_1013 : i32 to index
        %get3A_1026 = tpu.vector_load %arg8[%get3A_1025] {strides = array<i32>} : memref<16384xf32, #tpu.memory_space<vmem>>, vector<16xf32>,
        %get3A_1027 = vector.shape_cast %get3A_1026 : vector<16xf32> to vector<16xf32>
        %sub3A_1028 = arith.subf %min3A_1024, %max3A_1023 : vector<16xf32>
        %mul3A_1029 = arith.mulf %get3A_1027, %sub3A_1028 : vector<16xf32>
        %add3A_1030 = arith.addf %max3A_1023, %mul3A_1029 : vector<16xf32>
        %swap3A_1031 = arith.index_cast %add3A_1013 : i32 to index
        %swap3A_1032 = tpu.vector_load %arg5[%swap3A_1031] {strides = array<i32>} : memref<16384xf32, #tpu.memory_space<vmem>>, vector<16xf32>,
        %swap3A_1033 = vector.shape_cast %swap3A_1032 : vector<16xf32> to vector<16xf32>
        %swap3A_1034 = vector.shape_cast %add3A_1030 : vector<16xf32> to vector<16xf32>
        tpu.vector_store %arg5[%swap3A_1031], %swap3A_1034 {strides = array<i32>} : memref<16384xf32, #tpu.memory_space<vmem>>, vector<16xf32>,
        %sub3A_1035 = arith.subf %get3A_1016, %add3A_1030 : vector<16xf32>
        %swap3A_1036 = arith.constant 272 : index
        %swap3A_1037 = tpu.vector_load %arg6[%swap3A_1036] {strides = array<i32>} : memref<512xf32, #tpu.memory_space<vmem>>, vector<16xf32>,
        %swap3A_1038 = vector.shape_cast %swap3A_1037 : vector<16xf32> to vector<16xf32>
        %swap3A_1039 = vector.shape_cast %sub3A_1035 : vector<16xf32> to vector<16xf32>
        tpu.vector_store %arg6[%swap3A_1036], %swap3A_1039 {strides = array<i32>} : memref<512xf32, #tpu.memory_space<vmem>>, vector<16xf32>,
        %max3A_1040 = arith.constant 0.000000e+00 : f32
        %max3A_1041 = vector.broadcast %max3A_1040 : f32 to vector<16xf32>
        %max3A_1042 = arith.maximumf %sub3A_1035, %max3A_1041 : vector<16xf32>
        %add3A_1043 = arith.addf %add3A_1005, %max3A_1042 : vector<16xf32>
        %swap3A_1044 = arith.constant 272 : index
        %swap3A_1045 = tpu.vector_load %arg7[%swap3A_1044] {strides = array<i32>} : memref<512xf32, #tpu.memory_space<vmem>>, vector<16xf32>,
        %swap3A_1046 = vector.shape_cast %swap3A_1045 : vector<16xf32> to vector<16xf32>
        %swap3A_1047 = vector.shape_cast %add3A_1043 : vector<16xf32> to vector<16xf32>
        tpu.vector_store %arg7[%swap3A_1044], %swap3A_1047 {strides = array<i32>} : memref<512xf32, #tpu.memory_space<vmem>>, vector<16xf32>,
        %sub3A_1048 = arith.subf %sub3A_1010, %add3A_1030 : vector<16xf32>
        %sub3A_1049 = arith.subf %sub3A_1011, %add3A_1030 : vector<16xf32>
        %add3A_1050 = arith.constant 288 : i32
        %add3A_1051 = arith.addi %mul3A_363, %add3A_1050 : i32
        %get3A_1052 = arith.constant 288 : index
        %get3A_1053 = tpu.vector_load %arg6[%get3A_1052] {strides = array<i32>} : memref<512xf32, #tpu.memory_space<vmem>>, vector<16xf32>,
        %get3A_1054 = vector.shape_cast %get3A_1053 : vector<16xf32> to vector<16xf32>
        %get3A_1055 = arith.constant 288 : index
        %get3A_1056 = tpu.vector_load %arg7[%get3A_1055] {strides = array<i32>} : memref<512xf32, #tpu.memory_space<vmem>>, vector<16xf32>,
        %get3A_1057 = vector.shape_cast %get3A_1056 : vector<16xf32> to vector<16xf32>
        %add3A_1058 = arith.addf %sub3A_1049, %get3A_1057 : vector<16xf32>
        %max3A_1059 = arith.constant 0.000000e+00 : f32
        %max3A_1060 = vector.broadcast %max3A_1059 : f32 to vector<16xf32>
        %max3A_1061 = arith.maximumf %add3A_1058, %max3A_1060 : vector<16xf32>
        %min3A_1062 = arith.minimumf %sub3A_1048, %get3A_1054 : vector<16xf32>
        %get3A_1063 = arith.index_cast %add3A_1051 : i32 to index
        %get3A_1064 = tpu.vector_load %arg8[%get3A_1063] {strides = array<i32>} : memref<16384xf32, #tpu.memory_space<vmem>>, vector<16xf32>,
        %get3A_1065 = vector.shape_cast %get3A_1064 : vector<16xf32> to vector<16xf32>
        %sub3A_1066 = arith.subf %min3A_1062, %max3A_1061 : vector<16xf32>
        %mul3A_1067 = arith.mulf %get3A_1065, %sub3A_1066 : vector<16xf32>
        %add3A_1068 = arith.addf %max3A_1061, %mul3A_1067 : vector<16xf32>
        %swap3A_1069 = arith.index_cast %add3A_1051 : i32 to index
        %swap3A_1070 = tpu.vector_load %arg5[%swap3A_1069] {strides = array<i32>} : memref<16384xf32, #tpu.memory_space<vmem>>, vector<16xf32>,
        %swap3A_1071 = vector.shape_cast %swap3A_1070 : vector<16xf32> to vector<16xf32>
        %swap3A_1072 = vector.shape_cast %add3A_1068 : vector<16xf32> to vector<16xf32>
        tpu.vector_store %arg5[%swap3A_1069], %swap3A_1072 {strides = array<i32>} : memref<16384xf32, #tpu.memory_space<vmem>>, vector<16xf32>,
        %sub3A_1073 = arith.subf %get3A_1054, %add3A_1068 : vector<16xf32>
        %swap3A_1074 = arith.constant 288 : index
        %swap3A_1075 = tpu.vector_load %arg6[%swap3A_1074] {strides = array<i32>} : memref<512xf32, #tpu.memory_space<vmem>>, vector<16xf32>,
        %swap3A_1076 = vector.shape_cast %swap3A_1075 : vector<16xf32> to vector<16xf32>
        %swap3A_1077 = vector.shape_cast %sub3A_1073 : vector<16xf32> to vector<16xf32>
        tpu.vector_store %arg6[%swap3A_1074], %swap3A_1077 {strides = array<i32>} : memref<512xf32, #tpu.memory_space<vmem>>, vector<16xf32>,
        %max3A_1078 = arith.constant 0.000000e+00 : f32
        %max3A_1079 = vector.broadcast %max3A_1078 : f32 to vector<16xf32>
        %max3A_1080 = arith.maximumf %sub3A_1073, %max3A_1079 : vector<16xf32>
        %add3A_1081 = arith.addf %add3A_1043, %max3A_1080 : vector<16xf32>
        %swap3A_1082 = arith.constant 288 : index
        %swap3A_1083 = tpu.vector_load %arg7[%swap3A_1082] {strides = array<i32>} : memref<512xf32, #tpu.memory_space<vmem>>, vector<16xf32>,
        %swap3A_1084 = vector.shape_cast %swap3A_1083 : vector<16xf32> to vector<16xf32>
        %swap3A_1085 = vector.shape_cast %add3A_1081 : vector<16xf32> to vector<16xf32>
        tpu.vector_store %arg7[%swap3A_1082], %swap3A_1085 {strides = array<i32>} : memref<512xf32, #tpu.memory_space<vmem>>, vector<16xf32>,
        %sub3A_1086 = arith.subf %sub3A_1048, %add3A_1068 : vector<16xf32>
        %sub3A_1087 = arith.subf %sub3A_1049, %add3A_1068 : vector<16xf32>
        %add3A_1088 = arith.constant 304 : i32
        %add3A_1089 = arith.addi %mul3A_363, %add3A_1088 : i32
        %get3A_1090 = arith.constant 304 : index
        %get3A_1091 = tpu.vector_load %arg6[%get3A_1090] {strides = array<i32>} : memref<512xf32, #tpu.memory_space<vmem>>, vector<16xf32>,
        %get3A_1092 = vector.shape_cast %get3A_1091 : vector<16xf32> to vector<16xf32>
        %get3A_1093 = arith.constant 304 : index
        %get3A_1094 = tpu.vector_load %arg7[%get3A_1093] {strides = array<i32>} : memref<512xf32, #tpu.memory_space<vmem>>, vector<16xf32>,
        %get3A_1095 = vector.shape_cast %get3A_1094 : vector<16xf32> to vector<16xf32>
        %add3A_1096 = arith.addf %sub3A_1087, %get3A_1095 : vector<16xf32>
        %max3A_1097 = arith.constant 0.000000e+00 : f32
        %max3A_1098 = vector.broadcast %max3A_1097 : f32 to vector<16xf32>
        %max3A_1099 = arith.maximumf %add3A_1096, %max3A_1098 : vector<16xf32>
        %min3A_1100 = arith.minimumf %sub3A_1086, %get3A_1092 : vector<16xf32>
        %get3A_1101 = arith.index_cast %add3A_1089 : i32 to index
        %get3A_1102 = tpu.vector_load %arg8[%get3A_1101] {strides = array<i32>} : memref<16384xf32, #tpu.memory_space<vmem>>, vector<16xf32>,
        %get3A_1103 = vector.shape_cast %get3A_1102 : vector<16xf32> to vector<16xf32>
        %sub3A_1104 = arith.subf %min3A_1100, %max3A_1099 : vector<16xf32>
        %mul3A_1105 = arith.mulf %get3A_1103, %sub3A_1104 : vector<16xf32>
        %add3A_1106 = arith.addf %max3A_1099, %mul3A_1105 : vector<16xf32>
        %swap3A_1107 = arith.index_cast %add3A_1089 : i32 to index
        %swap3A_1108 = tpu.vector_load %arg5[%swap3A_1107] {strides = array<i32>} : memref<16384xf32, #tpu.memory_space<vmem>>, vector<16xf32>,
        %swap3A_1109 = vector.shape_cast %swap3A_1108 : vector<16xf32> to vector<16xf32>
        %swap3A_1110 = vector.shape_cast %add3A_1106 : vector<16xf32> to vector<16xf32>
        tpu.vector_store %arg5[%swap3A_1107], %swap3A_1110 {strides = array<i32>} : memref<16384xf32, #tpu.memory_space<vmem>>, vector<16xf32>,
        %sub3A_1111 = arith.subf %get3A_1092, %add3A_1106 : vector<16xf32>
        %swap3A_1112 = arith.constant 304 : index
        %swap3A_1113 = tpu.vector_load %arg6[%swap3A_1112] {strides = array<i32>} : memref<512xf32, #tpu.memory_space<vmem>>, vector<16xf32>,
        %swap3A_1114 = vector.shape_cast %swap3A_1113 : vector<16xf32> to vector<16xf32>
        %swap3A_1115 = vector.shape_cast %sub3A_1111 : vector<16xf32> to vector<16xf32>
        tpu.vector_store %arg6[%swap3A_1112], %swap3A_1115 {strides = array<i32>} : memref<512xf32, #tpu.memory_space<vmem>>, vector<16xf32>,
        %max3A_1116 = arith.constant 0.000000e+00 : f32
        %max3A_1117 = vector.broadcast %max3A_1116 : f32 to vector<16xf32>
        %max3A_1118 = arith.maximumf %sub3A_1111, %max3A_1117 : vector<16xf32>
        %add3A_1119 = arith.addf %add3A_1081, %max3A_1118 : vector<16xf32>
        %swap3A_1120 = arith.constant 304 : index
        %swap3A_1121 = tpu.vector_load %arg7[%swap3A_1120] {strides = array<i32>} : memref<512xf32, #tpu.memory_space<vmem>>, vector<16xf32>,
        %swap3A_1122 = vector.shape_cast %swap3A_1121 : vector<16xf32> to vector<16xf32>
        %swap3A_1123 = vector.shape_cast %add3A_1119 : vector<16xf32> to vector<16xf32>
        tpu.vector_store %arg7[%swap3A_1120], %swap3A_1123 {strides = array<i32>} : memref<512xf32, #tpu.memory_space<vmem>>, vector<16xf32>,
        %sub3A_1124 = arith.subf %sub3A_1086, %add3A_1106 : vector<16xf32>
        %sub3A_1125 = arith.subf %sub3A_1087, %add3A_1106 : vector<16xf32>
        %add3A_1126 = arith.constant 320 : i32
        %add3A_1127 = arith.addi %mul3A_363, %add3A_1126 : i32
        %get3A_1128 = arith.constant 320 : index
        %get3A_1129 = tpu.vector_load %arg6[%get3A_1128] {strides = array<i32>} : memref<512xf32, #tpu.memory_space<vmem>>, vector<16xf32>,
        %get3A_1130 = vector.shape_cast %get3A_1129 : vector<16xf32> to vector<16xf32>
        %get3A_1131 = arith.constant 320 : index
        %get3A_1132 = tpu.vector_load %arg7[%get3A_1131] {strides = array<i32>} : memref<512xf32, #tpu.memory_space<vmem>>, vector<16xf32>,
        %get3A_1133 = vector.shape_cast %get3A_1132 : vector<16xf32> to vector<16xf32>
        %add3A_1134 = arith.addf %sub3A_1125, %get3A_1133 : vector<16xf32>
        %max3A_1135 = arith.constant 0.000000e+00 : f32
        %max3A_1136 = vector.broadcast %max3A_1135 : f32 to vector<16xf32>
        %max3A_1137 = arith.maximumf %add3A_1134, %max3A_1136 : vector<16xf32>
        %min3A_1138 = arith.minimumf %sub3A_1124, %get3A_1130 : vector<16xf32>
        %get3A_1139 = arith.index_cast %add3A_1127 : i32 to index
        %get3A_1140 = tpu.vector_load %arg8[%get3A_1139] {strides = array<i32>} : memref<16384xf32, #tpu.memory_space<vmem>>, vector<16xf32>,
        %get3A_1141 = vector.shape_cast %get3A_1140 : vector<16xf32> to vector<16xf32>
        %sub3A_1142 = arith.subf %min3A_1138, %max3A_1137 : vector<16xf32>
        %mul3A_1143 = arith.mulf %get3A_1141, %sub3A_1142 : vector<16xf32>
        %add3A_1144 = arith.addf %max3A_1137, %mul3A_1143 : vector<16xf32>
        %swap3A_1145 = arith.index_cast %add3A_1127 : i32 to index
        %swap3A_1146 = tpu.vector_load %arg5[%swap3A_1145] {strides = array<i32>} : memref<16384xf32, #tpu.memory_space<vmem>>, vector<16xf32>,
        %swap3A_1147 = vector.shape_cast %swap3A_1146 : vector<16xf32> to vector<16xf32>
        %swap3A_1148 = vector.shape_cast %add3A_1144 : vector<16xf32> to vector<16xf32>
        tpu.vector_store %arg5[%swap3A_1145], %swap3A_1148 {strides = array<i32>} : memref<16384xf32, #tpu.memory_space<vmem>>, vector<16xf32>,
        %sub3A_1149 = arith.subf %get3A_1130, %add3A_1144 : vector<16xf32>
        %swap3A_1150 = arith.constant 320 : index
        %swap3A_1151 = tpu.vector_load %arg6[%swap3A_1150] {strides = array<i32>} : memref<512xf32, #tpu.memory_space<vmem>>, vector<16xf32>,
        %swap3A_1152 = vector.shape_cast %swap3A_1151 : vector<16xf32> to vector<16xf32>
        %swap3A_1153 = vector.shape_cast %sub3A_1149 : vector<16xf32> to vector<16xf32>
        tpu.vector_store %arg6[%swap3A_1150], %swap3A_1153 {strides = array<i32>} : memref<512xf32, #tpu.memory_space<vmem>>, vector<16xf32>,
        %max3A_1154 = arith.constant 0.000000e+00 : f32
        %max3A_1155 = vector.broadcast %max3A_1154 : f32 to vector<16xf32>
        %max3A_1156 = arith.maximumf %sub3A_1149, %max3A_1155 : vector<16xf32>
        %add3A_1157 = arith.addf %add3A_1119, %max3A_1156 : vector<16xf32>
        %swap3A_1158 = arith.constant 320 : index
        %swap3A_1159 = tpu.vector_load %arg7[%swap3A_1158] {strides = array<i32>} : memref<512xf32, #tpu.memory_space<vmem>>, vector<16xf32>,
        %swap3A_1160 = vector.shape_cast %swap3A_1159 : vector<16xf32> to vector<16xf32>
        %swap3A_1161 = vector.shape_cast %add3A_1157 : vector<16xf32> to vector<16xf32>
        tpu.vector_store %arg7[%swap3A_1158], %swap3A_1161 {strides = array<i32>} : memref<512xf32, #tpu.memory_space<vmem>>, vector<16xf32>,
        %sub3A_1162 = arith.subf %sub3A_1124, %add3A_1144 : vector<16xf32>
        %sub3A_1163 = arith.subf %sub3A_1125, %add3A_1144 : vector<16xf32>
        %add3A_1164 = arith.constant 336 : i32
        %add3A_1165 = arith.addi %mul3A_363, %add3A_1164 : i32
        %get3A_1166 = arith.constant 336 : index
        %get3A_1167 = tpu.vector_load %arg6[%get3A_1166] {strides = array<i32>} : memref<512xf32, #tpu.memory_space<vmem>>, vector<16xf32>,
        %get3A_1168 = vector.shape_cast %get3A_1167 : vector<16xf32> to vector<16xf32>
        %get3A_1169 = arith.constant 336 : index
        %get3A_1170 = tpu.vector_load %arg7[%get3A_1169] {strides = array<i32>} : memref<512xf32, #tpu.memory_space<vmem>>, vector<16xf32>,
        %get3A_1171 = vector.shape_cast %get3A_1170 : vector<16xf32> to vector<16xf32>
        %add3A_1172 = arith.addf %sub3A_1163, %get3A_1171 : vector<16xf32>
        %max3A_1173 = arith.constant 0.000000e+00 : f32
        %max3A_1174 = vector.broadcast %max3A_1173 : f32 to vector<16xf32>
        %max3A_1175 = arith.maximumf %add3A_1172, %max3A_1174 : vector<16xf32>
        %min3A_1176 = arith.minimumf %sub3A_1162, %get3A_1168 : vector<16xf32>
        %get3A_1177 = arith.index_cast %add3A_1165 : i32 to index
        %get3A_1178 = tpu.vector_load %arg8[%get3A_1177] {strides = array<i32>} : memref<16384xf32, #tpu.memory_space<vmem>>, vector<16xf32>,
        %get3A_1179 = vector.shape_cast %get3A_1178 : vector<16xf32> to vector<16xf32>
        %sub3A_1180 = arith.subf %min3A_1176, %max3A_1175 : vector<16xf32>
        %mul3A_1181 = arith.mulf %get3A_1179, %sub3A_1180 : vector<16xf32>
        %add3A_1182 = arith.addf %max3A_1175, %mul3A_1181 : vector<16xf32>
        %swap3A_1183 = arith.index_cast %add3A_1165 : i32 to index
        %swap3A_1184 = tpu.vector_load %arg5[%swap3A_1183] {strides = array<i32>} : memref<16384xf32, #tpu.memory_space<vmem>>, vector<16xf32>,
        %swap3A_1185 = vector.shape_cast %swap3A_1184 : vector<16xf32> to vector<16xf32>
        %swap3A_1186 = vector.shape_cast %add3A_1182 : vector<16xf32> to vector<16xf32>
        tpu.vector_store %arg5[%swap3A_1183], %swap3A_1186 {strides = array<i32>} : memref<16384xf32, #tpu.memory_space<vmem>>, vector<16xf32>,
        %sub3A_1187 = arith.subf %get3A_1168, %add3A_1182 : vector<16xf32>
        %swap3A_1188 = arith.constant 336 : index
        %swap3A_1189 = tpu.vector_load %arg6[%swap3A_1188] {strides = array<i32>} : memref<512xf32, #tpu.memory_space<vmem>>, vector<16xf32>,
        %swap3A_1190 = vector.shape_cast %swap3A_1189 : vector<16xf32> to vector<16xf32>
        %swap3A_1191 = vector.shape_cast %sub3A_1187 : vector<16xf32> to vector<16xf32>
        tpu.vector_store %arg6[%swap3A_1188], %swap3A_1191 {strides = array<i32>} : memref<512xf32, #tpu.memory_space<vmem>>, vector<16xf32>,
        %max3A_1192 = arith.constant 0.000000e+00 : f32
        %max3A_1193 = vector.broadcast %max3A_1192 : f32 to vector<16xf32>
        %max3A_1194 = arith.maximumf %sub3A_1187, %max3A_1193 : vector<16xf32>
        %add3A_1195 = arith.addf %add3A_1157, %max3A_1194 : vector<16xf32>
        %swap3A_1196 = arith.constant 336 : index
        %swap3A_1197 = tpu.vector_load %arg7[%swap3A_1196] {strides = array<i32>} : memref<512xf32, #tpu.memory_space<vmem>>, vector<16xf32>,
        %swap3A_1198 = vector.shape_cast %swap3A_1197 : vector<16xf32> to vector<16xf32>
        %swap3A_1199 = vector.shape_cast %add3A_1195 : vector<16xf32> to vector<16xf32>
        tpu.vector_store %arg7[%swap3A_1196], %swap3A_1199 {strides = array<i32>} : memref<512xf32, #tpu.memory_space<vmem>>, vector<16xf32>,
        %sub3A_1200 = arith.subf %sub3A_1162, %add3A_1182 : vector<16xf32>
        %sub3A_1201 = arith.subf %sub3A_1163, %add3A_1182 : vector<16xf32>
        %add3A_1202 = arith.constant 352 : i32
        %add3A_1203 = arith.addi %mul3A_363, %add3A_1202 : i32
        %get3A_1204 = arith.constant 352 : index
        %get3A_1205 = tpu.vector_load %arg6[%get3A_1204] {strides = array<i32>} : memref<512xf32, #tpu.memory_space<vmem>>, vector<16xf32>,
        %get3A_1206 = vector.shape_cast %get3A_1205 : vector<16xf32> to vector<16xf32>
        %get3A_1207 = arith.constant 352 : index
        %get3A_1208 = tpu.vector_load %arg7[%get3A_1207] {strides = array<i32>} : memref<512xf32, #tpu.memory_space<vmem>>, vector<16xf32>,
        %get3A_1209 = vector.shape_cast %get3A_1208 : vector<16xf32> to vector<16xf32>
        %add3A_1210 = arith.addf %sub3A_1201, %get3A_1209 : vector<16xf32>
        %max3A_1211 = arith.constant 0.000000e+00 : f32
        %max3A_1212 = vector.broadcast %max3A_1211 : f32 to vector<16xf32>
        %max3A_1213 = arith.maximumf %add3A_1210, %max3A_1212 : vector<16xf32>
        %min3A_1214 = arith.minimumf %sub3A_1200, %get3A_1206 : vector<16xf32>
        %get3A_1215 = arith.index_cast %add3A_1203 : i32 to index
        %get3A_1216 = tpu.vector_load %arg8[%get3A_1215] {strides = array<i32>} : memref<16384xf32, #tpu.memory_space<vmem>>, vector<16xf32>,
        %get3A_1217 = vector.shape_cast %get3A_1216 : vector<16xf32> to vector<16xf32>
        %sub3A_1218 = arith.subf %min3A_1214, %max3A_1213 : vector<16xf32>
        %mul3A_1219 = arith.mulf %get3A_1217, %sub3A_1218 : vector<16xf32>
        %add3A_1220 = arith.addf %max3A_1213, %mul3A_1219 : vector<16xf32>
        %swap3A_1221 = arith.index_cast %add3A_1203 : i32 to index
        %swap3A_1222 = tpu.vector_load %arg5[%swap3A_1221] {strides = array<i32>} : memref<16384xf32, #tpu.memory_space<vmem>>, vector<16xf32>,
        %swap3A_1223 = vector.shape_cast %swap3A_1222 : vector<16xf32> to vector<16xf32>
        %swap3A_1224 = vector.shape_cast %add3A_1220 : vector<16xf32> to vector<16xf32>
        tpu.vector_store %arg5[%swap3A_1221], %swap3A_1224 {strides = array<i32>} : memref<16384xf32, #tpu.memory_space<vmem>>, vector<16xf32>,
        %sub3A_1225 = arith.subf %get3A_1206, %add3A_1220 : vector<16xf32>
        %swap3A_1226 = arith.constant 352 : index
        %swap3A_1227 = tpu.vector_load %arg6[%swap3A_1226] {strides = array<i32>} : memref<512xf32, #tpu.memory_space<vmem>>, vector<16xf32>,
        %swap3A_1228 = vector.shape_cast %swap3A_1227 : vector<16xf32> to vector<16xf32>
        %swap3A_1229 = vector.shape_cast %sub3A_1225 : vector<16xf32> to vector<16xf32>
        tpu.vector_store %arg6[%swap3A_1226], %swap3A_1229 {strides = array<i32>} : memref<512xf32, #tpu.memory_space<vmem>>, vector<16xf32>,
        %max3A_1230 = arith.constant 0.000000e+00 : f32
        %max3A_1231 = vector.broadcast %max3A_1230 : f32 to vector<16xf32>
        %max3A_1232 = arith.maximumf %sub3A_1225, %max3A_1231 : vector<16xf32>
        %add3A_1233 = arith.addf %add3A_1195, %max3A_1232 : vector<16xf32>
        %swap3A_1234 = arith.constant 352 : index
        %swap3A_1235 = tpu.vector_load %arg7[%swap3A_1234] {strides = array<i32>} : memref<512xf32, #tpu.memory_space<vmem>>, vector<16xf32>,
        %swap3A_1236 = vector.shape_cast %swap3A_1235 : vector<16xf32> to vector<16xf32>
        %swap3A_1237 = vector.shape_cast %add3A_1233 : vector<16xf32> to vector<16xf32>
        tpu.vector_store %arg7[%swap3A_1234], %swap3A_1237 {strides = array<i32>} : memref<512xf32, #tpu.memory_space<vmem>>, vector<16xf32>,
        %sub3A_1238 = arith.subf %sub3A_1200, %add3A_1220 : vector<16xf32>
        %sub3A_1239 = arith.subf %sub3A_1201, %add3A_1220 : vector<16xf32>
        %add3A_1240 = arith.constant 368 : i32
        %add3A_1241 = arith.addi %mul3A_363, %add3A_1240 : i32
        %get3A_1242 = arith.constant 368 : index
        %get3A_1243 = tpu.vector_load %arg6[%get3A_1242] {strides = array<i32>} : memref<512xf32, #tpu.memory_space<vmem>>, vector<16xf32>,
        %get3A_1244 = vector.shape_cast %get3A_1243 : vector<16xf32> to vector<16xf32>
        %get3A_1245 = arith.constant 368 : index
        %get3A_1246 = tpu.vector_load %arg7[%get3A_1245] {strides = array<i32>} : memref<512xf32, #tpu.memory_space<vmem>>, vector<16xf32>,
        %get3A_1247 = vector.shape_cast %get3A_1246 : vector<16xf32> to vector<16xf32>
        %add3A_1248 = arith.addf %sub3A_1239, %get3A_1247 : vector<16xf32>
        %max3A_1249 = arith.constant 0.000000e+00 : f32
        %max3A_1250 = vector.broadcast %max3A_1249 : f32 to vector<16xf32>
        %max3A_1251 = arith.maximumf %add3A_1248, %max3A_1250 : vector<16xf32>
        %min3A_1252 = arith.minimumf %sub3A_1238, %get3A_1244 : vector<16xf32>
        %get3A_1253 = arith.index_cast %add3A_1241 : i32 to index
        %get3A_1254 = tpu.vector_load %arg8[%get3A_1253] {strides = array<i32>} : memref<16384xf32, #tpu.memory_space<vmem>>, vector<16xf32>,
        %get3A_1255 = vector.shape_cast %get3A_1254 : vector<16xf32> to vector<16xf32>
        %sub3A_1256 = arith.subf %min3A_1252, %max3A_1251 : vector<16xf32>
        %mul3A_1257 = arith.mulf %get3A_1255, %sub3A_1256 : vector<16xf32>
        %add3A_1258 = arith.addf %max3A_1251, %mul3A_1257 : vector<16xf32>
        %swap3A_1259 = arith.index_cast %add3A_1241 : i32 to index
        %swap3A_1260 = tpu.vector_load %arg5[%swap3A_1259] {strides = array<i32>} : memref<16384xf32, #tpu.memory_space<vmem>>, vector<16xf32>,
        %swap3A_1261 = vector.shape_cast %swap3A_1260 : vector<16xf32> to vector<16xf32>
        %swap3A_1262 = vector.shape_cast %add3A_1258 : vector<16xf32> to vector<16xf32>
        tpu.vector_store %arg5[%swap3A_1259], %swap3A_1262 {strides = array<i32>} : memref<16384xf32, #tpu.memory_space<vmem>>, vector<16xf32>,
        %sub3A_1263 = arith.subf %get3A_1244, %add3A_1258 : vector<16xf32>
        %swap3A_1264 = arith.constant 368 : index
        %swap3A_1265 = tpu.vector_load %arg6[%swap3A_1264] {strides = array<i32>} : memref<512xf32, #tpu.memory_space<vmem>>, vector<16xf32>,
        %swap3A_1266 = vector.shape_cast %swap3A_1265 : vector<16xf32> to vector<16xf32>
        %swap3A_1267 = vector.shape_cast %sub3A_1263 : vector<16xf32> to vector<16xf32>
        tpu.vector_store %arg6[%swap3A_1264], %swap3A_1267 {strides = array<i32>} : memref<512xf32, #tpu.memory_space<vmem>>, vector<16xf32>,
        %max3A_1268 = arith.constant 0.000000e+00 : f32
        %max3A_1269 = vector.broadcast %max3A_1268 : f32 to vector<16xf32>
        %max3A_1270 = arith.maximumf %sub3A_1263, %max3A_1269 : vector<16xf32>
        %add3A_1271 = arith.addf %add3A_1233, %max3A_1270 : vector<16xf32>
        %swap3A_1272 = arith.constant 368 : index
        %swap3A_1273 = tpu.vector_load %arg7[%swap3A_1272] {strides = array<i32>} : memref<512xf32, #tpu.memory_space<vmem>>, vector<16xf32>,
        %swap3A_1274 = vector.shape_cast %swap3A_1273 : vector<16xf32> to vector<16xf32>
        %swap3A_1275 = vector.shape_cast %add3A_1271 : vector<16xf32> to vector<16xf32>
        tpu.vector_store %arg7[%swap3A_1272], %swap3A_1275 {strides = array<i32>} : memref<512xf32, #tpu.memory_space<vmem>>, vector<16xf32>,
        %sub3A_1276 = arith.subf %sub3A_1238, %add3A_1258 : vector<16xf32>
        %sub3A_1277 = arith.subf %sub3A_1239, %add3A_1258 : vector<16xf32>
        %add3A_1278 = arith.constant 384 : i32
        %add3A_1279 = arith.addi %mul3A_363, %add3A_1278 : i32
        %get3A_1280 = arith.constant 384 : index
        %get3A_1281 = tpu.vector_load %arg6[%get3A_1280] {strides = array<i32>} : memref<512xf32, #tpu.memory_space<vmem>>, vector<16xf32>,
        %get3A_1282 = vector.shape_cast %get3A_1281 : vector<16xf32> to vector<16xf32>
        %get3A_1283 = arith.constant 384 : index
        %get3A_1284 = tpu.vector_load %arg7[%get3A_1283] {strides = array<i32>} : memref<512xf32, #tpu.memory_space<vmem>>, vector<16xf32>,
        %get3A_1285 = vector.shape_cast %get3A_1284 : vector<16xf32> to vector<16xf32>
        %add3A_1286 = arith.addf %sub3A_1277, %get3A_1285 : vector<16xf32>
        %max3A_1287 = arith.constant 0.000000e+00 : f32
        %max3A_1288 = vector.broadcast %max3A_1287 : f32 to vector<16xf32>
        %max3A_1289 = arith.maximumf %add3A_1286, %max3A_1288 : vector<16xf32>
        %min3A_1290 = arith.minimumf %sub3A_1276, %get3A_1282 : vector<16xf32>
        %get3A_1291 = arith.index_cast %add3A_1279 : i32 to index
        %get3A_1292 = tpu.vector_load %arg8[%get3A_1291] {strides = array<i32>} : memref<16384xf32, #tpu.memory_space<vmem>>, vector<16xf32>,
        %get3A_1293 = vector.shape_cast %get3A_1292 : vector<16xf32> to vector<16xf32>
        %sub3A_1294 = arith.subf %min3A_1290, %max3A_1289 : vector<16xf32>
        %mul3A_1295 = arith.mulf %get3A_1293, %sub3A_1294 : vector<16xf32>
        %add3A_1296 = arith.addf %max3A_1289, %mul3A_1295 : vector<16xf32>
        %swap3A_1297 = arith.index_cast %add3A_1279 : i32 to index
        %swap3A_1298 = tpu.vector_load %arg5[%swap3A_1297] {strides = array<i32>} : memref<16384xf32, #tpu.memory_space<vmem>>, vector<16xf32>,
        %swap3A_1299 = vector.shape_cast %swap3A_1298 : vector<16xf32> to vector<16xf32>
        %swap3A_1300 = vector.shape_cast %add3A_1296 : vector<16xf32> to vector<16xf32>
        tpu.vector_store %arg5[%swap3A_1297], %swap3A_1300 {strides = array<i32>} : memref<16384xf32, #tpu.memory_space<vmem>>, vector<16xf32>,
        %sub3A_1301 = arith.subf %get3A_1282, %add3A_1296 : vector<16xf32>
        %swap3A_1302 = arith.constant 384 : index
        %swap3A_1303 = tpu.vector_load %arg6[%swap3A_1302] {strides = array<i32>} : memref<512xf32, #tpu.memory_space<vmem>>, vector<16xf32>,
        %swap3A_1304 = vector.shape_cast %swap3A_1303 : vector<16xf32> to vector<16xf32>
        %swap3A_1305 = vector.shape_cast %sub3A_1301 : vector<16xf32> to vector<16xf32>
        tpu.vector_store %arg6[%swap3A_1302], %swap3A_1305 {strides = array<i32>} : memref<512xf32, #tpu.memory_space<vmem>>, vector<16xf32>,
        %max3A_1306 = arith.constant 0.000000e+00 : f32
        %max3A_1307 = vector.broadcast %max3A_1306 : f32 to vector<16xf32>
        %max3A_1308 = arith.maximumf %sub3A_1301, %max3A_1307 : vector<16xf32>
        %add3A_1309 = arith.addf %add3A_1271, %max3A_1308 : vector<16xf32>
        %swap3A_1310 = arith.constant 384 : index
        %swap3A_1311 = tpu.vector_load %arg7[%swap3A_1310] {strides = array<i32>} : memref<512xf32, #tpu.memory_space<vmem>>, vector<16xf32>,
        %swap3A_1312 = vector.shape_cast %swap3A_1311 : vector<16xf32> to vector<16xf32>
        %swap3A_1313 = vector.shape_cast %add3A_1309 : vector<16xf32> to vector<16xf32>
        tpu.vector_store %arg7[%swap3A_1310], %swap3A_1313 {strides = array<i32>} : memref<512xf32, #tpu.memory_space<vmem>>, vector<16xf32>,
        %sub3A_1314 = arith.subf %sub3A_1276, %add3A_1296 : vector<16xf32>
        %sub3A_1315 = arith.subf %sub3A_1277, %add3A_1296 : vector<16xf32>
        %add3A_1316 = arith.constant 400 : i32
        %add3A_1317 = arith.addi %mul3A_363, %add3A_1316 : i32
        %get3A_1318 = arith.constant 400 : index
        %get3A_1319 = tpu.vector_load %arg6[%get3A_1318] {strides = array<i32>} : memref<512xf32, #tpu.memory_space<vmem>>, vector<16xf32>,
        %get3A_1320 = vector.shape_cast %get3A_1319 : vector<16xf32> to vector<16xf32>
        %get3A_1321 = arith.constant 400 : index
        %get3A_1322 = tpu.vector_load %arg7[%get3A_1321] {strides = array<i32>} : memref<512xf32, #tpu.memory_space<vmem>>, vector<16xf32>,
        %get3A_1323 = vector.shape_cast %get3A_1322 : vector<16xf32> to vector<16xf32>
        %add3A_1324 = arith.addf %sub3A_1315, %get3A_1323 : vector<16xf32>
        %max3A_1325 = arith.constant 0.000000e+00 : f32
        %max3A_1326 = vector.broadcast %max3A_1325 : f32 to vector<16xf32>
        %max3A_1327 = arith.maximumf %add3A_1324, %max3A_1326 : vector<16xf32>
        %min3A_1328 = arith.minimumf %sub3A_1314, %get3A_1320 : vector<16xf32>
        %get3A_1329 = arith.index_cast %add3A_1317 : i32 to index
        %get3A_1330 = tpu.vector_load %arg8[%get3A_1329] {strides = array<i32>} : memref<16384xf32, #tpu.memory_space<vmem>>, vector<16xf32>,
        %get3A_1331 = vector.shape_cast %get3A_1330 : vector<16xf32> to vector<16xf32>
        %sub3A_1332 = arith.subf %min3A_1328, %max3A_1327 : vector<16xf32>
        %mul3A_1333 = arith.mulf %get3A_1331, %sub3A_1332 : vector<16xf32>
        %add3A_1334 = arith.addf %max3A_1327, %mul3A_1333 : vector<16xf32>
        %swap3A_1335 = arith.index_cast %add3A_1317 : i32 to index
        %swap3A_1336 = tpu.vector_load %arg5[%swap3A_1335] {strides = array<i32>} : memref<16384xf32, #tpu.memory_space<vmem>>, vector<16xf32>,
        %swap3A_1337 = vector.shape_cast %swap3A_1336 : vector<16xf32> to vector<16xf32>
        %swap3A_1338 = vector.shape_cast %add3A_1334 : vector<16xf32> to vector<16xf32>
        tpu.vector_store %arg5[%swap3A_1335], %swap3A_1338 {strides = array<i32>} : memref<16384xf32, #tpu.memory_space<vmem>>, vector<16xf32>,
        %sub3A_1339 = arith.subf %get3A_1320, %add3A_1334 : vector<16xf32>
        %swap3A_1340 = arith.constant 400 : index
        %swap3A_1341 = tpu.vector_load %arg6[%swap3A_1340] {strides = array<i32>} : memref<512xf32, #tpu.memory_space<vmem>>, vector<16xf32>,
        %swap3A_1342 = vector.shape_cast %swap3A_1341 : vector<16xf32> to vector<16xf32>
        %swap3A_1343 = vector.shape_cast %sub3A_1339 : vector<16xf32> to vector<16xf32>
        tpu.vector_store %arg6[%swap3A_1340], %swap3A_1343 {strides = array<i32>} : memref<512xf32, #tpu.memory_space<vmem>>, vector<16xf32>,
        %max3A_1344 = arith.constant 0.000000e+00 : f32
        %max3A_1345 = vector.broadcast %max3A_1344 : f32 to vector<16xf32>
        %max3A_1346 = arith.maximumf %sub3A_1339, %max3A_1345 : vector<16xf32>
        %add3A_1347 = arith.addf %add3A_1309, %max3A_1346 : vector<16xf32>
        %swap3A_1348 = arith.constant 400 : index
        %swap3A_1349 = tpu.vector_load %arg7[%swap3A_1348] {strides = array<i32>} : memref<512xf32, #tpu.memory_space<vmem>>, vector<16xf32>,
        %swap3A_1350 = vector.shape_cast %swap3A_1349 : vector<16xf32> to vector<16xf32>
        %swap3A_1351 = vector.shape_cast %add3A_1347 : vector<16xf32> to vector<16xf32>
        tpu.vector_store %arg7[%swap3A_1348], %swap3A_1351 {strides = array<i32>} : memref<512xf32, #tpu.memory_space<vmem>>, vector<16xf32>,
        %sub3A_1352 = arith.subf %sub3A_1314, %add3A_1334 : vector<16xf32>
        %sub3A_1353 = arith.subf %sub3A_1315, %add3A_1334 : vector<16xf32>
        %add3A_1354 = arith.constant 416 : i32
        %add3A_1355 = arith.addi %mul3A_363, %add3A_1354 : i32
        %get3A_1356 = arith.constant 416 : index
        %get3A_1357 = tpu.vector_load %arg6[%get3A_1356] {strides = array<i32>} : memref<512xf32, #tpu.memory_space<vmem>>, vector<16xf32>,
        %get3A_1358 = vector.shape_cast %get3A_1357 : vector<16xf32> to vector<16xf32>
        %get3A_1359 = arith.constant 416 : index
        %get3A_1360 = tpu.vector_load %arg7[%get3A_1359] {strides = array<i32>} : memref<512xf32, #tpu.memory_space<vmem>>, vector<16xf32>,
        %get3A_1361 = vector.shape_cast %get3A_1360 : vector<16xf32> to vector<16xf32>
        %add3A_1362 = arith.addf %sub3A_1353, %get3A_1361 : vector<16xf32>
        %max3A_1363 = arith.constant 0.000000e+00 : f32
        %max3A_1364 = vector.broadcast %max3A_1363 : f32 to vector<16xf32>
        %max3A_1365 = arith.maximumf %add3A_1362, %max3A_1364 : vector<16xf32>
        %min3A_1366 = arith.minimumf %sub3A_1352, %get3A_1358 : vector<16xf32>
        %get3A_1367 = arith.index_cast %add3A_1355 : i32 to index
        %get3A_1368 = tpu.vector_load %arg8[%get3A_1367] {strides = array<i32>} : memref<16384xf32, #tpu.memory_space<vmem>>, vector<16xf32>,
        %get3A_1369 = vector.shape_cast %get3A_1368 : vector<16xf32> to vector<16xf32>
        %sub3A_1370 = arith.subf %min3A_1366, %max3A_1365 : vector<16xf32>
        %mul3A_1371 = arith.mulf %get3A_1369, %sub3A_1370 : vector<16xf32>
        %add3A_1372 = arith.addf %max3A_1365, %mul3A_1371 : vector<16xf32>
        %swap3A_1373 = arith.index_cast %add3A_1355 : i32 to index
        %swap3A_1374 = tpu.vector_load %arg5[%swap3A_1373] {strides = array<i32>} : memref<16384xf32, #tpu.memory_space<vmem>>, vector<16xf32>,
        %swap3A_1375 = vector.shape_cast %swap3A_1374 : vector<16xf32> to vector<16xf32>
        %swap3A_1376 = vector.shape_cast %add3A_1372 : vector<16xf32> to vector<16xf32>
        tpu.vector_store %arg5[%swap3A_1373], %swap3A_1376 {strides = array<i32>} : memref<16384xf32, #tpu.memory_space<vmem>>, vector<16xf32>,
        %sub3A_1377 = arith.subf %get3A_1358, %add3A_1372 : vector<16xf32>
        %swap3A_1378 = arith.constant 416 : index
        %swap3A_1379 = tpu.vector_load %arg6[%swap3A_1378] {strides = array<i32>} : memref<512xf32, #tpu.memory_space<vmem>>, vector<16xf32>,
        %swap3A_1380 = vector.shape_cast %swap3A_1379 : vector<16xf32> to vector<16xf32>
        %swap3A_1381 = vector.shape_cast %sub3A_1377 : vector<16xf32> to vector<16xf32>
        tpu.vector_store %arg6[%swap3A_1378], %swap3A_1381 {strides = array<i32>} : memref<512xf32, #tpu.memory_space<vmem>>, vector<16xf32>,
        %max3A_1382 = arith.constant 0.000000e+00 : f32
        %max3A_1383 = vector.broadcast %max3A_1382 : f32 to vector<16xf32>
        %max3A_1384 = arith.maximumf %sub3A_1377, %max3A_1383 : vector<16xf32>
        %add3A_1385 = arith.addf %add3A_1347, %max3A_1384 : vector<16xf32>
        %swap3A_1386 = arith.constant 416 : index
        %swap3A_1387 = tpu.vector_load %arg7[%swap3A_1386] {strides = array<i32>} : memref<512xf32, #tpu.memory_space<vmem>>, vector<16xf32>,
        %swap3A_1388 = vector.shape_cast %swap3A_1387 : vector<16xf32> to vector<16xf32>
        %swap3A_1389 = vector.shape_cast %add3A_1385 : vector<16xf32> to vector<16xf32>
        tpu.vector_store %arg7[%swap3A_1386], %swap3A_1389 {strides = array<i32>} : memref<512xf32, #tpu.memory_space<vmem>>, vector<16xf32>,
        %sub3A_1390 = arith.subf %sub3A_1352, %add3A_1372 : vector<16xf32>
        %sub3A_1391 = arith.subf %sub3A_1353, %add3A_1372 : vector<16xf32>
        %add3A_1392 = arith.constant 432 : i32
        %add3A_1393 = arith.addi %mul3A_363, %add3A_1392 : i32
        %get3A_1394 = arith.constant 432 : index
        %get3A_1395 = tpu.vector_load %arg6[%get3A_1394] {strides = array<i32>} : memref<512xf32, #tpu.memory_space<vmem>>, vector<16xf32>,
        %get3A_1396 = vector.shape_cast %get3A_1395 : vector<16xf32> to vector<16xf32>
        %get3A_1397 = arith.constant 432 : index
        %get3A_1398 = tpu.vector_load %arg7[%get3A_1397] {strides = array<i32>} : memref<512xf32, #tpu.memory_space<vmem>>, vector<16xf32>,
        %get3A_1399 = vector.shape_cast %get3A_1398 : vector<16xf32> to vector<16xf32>
        %add3A_1400 = arith.addf %sub3A_1391, %get3A_1399 : vector<16xf32>
        %max3A_1401 = arith.constant 0.000000e+00 : f32
        %max3A_1402 = vector.broadcast %max3A_1401 : f32 to vector<16xf32>
        %max3A_1403 = arith.maximumf %add3A_1400, %max3A_1402 : vector<16xf32>
        %min3A_1404 = arith.minimumf %sub3A_1390, %get3A_1396 : vector<16xf32>
        %get3A_1405 = arith.index_cast %add3A_1393 : i32 to index
        %get3A_1406 = tpu.vector_load %arg8[%get3A_1405] {strides = array<i32>} : memref<16384xf32, #tpu.memory_space<vmem>>, vector<16xf32>,
        %get3A_1407 = vector.shape_cast %get3A_1406 : vector<16xf32> to vector<16xf32>
        %sub3A_1408 = arith.subf %min3A_1404, %max3A_1403 : vector<16xf32>
        %mul3A_1409 = arith.mulf %get3A_1407, %sub3A_1408 : vector<16xf32>
        %add3A_1410 = arith.addf %max3A_1403, %mul3A_1409 : vector<16xf32>
        %swap3A_1411 = arith.index_cast %add3A_1393 : i32 to index
        %swap3A_1412 = tpu.vector_load %arg5[%swap3A_1411] {strides = array<i32>} : memref<16384xf32, #tpu.memory_space<vmem>>, vector<16xf32>,
        %swap3A_1413 = vector.shape_cast %swap3A_1412 : vector<16xf32> to vector<16xf32>
        %swap3A_1414 = vector.shape_cast %add3A_1410 : vector<16xf32> to vector<16xf32>
        tpu.vector_store %arg5[%swap3A_1411], %swap3A_1414 {strides = array<i32>} : memref<16384xf32, #tpu.memory_space<vmem>>, vector<16xf32>,
        %sub3A_1415 = arith.subf %get3A_1396, %add3A_1410 : vector<16xf32>
        %swap3A_1416 = arith.constant 432 : index
        %swap3A_1417 = tpu.vector_load %arg6[%swap3A_1416] {strides = array<i32>} : memref<512xf32, #tpu.memory_space<vmem>>, vector<16xf32>,
        %swap3A_1418 = vector.shape_cast %swap3A_1417 : vector<16xf32> to vector<16xf32>
        %swap3A_1419 = vector.shape_cast %sub3A_1415 : vector<16xf32> to vector<16xf32>
        tpu.vector_store %arg6[%swap3A_1416], %swap3A_1419 {strides = array<i32>} : memref<512xf32, #tpu.memory_space<vmem>>, vector<16xf32>,
        %max3A_1420 = arith.constant 0.000000e+00 : f32
        %max3A_1421 = vector.broadcast %max3A_1420 : f32 to vector<16xf32>
        %max3A_1422 = arith.maximumf %sub3A_1415, %max3A_1421 : vector<16xf32>
        %add3A_1423 = arith.addf %add3A_1385, %max3A_1422 : vector<16xf32>
        %swap3A_1424 = arith.constant 432 : index
        %swap3A_1425 = tpu.vector_load %arg7[%swap3A_1424] {strides = array<i32>} : memref<512xf32, #tpu.memory_space<vmem>>, vector<16xf32>,
        %swap3A_1426 = vector.shape_cast %swap3A_1425 : vector<16xf32> to vector<16xf32>
        %swap3A_1427 = vector.shape_cast %add3A_1423 : vector<16xf32> to vector<16xf32>
        tpu.vector_store %arg7[%swap3A_1424], %swap3A_1427 {strides = array<i32>} : memref<512xf32, #tpu.memory_space<vmem>>, vector<16xf32>,
        %sub3A_1428 = arith.subf %sub3A_1390, %add3A_1410 : vector<16xf32>
        %sub3A_1429 = arith.subf %sub3A_1391, %add3A_1410 : vector<16xf32>
        %add3A_1430 = arith.constant 448 : i32
        %add3A_1431 = arith.addi %mul3A_363, %add3A_1430 : i32
        %get3A_1432 = arith.constant 448 : index
        %get3A_1433 = tpu.vector_load %arg6[%get3A_1432] {strides = array<i32>} : memref<512xf32, #tpu.memory_space<vmem>>, vector<16xf32>,
        %get3A_1434 = vector.shape_cast %get3A_1433 : vector<16xf32> to vector<16xf32>
        %get3A_1435 = arith.constant 448 : index
        %get3A_1436 = tpu.vector_load %arg7[%get3A_1435] {strides = array<i32>} : memref<512xf32, #tpu.memory_space<vmem>>, vector<16xf32>,
        %get3A_1437 = vector.shape_cast %get3A_1436 : vector<16xf32> to vector<16xf32>
        %add3A_1438 = arith.addf %sub3A_1429, %get3A_1437 : vector<16xf32>
        %max3A_1439 = arith.constant 0.000000e+00 : f32
        %max3A_1440 = vector.broadcast %max3A_1439 : f32 to vector<16xf32>
        %max3A_1441 = arith.maximumf %add3A_1438, %max3A_1440 : vector<16xf32>
        %min3A_1442 = arith.minimumf %sub3A_1428, %get3A_1434 : vector<16xf32>
        %get3A_1443 = arith.index_cast %add3A_1431 : i32 to index
        %get3A_1444 = tpu.vector_load %arg8[%get3A_1443] {strides = array<i32>} : memref<16384xf32, #tpu.memory_space<vmem>>, vector<16xf32>,
        %get3A_1445 = vector.shape_cast %get3A_1444 : vector<16xf32> to vector<16xf32>
        %sub3A_1446 = arith.subf %min3A_1442, %max3A_1441 : vector<16xf32>
        %mul3A_1447 = arith.mulf %get3A_1445, %sub3A_1446 : vector<16xf32>
        %add3A_1448 = arith.addf %max3A_1441, %mul3A_1447 : vector<16xf32>
        %swap3A_1449 = arith.index_cast %add3A_1431 : i32 to index
        %swap3A_1450 = tpu.vector_load %arg5[%swap3A_1449] {strides = array<i32>} : memref<16384xf32, #tpu.memory_space<vmem>>, vector<16xf32>,
        %swap3A_1451 = vector.shape_cast %swap3A_1450 : vector<16xf32> to vector<16xf32>
        %swap3A_1452 = vector.shape_cast %add3A_1448 : vector<16xf32> to vector<16xf32>
        tpu.vector_store %arg5[%swap3A_1449], %swap3A_1452 {strides = array<i32>} : memref<16384xf32, #tpu.memory_space<vmem>>, vector<16xf32>,
        %sub3A_1453 = arith.subf %get3A_1434, %add3A_1448 : vector<16xf32>
        %swap3A_1454 = arith.constant 448 : index
        %swap3A_1455 = tpu.vector_load %arg6[%swap3A_1454] {strides = array<i32>} : memref<512xf32, #tpu.memory_space<vmem>>, vector<16xf32>,
        %swap3A_1456 = vector.shape_cast %swap3A_1455 : vector<16xf32> to vector<16xf32>
        %swap3A_1457 = vector.shape_cast %sub3A_1453 : vector<16xf32> to vector<16xf32>
        tpu.vector_store %arg6[%swap3A_1454], %swap3A_1457 {strides = array<i32>} : memref<512xf32, #tpu.memory_space<vmem>>, vector<16xf32>,
        %max3A_1458 = arith.constant 0.000000e+00 : f32
        %max3A_1459 = vector.broadcast %max3A_1458 : f32 to vector<16xf32>
        %max3A_1460 = arith.maximumf %sub3A_1453, %max3A_1459 : vector<16xf32>
        %add3A_1461 = arith.addf %add3A_1423, %max3A_1460 : vector<16xf32>
        %swap3A_1462 = arith.constant 448 : index
        %swap3A_1463 = tpu.vector_load %arg7[%swap3A_1462] {strides = array<i32>} : memref<512xf32, #tpu.memory_space<vmem>>, vector<16xf32>,
        %swap3A_1464 = vector.shape_cast %swap3A_1463 : vector<16xf32> to vector<16xf32>
        %swap3A_1465 = vector.shape_cast %add3A_1461 : vector<16xf32> to vector<16xf32>
        tpu.vector_store %arg7[%swap3A_1462], %swap3A_1465 {strides = array<i32>} : memref<512xf32, #tpu.memory_space<vmem>>, vector<16xf32>,
        %sub3A_1466 = arith.subf %sub3A_1428, %add3A_1448 : vector<16xf32>
        %sub3A_1467 = arith.subf %sub3A_1429, %add3A_1448 : vector<16xf32>
        %add3A_1468 = arith.constant 464 : i32
        %add3A_1469 = arith.addi %mul3A_363, %add3A_1468 : i32
        %get3A_1470 = arith.constant 464 : index
        %get3A_1471 = tpu.vector_load %arg6[%get3A_1470] {strides = array<i32>} : memref<512xf32, #tpu.memory_space<vmem>>, vector<16xf32>,
        %get3A_1472 = vector.shape_cast %get3A_1471 : vector<16xf32> to vector<16xf32>
        %get3A_1473 = arith.constant 464 : index
        %get3A_1474 = tpu.vector_load %arg7[%get3A_1473] {strides = array<i32>} : memref<512xf32, #tpu.memory_space<vmem>>, vector<16xf32>,
        %get3A_1475 = vector.shape_cast %get3A_1474 : vector<16xf32> to vector<16xf32>
        %add3A_1476 = arith.addf %sub3A_1467, %get3A_1475 : vector<16xf32>
        %max3A_1477 = arith.constant 0.000000e+00 : f32
        %max3A_1478 = vector.broadcast %max3A_1477 : f32 to vector<16xf32>
        %max3A_1479 = arith.maximumf %add3A_1476, %max3A_1478 : vector<16xf32>
        %min3A_1480 = arith.minimumf %sub3A_1466, %get3A_1472 : vector<16xf32>
        %get3A_1481 = arith.index_cast %add3A_1469 : i32 to index
        %get3A_1482 = tpu.vector_load %arg8[%get3A_1481] {strides = array<i32>} : memref<16384xf32, #tpu.memory_space<vmem>>, vector<16xf32>,
        %get3A_1483 = vector.shape_cast %get3A_1482 : vector<16xf32> to vector<16xf32>
        %sub3A_1484 = arith.subf %min3A_1480, %max3A_1479 : vector<16xf32>
        %mul3A_1485 = arith.mulf %get3A_1483, %sub3A_1484 : vector<16xf32>
        %add3A_1486 = arith.addf %max3A_1479, %mul3A_1485 : vector<16xf32>
        %swap3A_1487 = arith.index_cast %add3A_1469 : i32 to index
        %swap3A_1488 = tpu.vector_load %arg5[%swap3A_1487] {strides = array<i32>} : memref<16384xf32, #tpu.memory_space<vmem>>, vector<16xf32>,
        %swap3A_1489 = vector.shape_cast %swap3A_1488 : vector<16xf32> to vector<16xf32>
        %swap3A_1490 = vector.shape_cast %add3A_1486 : vector<16xf32> to vector<16xf32>
        tpu.vector_store %arg5[%swap3A_1487], %swap3A_1490 {strides = array<i32>} : memref<16384xf32, #tpu.memory_space<vmem>>, vector<16xf32>,
        %sub3A_1491 = arith.subf %get3A_1472, %add3A_1486 : vector<16xf32>
        %swap3A_1492 = arith.constant 464 : index
        %swap3A_1493 = tpu.vector_load %arg6[%swap3A_1492] {strides = array<i32>} : memref<512xf32, #tpu.memory_space<vmem>>, vector<16xf32>,
        %swap3A_1494 = vector.shape_cast %swap3A_1493 : vector<16xf32> to vector<16xf32>
        %swap3A_1495 = vector.shape_cast %sub3A_1491 : vector<16xf32> to vector<16xf32>
        tpu.vector_store %arg6[%swap3A_1492], %swap3A_1495 {strides = array<i32>} : memref<512xf32, #tpu.memory_space<vmem>>, vector<16xf32>,
        %max3A_1496 = arith.constant 0.000000e+00 : f32
        %max3A_1497 = vector.broadcast %max3A_1496 : f32 to vector<16xf32>
        %max3A_1498 = arith.maximumf %sub3A_1491, %max3A_1497 : vector<16xf32>
        %add3A_1499 = arith.addf %add3A_1461, %max3A_1498 : vector<16xf32>
        %swap3A_1500 = arith.constant 464 : index
        %swap3A_1501 = tpu.vector_load %arg7[%swap3A_1500] {strides = array<i32>} : memref<512xf32, #tpu.memory_space<vmem>>, vector<16xf32>,
        %swap3A_1502 = vector.shape_cast %swap3A_1501 : vector<16xf32> to vector<16xf32>
        %swap3A_1503 = vector.shape_cast %add3A_1499 : vector<16xf32> to vector<16xf32>
        tpu.vector_store %arg7[%swap3A_1500], %swap3A_1503 {strides = array<i32>} : memref<512xf32, #tpu.memory_space<vmem>>, vector<16xf32>,
        %sub3A_1504 = arith.subf %sub3A_1466, %add3A_1486 : vector<16xf32>
        %sub3A_1505 = arith.subf %sub3A_1467, %add3A_1486 : vector<16xf32>
        %add3A_1506 = arith.constant 480 : i32
        %add3A_1507 = arith.addi %mul3A_363, %add3A_1506 : i32
        %get3A_1508 = arith.constant 480 : index
        %get3A_1509 = tpu.vector_load %arg6[%get3A_1508] {strides = array<i32>} : memref<512xf32, #tpu.memory_space<vmem>>, vector<16xf32>,
        %get3A_1510 = vector.shape_cast %get3A_1509 : vector<16xf32> to vector<16xf32>
        %get3A_1511 = arith.constant 480 : index
        %get3A_1512 = tpu.vector_load %arg7[%get3A_1511] {strides = array<i32>} : memref<512xf32, #tpu.memory_space<vmem>>, vector<16xf32>,
        %get3A_1513 = vector.shape_cast %get3A_1512 : vector<16xf32> to vector<16xf32>
        %add3A_1514 = arith.addf %sub3A_1505, %get3A_1513 : vector<16xf32>
        %max3A_1515 = arith.constant 0.000000e+00 : f32
        %max3A_1516 = vector.broadcast %max3A_1515 : f32 to vector<16xf32>
        %max3A_1517 = arith.maximumf %add3A_1514, %max3A_1516 : vector<16xf32>
        %min3A_1518 = arith.minimumf %sub3A_1504, %get3A_1510 : vector<16xf32>
        %get3A_1519 = arith.index_cast %add3A_1507 : i32 to index
        %get3A_1520 = tpu.vector_load %arg8[%get3A_1519] {strides = array<i32>} : memref<16384xf32, #tpu.memory_space<vmem>>, vector<16xf32>,
        %get3A_1521 = vector.shape_cast %get3A_1520 : vector<16xf32> to vector<16xf32>
        %sub3A_1522 = arith.subf %min3A_1518, %max3A_1517 : vector<16xf32>
        %mul3A_1523 = arith.mulf %get3A_1521, %sub3A_1522 : vector<16xf32>
        %add3A_1524 = arith.addf %max3A_1517, %mul3A_1523 : vector<16xf32>
        %swap3A_1525 = arith.index_cast %add3A_1507 : i32 to index
        %swap3A_1526 = tpu.vector_load %arg5[%swap3A_1525] {strides = array<i32>} : memref<16384xf32, #tpu.memory_space<vmem>>, vector<16xf32>,
        %swap3A_1527 = vector.shape_cast %swap3A_1526 : vector<16xf32> to vector<16xf32>
        %swap3A_1528 = vector.shape_cast %add3A_1524 : vector<16xf32> to vector<16xf32>
        tpu.vector_store %arg5[%swap3A_1525], %swap3A_1528 {strides = array<i32>} : memref<16384xf32, #tpu.memory_space<vmem>>, vector<16xf32>,
        %sub3A_1529 = arith.subf %get3A_1510, %add3A_1524 : vector<16xf32>
        %swap3A_1530 = arith.constant 480 : index
        %swap3A_1531 = tpu.vector_load %arg6[%swap3A_1530] {strides = array<i32>} : memref<512xf32, #tpu.memory_space<vmem>>, vector<16xf32>,
        %swap3A_1532 = vector.shape_cast %swap3A_1531 : vector<16xf32> to vector<16xf32>
        %swap3A_1533 = vector.shape_cast %sub3A_1529 : vector<16xf32> to vector<16xf32>
        tpu.vector_store %arg6[%swap3A_1530], %swap3A_1533 {strides = array<i32>} : memref<512xf32, #tpu.memory_space<vmem>>, vector<16xf32>,
        %max3A_1534 = arith.constant 0.000000e+00 : f32
        %max3A_1535 = vector.broadcast %max3A_1534 : f32 to vector<16xf32>
        %max3A_1536 = arith.maximumf %sub3A_1529, %max3A_1535 : vector<16xf32>
        %add3A_1537 = arith.addf %add3A_1499, %max3A_1536 : vector<16xf32>
        %swap3A_1538 = arith.constant 480 : index
        %swap3A_1539 = tpu.vector_load %arg7[%swap3A_1538] {strides = array<i32>} : memref<512xf32, #tpu.memory_space<vmem>>, vector<16xf32>,
        %swap3A_1540 = vector.shape_cast %swap3A_1539 : vector<16xf32> to vector<16xf32>
        %swap3A_1541 = vector.shape_cast %add3A_1537 : vector<16xf32> to vector<16xf32>
        tpu.vector_store %arg7[%swap3A_1538], %swap3A_1541 {strides = array<i32>} : memref<512xf32, #tpu.memory_space<vmem>>, vector<16xf32>,
        %sub3A_1542 = arith.subf %sub3A_1504, %add3A_1524 : vector<16xf32>
        %sub3A_1543 = arith.subf %sub3A_1505, %add3A_1524 : vector<16xf32>
        %add3A_1544 = arith.constant 496 : i32
        %add3A_1545 = arith.addi %mul3A_363, %add3A_1544 : i32
        %get3A_1546 = arith.constant 496 : index
        %get3A_1547 = tpu.vector_load %arg6[%get3A_1546] {strides = array<i32>} : memref<512xf32, #tpu.memory_space<vmem>>, vector<16xf32>,
        %get3A_1548 = vector.shape_cast %get3A_1547 : vector<16xf32> to vector<16xf32>
        %get3A_1549 = arith.constant 496 : index
        %get3A_1550 = tpu.vector_load %arg7[%get3A_1549] {strides = array<i32>} : memref<512xf32, #tpu.memory_space<vmem>>, vector<16xf32>,
        %get3A_1551 = vector.shape_cast %get3A_1550 : vector<16xf32> to vector<16xf32>
        %add3A_1552 = arith.addf %sub3A_1543, %get3A_1551 : vector<16xf32>
        %max3A_1553 = arith.constant 0.000000e+00 : f32
        %max3A_1554 = vector.broadcast %max3A_1553 : f32 to vector<16xf32>
        %max3A_1555 = arith.maximumf %add3A_1552, %max3A_1554 : vector<16xf32>
        %min3A_1556 = arith.minimumf %sub3A_1542, %get3A_1548 : vector<16xf32>
        %get3A_1557 = arith.index_cast %add3A_1545 : i32 to index
        %get3A_1558 = tpu.vector_load %arg8[%get3A_1557] {strides = array<i32>} : memref<16384xf32, #tpu.memory_space<vmem>>, vector<16xf32>,
        %get3A_1559 = vector.shape_cast %get3A_1558 : vector<16xf32> to vector<16xf32>
        %sub3A_1560 = arith.subf %min3A_1556, %max3A_1555 : vector<16xf32>
        %mul3A_1561 = arith.mulf %get3A_1559, %sub3A_1560 : vector<16xf32>
        %add3A_1562 = arith.addf %max3A_1555, %mul3A_1561 : vector<16xf32>
        %swap3A_1563 = arith.index_cast %add3A_1545 : i32 to index
        %swap3A_1564 = tpu.vector_load %arg5[%swap3A_1563] {strides = array<i32>} : memref<16384xf32, #tpu.memory_space<vmem>>, vector<16xf32>,
        %swap3A_1565 = vector.shape_cast %swap3A_1564 : vector<16xf32> to vector<16xf32>
        %swap3A_1566 = vector.shape_cast %add3A_1562 : vector<16xf32> to vector<16xf32>
        tpu.vector_store %arg5[%swap3A_1563], %swap3A_1566 {strides = array<i32>} : memref<16384xf32, #tpu.memory_space<vmem>>, vector<16xf32>,
        %sub3A_1567 = arith.subf %get3A_1548, %add3A_1562 : vector<16xf32>
        %swap3A_1568 = arith.constant 496 : index
        %swap3A_1569 = tpu.vector_load %arg6[%swap3A_1568] {strides = array<i32>} : memref<512xf32, #tpu.memory_space<vmem>>, vector<16xf32>,
        %swap3A_1570 = vector.shape_cast %swap3A_1569 : vector<16xf32> to vector<16xf32>
        %swap3A_1571 = vector.shape_cast %sub3A_1567 : vector<16xf32> to vector<16xf32>
        tpu.vector_store %arg6[%swap3A_1568], %swap3A_1571 {strides = array<i32>} : memref<512xf32, #tpu.memory_space<vmem>>, vector<16xf32>,
        %max3A_1572 = arith.constant 0.000000e+00 : f32
        %max3A_1573 = vector.broadcast %max3A_1572 : f32 to vector<16xf32>
        %max3A_1574 = arith.maximumf %sub3A_1567, %max3A_1573 : vector<16xf32>
        %add3A_1575 = arith.addf %add3A_1537, %max3A_1574 : vector<16xf32>
        %swap3A_1576 = arith.constant 496 : index
        %swap3A_1577 = tpu.vector_load %arg7[%swap3A_1576] {strides = array<i32>} : memref<512xf32, #tpu.memory_space<vmem>>, vector<16xf32>,
        %swap3A_1578 = vector.shape_cast %swap3A_1577 : vector<16xf32> to vector<16xf32>
        %swap3A_1579 = vector.shape_cast %add3A_1575 : vector<16xf32> to vector<16xf32>
        tpu.vector_store %arg7[%swap3A_1576], %swap3A_1579 {strides = array<i32>} : memref<512xf32, #tpu.memory_space<vmem>>, vector<16xf32>,
        %sub3A_1580 = arith.subf %sub3A_1542, %add3A_1562 : vector<16xf32>
        %sub3A_1581 = arith.subf %sub3A_1543, %add3A_1562 : vector<16xf32>
        %swap3A_1582 = arith.constant 0 : index
        %swap3A_1583 = tpu.vector_load %arg9[%swap3A_1582] {strides = array<i32>} : memref<16xf32, #tpu.memory_space<vmem>>, vector<16xf32>,
        %swap3A_1584 = vector.shape_cast %swap3A_1583 : vector<16xf32> to vector<16xf32>
        %swap3A_1585 = vector.shape_cast %add3A_1575 : vector<16xf32> to vector<16xf32>
        tpu.vector_store %arg9[%swap3A_1582], %swap3A_1585 {strides = array<i32>} : memref<16xf32, #tpu.memory_space<vmem>>, vector<16xf32>,
      }
      %scan3A_346 = arith.constant 32 : i32
      %dma_start3A_347 = arith.constant 0 : i32
      %dma_start3A_348 = tpu.memref_slice %arg3[%arg1, %dma_start3A_347] : memref<2x16384xf32, #tpu.memory_space<hbm>> -> memref<1x16384xf32, #tpu.memory_space<hbm>>
      %dma_start3A_349 = tpu.memref_squeeze %dma_start3A_348 : memref<1x16384xf32, #tpu.memory_space<hbm>> -> memref<16384xf32, #tpu.memory_space<hbm>>
      %dma_start3A_350 = arith.constant 0 : i32
      %dma_start3A_351 = tpu.memref_slice %arg3[%arg1, %dma_start3A_350] : memref<2x16384xf32, #tpu.memory_space<hbm>> -> memref<1x16384xf32, #tpu.memory_space<hbm>>
      %dma_start3A_352 = tpu.memref_squeeze %dma_start3A_351 : memref<1x16384xf32, #tpu.memory_space<hbm>> -> memref<16384xf32, #tpu.memory_space<hbm>>
      tpu.enqueue_dma source(%arg5 : memref<16384xf32, #tpu.memory_space<vmem>>) target(%dma_start3A_352 : memref<16384xf32, #tpu.memory_space<hbm>>) target_semaphore(%arg10 : memref<!tpu.dma_semaphore, #tpu.memory_space<semaphore_mem>>)
      %dma_wait3A_353 = arith.constant 0 : i32
      %dma_wait3A_354 = tpu.memref_slice %arg3[%arg1, %dma_wait3A_353] : memref<2x16384xf32, #tpu.memory_space<hbm>> -> memref<1x16384xf32, #tpu.memory_space<hbm>>
      %dma_wait3A_355 = tpu.memref_squeeze %dma_wait3A_354 : memref<1x16384xf32, #tpu.memory_space<hbm>> -> memref<16384xf32, #tpu.memory_space<hbm>>
      %dma_wait3A_356 = arith.constant 0 : i32
      %dma_wait3A_357 = tpu.memref_slice %arg3[%arg1, %dma_wait3A_356] : memref<2x16384xf32, #tpu.memory_space<hbm>> -> memref<1x16384xf32, #tpu.memory_space<hbm>>
      %dma_wait3A_358 = tpu.memref_squeeze %dma_wait3A_357 : memref<1x16384xf32, #tpu.memory_space<hbm>> -> memref<16384xf32, #tpu.memory_space<hbm>>
      tpu.wait_dma2 semaphore(%arg10 : memref<!tpu.dma_semaphore, #tpu.memory_space<semaphore_mem>>) src(%arg5 : memref<16384xf32, #tpu.memory_space<vmem>>) dst(%dma_wait3A_358 : memref<16384xf32, #tpu.memory_space<hbm>>)
    } else {
    }
    return
  }
}

</mosaic_0001>

<sc_bundles>
// kernel: kernel.3.cloned.1.call-start
scs
__scs_entry_jumppad:
0x0: {  	(pc) =	sbr.rel $0x88, $3  }
0x1: {  	(tag) =	ssettag $0x0;
	lr =	simm.s32 $0x1  }
0x2: {  	[smem:$0x3FA0] =	sst lr;
	_ =	strace $0xD0000000  }
0x3: {  	_ = 	snop  }
0x4: {  	_ = 	snop  }
0x5: {  	_ = 	snop  }
0x6: {  	_ = 	snop  }
0x7: {  	_ = 	snop  }
__scs_overlays_trampoline_lowered:
0x8: {  	[smem:$0x3FAF] =	sst s0  }
0x9: {  	[smem:$0x3FB0] =	sst s1  }
0xa: {  	[smem:$0x3FB1] =	sst s2  }
0xb: {  	[smem:$0x3FB2] =	sst s3  }
0xc: {  	[smem:$0x3FB3] =	sst s4  }
0xd: {  	[smem:$0x3FB4] =	sst s5  }
0xe: {  	[smem:$0x3FB5] =	sst s6  }
0xf: {  	[smem:$0x3FB6] =	sst s7  }
0x10: {  	[smem:$0x3FB7] =	sst s8  }
0x11: {  	[smem:$0x3FB8] =	sst s9;
	s0 =	simm.s32 @!p0 $0x0  }
0x12: {  	s1 =	sld [smem:$0x3F9E];
	s0 =	simm.s32 @p0 $0x1  }
0x13: {  	[smem:$0x3FB9] =	sst s0;
	s0 =	simm.s32 @!p1 $0x0  }
0x14: {  	s2 =	sld [smem:$0x3F9D];
	s0 =	simm.s32 @p1 $0x1  }
0x15: {  	[smem:$0x3FBA] =	sst s0;
	s0 =	simm.s32 @!p2 $0x0  }
0x16: {  	s3 =	sld [smem:$0x3FDB];
	s0 =	simm.s32 @p2 $0x1  }
0x17: {  	s4 =	simm.s32 $0x1BF5;
	[smem:$0x3FBC] =	sst s0  }
0x18: {  	s0 =	sld [smem:$0x3F9F];
	_ =	swait.ge [sflag:s4], $0x0  }
0x19: {  	s7 =	sld [smem:$0x3FA0]  }
0x1a: {  	s8 =	sadd.s32 $0xFFFFE003, lr  }
0x1b: {  	s9 =	sadd.s32 $0xFFFFFEF7, lr;
	s5 =	simm.s32 $0xFFFFFFFF;
	p2 =	slt.u32 s8, $0xFFFFF086  }
0x1c: {  	p1 =	slt.u32 s9, $0xF7A;
	s5 =	simm.s32 @!p2 $0x0  }
0x1d: {  	s5 =	simm.s32 @p1 $0x1;
	p0 =	seq.s32 s7, s2  }
0x1e: {  	s7 =	smul.u32 @!p0 $0xF7A, s2;
	p2 =	seq.s32 @!p0 s5, $0x0  }
0x1f: {  	s9 =	smul.u32 $0xF7A, s1;
	s8 =	simm.s32 @!p0 $0x1BF5;
	p2 =	por !p2, p0  }
0x20: {  	[sflag:s8] =	ssyncset.s32 @!p0 $0xFFFFF086;
	s6 =	sadd.s32 @!p0 s3, s7;
	s7 =	simm.s32 @!p0 $0x108  }
0x21: {  	s3 =	sadd.s32 s3, s9;
	s6 =	sadd.s32 @!p0 $0x88, s6;
	s7 =	simm.s32 @p2 $0x1082  }
0x22: {  	[simem:s7], [sflag:s8] =	dma.local @!p0 [hbm:s6], $0xF7A  }
0x23: {  	s9 =	sor.u32 $0xD0000000, s2;
	s6 =	simm.s32 $0x108;
	_ =	swait.ge @!p0 [sflag:s8], $0x0  }
0x24: {  	s3 =	sadd.s32 $0x88, s3;
	s6 =	simm.s32 @!p1 $0x1082;
	[sflag:s4] =	ssyncset.s32 $0xFFFFF086  }
0x25: {  	[simem:s6], [sflag:s4] =	dma.local [hbm:s3], $0xF7A  }
0x26: {  	[smem:$0x3FA0] =	sst s1;
	(tag) =	ssettag s2;
	_ =	strace s9  }
0x27: {  	s1 =	sld [smem:$0x3FB0]  }
0x28: {  	s2 =	sld [smem:$0x3FB1]  }
0x29: {  	s4 =	sld [smem:$0x3FB3]  }
0x2a: {  	p0 =	seq.s32 s5, $0x0;
	s5 =	sld [smem:$0x3FB4]  }
0x2b: {  	s6 =	sld [smem:$0x3FB5]  }
0x2c: {  	s7 =	sld [smem:$0x3FB6]  }
0x2d: {  	s3 =	simm.s32 $0x108;
	s8 =	sld [smem:$0x3FB7]  }
0x2e: {  	s3 =	simm.s32 @!p0 $0x1082;
	s9 =	sld [smem:$0x3FB8]  }
0x2f: {  	lr =	sadd.s32 s0, s3;
	s0 =	sld [smem:$0x3FAF]  }
0x30: {  	s3 =	sld [smem:$0x3FB2]  }
0x31: {  	[smem:$0x3FBB] =	sst s10  }
0x32: {  	s10 =	sld [smem:$0x3FB9];
	_ =	sdelay $0x3  }
0x33: {  	p0 =	seq.s32 s10, $0x1;
	s10 =	sld [smem:$0x3FBB];
	_ =	sdelay $0x3  }
0x34: {  	[smem:$0x3FBB] =	sst s10  }
0x35: {  	s10 =	sld [smem:$0x3FBA];
	_ =	sdelay $0x3  }
0x36: {  	p1 =	seq.s32 s10, $0x1;
	s10 =	sld [smem:$0x3FBB];
	_ =	sdelay $0x3  }
0x37: {  	[smem:$0x3FBB] =	sst s10  }
0x38: {  	s10 =	sld [smem:$0x3FBC]  }
0x39: {  	_ = 	snop;
	(pc) =	sbr.ind lr, $3  }
0x3a: {  	_ = 	snop  }
0x3b: {  	_ = 	snop  }
0x3c: {  	p2 =	seq.s32 s10, $0x1;
	s10 =	sld [smem:$0x3FBB]  }
0x3d: {  	_ =	shalt  }
0x3e: {  	_ =	shalt  }
0x3f: {  	_ =	shalt  }
0x40: {  	_ =	shalt  }
0x41: {  	_ =	shalt  }
0x42: {  	_ =	shalt  }
0x43: {  	_ =	shalt  }
0x44: {  	_ =	shalt  }
0x45: {  	_ =	shalt  }
0x46: {  	_ =	shalt  }
0x47: {  	_ =	shalt  }
0x48: {  	_ =	shalt  }
0x49: {  	_ =	shalt  }
0x4a: {  	_ =	shalt  }
0x4b: {  	_ =	shalt  }
0x4c: {  	_ =	shalt  }
0x4d: {  	_ =	shalt  }
0x4e: {  	_ =	shalt  }
0x4f: {  	_ =	shalt  }
0x50: {  	_ =	shalt  }
0x51: {  	_ =	shalt  }
0x52: {  	_ =	shalt  }
0x53: {  	_ =	shalt  }
0x54: {  	_ =	shalt  }
0x55: {  	_ =	shalt  }
0x56: {  	_ =	shalt  }
0x57: {  	_ =	shalt  }
0x58: {  	_ =	shalt  }
0x59: {  	_ =	shalt  }
0x5a: {  	_ =	shalt  }
0x5b: {  	_ =	shalt  }
0x5c: {  	_ =	shalt  }
0x5d: {  	_ =	shalt  }
0x5e: {  	_ =	shalt  }
0x5f: {  	_ =	shalt  }
0x60: {  	_ =	shalt  }
0x61: {  	_ =	shalt  }
0x62: {  	_ =	shalt  }
0x63: {  	_ =	shalt  }
0x64: {  	_ =	shalt  }
0x65: {  	_ =	shalt  }
0x66: {  	_ =	shalt  }
0x67: {  	_ =	shalt  }
0x68: {  	_ =	shalt  }
0x69: {  	_ =	shalt  }
0x6a: {  	_ =	shalt  }
0x6b: {  	_ =	shalt  }
0x6c: {  	_ =	shalt  }
0x6d: {  	_ =	shalt  }
0x6e: {  	_ =	shalt  }
0x6f: {  	_ =	shalt  }
0x70: {  	_ =	shalt  }
0x71: {  	_ =	shalt  }
0x72: {  	_ =	shalt  }
0x73: {  	_ =	shalt  }
0x74: {  	_ =	shalt  }
0x75: {  	_ =	shalt  }
0x76: {  	_ =	shalt  }
0x77: {  	_ =	shalt  }
0x78: {  	_ =	shalt  }
0x79: {  	_ =	shalt  }
0x7a: {  	_ =	shalt  }
0x7b: {  	_ =	shalt  }
0x7c: {  	_ =	shalt  }
0x7d: {  	_ =	shalt  }
0x7e: {  	_ =	shalt  }
0x7f: {  	_ =	shalt  }
0x80: {  	_ =	shalt  }
0x81: {  	_ =	shalt  }
0x82: {  	_ =	shalt  }
0x83: {  	_ =	shalt  }
0x84: {  	_ =	shalt  }
0x85: {  	_ =	shalt  }
0x86: {  	_ =	shalt  }
0x87: {  	_ =	shalt  }
.Lfunc_end0:
.L_simem_size_0:
called_computation_lowered:
.L_overlay_start_0:
0x88: {  	s0 =	sld [smem:$0x3FD9]  }
0x89: {  	s1 =	sld [smem:$0x3FFE];
	_ =	sdelay $0x3  }
0x8a: {  	s0 =	sadd.s32 s1, s0  }
0x8b: {  	[smem:$0x3FC7] =	sst s0  }
0x8c: {  	_ = 	snop  }
0x8d: {  	s0 =	sld [smem:$0x3FD0];
	(tm) =	ssettm $0x1  }
0x8e: {  	s16 =	sld [smem:$0x3FFB];
	_ =	sdelay $0x3  }
0x8f: {  	_ =	strace s16  }
0x90: {  	s1 =	sld [smem:$0x3FFC];
	_ =	sdelay $0x3  }
0x91: {  	_ =	strace s1  }
0x92: {  	s1 =	sld [smem:$0x3FFD];
	_ =	sdelay $0x3  }
0x93: {  	_ =	strace s1  }
0x94: {  	_ =	strace $0x8FFFFFFF  }
0x95: {  	s17 =	sld [smem:$0x3FDB];
	_ =	sdelay $0x1  }
0x96: {  	s2 =	simm.s32 $_scs_section_size  }
0x97: {  	s3 =	simm.s32 $_size__tile_overlayer_lowered;
	s4 =	simm.s32 $_tile_overlayer_lowered  }
0x98: {  	s20 =	simm.s32 $0x1BFF;
	s19 =	sshll.u32 s4, $0x1;
	s1 =	sadd.s32 s2, s17  }
0x99: {  	s5 =	simm.s32 $0x0;
	s18 =	sshll.u32 s3, $0x1;
	s3 =	sadd.s32 s19, s1  }
0x9a: {  	[timem:s5], [sflag:s20] =	dma.local [hbm:s3], s18  }
0x9b: {  	_ =	swait.ge [sflag:s20], s18  }
0x9c: {  	s2 =	ssub.s32 $0x0, s18;
	[sflag:s20] =	ssyncset.done $0x0  }
0x9d: {  	[sflag:s20] =	ssyncadd.s32 s2;
	_ =	sdelay $0x1  }
0x9e: {  	s21 =	simm.s32 $0x1B8B  }
0x9f: {  	_ =	swait.ge [sflag:s21], $0x1  }
0xa0: {  	[sflag:s21] =	ssyncset.done $0x0  }
0xa1: {  	s23 =	simm.s32 $0x1B8E;
	s22 =	sld [smem:$0x3FFE];
	[sflag:s21] =	ssyncadd.s32 $0xFFFFFFFF  }
0xa2: {  	s24 =	simm.s32 $execute0_lowered;
	[smem:$0x3FD2] =	sst s23  }
0xa3: {  	s3 =	sshll.u32 s24, $0x1;
	_ =	strace $0x80000046;
	[dreg:$0x1] =	wrdreg $0xFFFFFFFF  }
0xa4: {  	s25 =	simm.s32 $_size_execute0_lowered;
	s1 =	sadd.s32 s1, s3;
	[dreg:$0x0] =	wrdreg $0x0  }
0xa5: {  	s3 =	sshll.u32 s25, $0x1;
	[dreg:$0x2] =	wrdreg s1  }
0xa6: {  	[dreg:$0x3] =	wrdreg s3  }
0xa7: {  	[dreg:$0x4] =	wrdreg $0xC0  }
0xa8: {  	_ =	task [dreg:s5], $0x5FFFF  }
0xa9: {  	[dreg:$0x1] =	wrdreg $0xFFFFFFFF  }
0xaa: {  	[dreg:$0x0] =	wrdreg $0x60  }
0xab: {  	[dreg:$0x2] =	wrdreg s0  }
0xac: {  	[dreg:$0x3] =	wrdreg s22  }
0xad: {  	[dreg:$0x4] =	wrdreg $0x9  }
0xae: {  	_ =	task.clear_ibuf [dreg:s5], $0x5FFFF;
	_ =	strace $0x90000046  }
0xaf: {  	s26 =	simm.s32 $0x9;
	_ =	strace $0x80000048  }
0xb0: {  	_ =	swait.ge [sflag:s26], $0x1  }
0xb1: {  	[sflag:s26] =	ssyncadd.s32 $0xFFFFFFFF  }
0xb2: {  	_ =	strace $0x90000048  }
0xb3: {  	_ =	sfence  }
0xb4: {  	s28 =	sld [smem:$0x0];
	_ =	sdelay $0x1  }
0xb5: {  	s29 =	srdreg.scid  }
0xb6: {  	s30 =	sshll.u32 s29, $0xD;
	s31 =	sshrl.u32 s29, $0x2  }
0xb7: {  	s2 =	sand.u32 $0x4000, s30;
	s1 =	sand.u32 $0x1, s29;
	s0 =	sadd.s32 s31, s28  }
0xb8: {  	s1 =	sor.u32 s2, s1;
	s0 =	sshll.u32 s0, $0x11  }
0xb9: {  	s0 =	sor.u32 s0, s1  }
0xba: {  	s0 =	sadd.s32 $0x8F2B, s0  }
0xbb: {  	[sflag:s0] =	ssyncadd.remote.s32 $0x1  }
0xbc: {  	_ =	sfence.sel $0xFFFF  }
0xbd: {  	[dreg:$0x0] =	wrdreg $0xFFFFFFFF;
	(pc) =	sbr.abs _section_cstart, $3  }
0xbe: {  	[dreg:$0x1] =	wrdreg $0xFFFFFFFF  }
0xbf: {  	_ =	task.clear_ibuf [dreg:s5], $0x2FFFF;
	_ =	strace $0x9FFFFFFF  }
0xc0: {  	(tm) =	ssettm $0x7FFFFFFF  }
0xc1: {  	_ =	shalt  }
tec
execute0_lowered:
.L_overlay_start_1:
0x0: {  	(tag) =	ssettag $0x1  }
0x1: {  	s1 =	stileid.u32  }
0x2: {  	p0 =	sgt.u32 s1, $0x1  }
.Ltmp0:
0x3: {  	_ = 	snop;
	(pc) =	sbr.rel @p0 .LBB2_6-.Ltmp0, $4  }
0x4: {  	s3 =	rddreg [dreg:$0x0]  }
0x5: {  	s2 =	rddreg [dreg:$0x1];
	s5 =	simm.s32 $0x0  }
0x6: {  	[smem:$0x7FF] =	sst s5  }
0x7: {  	s0 =	rddreg [dreg:$0x2];
	_ =	strace $0x80000047  }
0x8: {  	s4 =	sshll.u32 s1, $0x4;
	s6 =	simm.s32 $0x80  }
0x9: {  	s7 =	simm.s32 $0x100;
	s31 =	simm.s32 $0x1;
	s3 =	sadd.s32 s3, s4  }
0xa: {  	[tilespmem:s5], [sflag:$0x1] =	stream.strided.gather [hbm4b:s3+s6], $0x4000, s7, s6, $0x38;
	[tilespmem:$0xC480] =	vst v63  }
0xb: {  	_ =	swait.ge [sflag:s31], $0x4000  }
0xc: {  	[sflag:s31] =	ssyncset.done $0x0  }
0xd: {  	s3 =	simm.s32 $0x0;
	[sflag:s31] =	ssyncadd.s32 $0xFFFFC000  }
0xe: {  	v0 =	vld [tilespmem:s3+$0x1F0]  }
0xf: {  	v1 =	vld [tilespmem:s3+$0x0]  }
0x10: {  	v2 =	vld [tilespmem:s3+$0x10]  }
0x11: {  	v3 =	vld [tilespmem:s3+$0x20]  }
0x12: {  	v4 =	vld [tilespmem:s3+$0x30]  }
0x13: {  	v5 =	vld [tilespmem:s3+$0x40];
	v0 =	vsub.f32 $0.0e+00, v0  }
0x14: {  	v6 =	vld [tilespmem:s3+$0x50];
	v1 =	vsub.f32 $0.0e+00, v1  }
0x15: {  	v7 =	vld [tilespmem:s3+$0x60];
	v2 =	vsub.f32 $0.0e+00, v2;
	v0 =	vmul.f32 $1.442695020e+00, v0  }
0x16: {  	v8 =	vld [tilespmem:s3+$0x70];
	v3 =	vsub.f32 $0.0e+00, v3;
	v1 =	vmul.f32 $1.442695020e+00, v1  }
0x17: {  	(erf) = vpow2.f32 v0;
	v0 =	vmul.f32 $1.442695020e+00, v2;
	v2 =	vsub.f32 $0.0e+00, v4  }
0x18: {  	v5 =	vsub.f32 $0.0e+00, v5;
	v3 =	vmul.f32 $1.442695020e+00, v3;
	v4 =	vld [tilespmem:s3+$0x80]  }
0x19: {  	(erf) = vpow2.f32 v1;
	v1 =	vmul.f32 $1.442695020e+00, v2;
	v2 =	vsub.f32 $0.0e+00, v6  }
0x1a: {  	v9 =	vld [tilespmem:s3+$0x90];
	v5 =	vmul.f32 $1.442695020e+00, v5;
	(erf) = vpow2.f32 v0;
	v6 =	vsub.f32 $0.0e+00, v7  }
0x1b: {  	v0 =	vld [tilespmem:s3+$0xA0];
	v7 =	vsub.f32 $0.0e+00, v8;
	(erf) = vpow2.f32 v3;
	v2 =	vmul.f32 $1.442695020e+00, v2  }
0x1c: {  	v3 =	vld [tilespmem:s3+$0xB0];
	(erf) = vpow2.f32 v1;
	v6 =	vmul.f32 $1.442695020e+00, v6  }
0x1d: {  	v1 =	vld [tilespmem:s3+$0xC0];
	v7 =	vmul.f32 $1.442695020e+00, v7;
	v4 =	vsub.f32 $0.0e+00, v4;
	(erf) = vpow2.f32 v5  }
0x1e: {  	v5 =	vld [tilespmem:s3+$0xD0];
	(erf) = vpow2.f32 v2  }
0x1f: {  	v8 =	vsub.f32 $0.0e+00, v9;
	v2 =	vld [tilespmem:s3+$0xE0];
	v4 =	vmul.f32 $1.442695020e+00, v4;
	(erf) = vpow2.f32 v6  }
0x20: {  	v0 =	vsub.f32 $0.0e+00, v0;
	v6 =	vld [tilespmem:s3+$0xF0];
	(erf) = vpow2.f32 v7  }
0x21: {  	v9 =	vld [tilespmem:s3+$0x100];
	v8 =	vmul.f32 $1.442695020e+00, v8;
	v3 =	vsub.f32 $0.0e+00, v3;
	v7 =	vpop (erf);
	(erf) = vpow2.f32 v4  }
0x22: {  	v0 =	vmul.f32 $1.442695020e+00, v0;
	v1 =	vsub.f32 $0.0e+00, v1;
	v4 =	vadd.f32 $1.000000000e+00, v7;
	v7 =	vld [tilespmem:s3+$0x110]  }
0x23: {  	v10 =	vpop (erf);
	(erf) = vpow2.f32 v8;
	v3 =	vmul.f32 $1.442695020e+00, v3;
	v5 =	vsub.f32 $0.0e+00, v5;
	v8 =	vld [tilespmem:s3+$0x120]  }
0x24: {  	v11 =	vpop (erf);
	v1 =	vmul.f32 $1.442695020e+00, v1;
	v2 =	vsub.f32 $0.0e+00, v2;
	(erf) = vrcp.f32 v4;
	v4 =	vld [tilespmem:s3+$0x130]  }
0x25: {  	v12 =	vpop (erf);
	(erf) = vpow2.f32 v0;
	v0 =	vmul.f32 $1.442695020e+00, v5;
	v5 =	vsub.f32 $0.0e+00, v6;
	v6 =	vld [tilespmem:s3+$0x140]  }
0x26: {  	v13 =	vpop (erf);
	v2 =	vmul.f32 $1.442695020e+00, v2;
	(erf) = vpow2.f32 v3;
	v3 =	vsub.f32 $0.0e+00, v9;
	v9 =	vld [tilespmem:s3+$0x150]  }
0x27: {  	v14 =	vpop (erf);
	(erf) = vpow2.f32 v1;
	v1 =	vmul.f32 $1.442695020e+00, v5;
	v5 =	vsub.f32 $0.0e+00, v7;
	v7 =	vld [tilespmem:s3+$0x160]  }
0x28: {  	v15 =	vpop (erf);
	(erf) = vpow2.f32 v0;
	v0 =	vmul.f32 $1.442695020e+00, v3;
	v3 =	vsub.f32 $0.0e+00, v8;
	v8 =	vld [tilespmem:s3+$0x170]  }
0x29: {  	v16 =	vpop (erf);
	(erf) = vpow2.f32 v2;
	v2 =	vmul.f32 $1.442695020e+00, v5;
	v4 =	vsub.f32 $0.0e+00, v4;
	v5 =	vld [tilespmem:s3+$0x180]  }
0x2a: {  	v17 =	vpop (erf);
	(erf) = vpow2.f32 v1;
	v1 =	vmul.f32 $1.442695020e+00, v3;
	v3 =	vsub.f32 $0.0e+00, v6;
	v6 =	vld [tilespmem:s3+$0x190]  }
0x2b: {  	v18 =	vpop (erf);
	(erf) = vpow2.f32 v0;
	v0 =	vmul.f32 $1.442695020e+00, v4;
	v4 =	vsub.f32 $0.0e+00, v9;
	v9 =	vld [tilespmem:s3+$0x1A0]  }
0x2c: {  	v19 =	vpop (erf);
	(erf) = vpow2.f32 v2;
	v2 =	vmul.f32 $1.442695020e+00, v3;
	v3 =	vsub.f32 $0.0e+00, v7;
	v7 =	vld [tilespmem:s3+$0x1B0]  }
0x2d: {  	v20 =	vld [tilespmem:s3+$0x1C0];
	(erf) = vpow2.f32 v1;
	v4 =	vmul.f32 $1.442695020e+00, v4;
	v8 =	vsub.f32 $0.0e+00, v8  }
0x2e: {  	v1 =	vpop (erf);
	(erf) = vpow2.f32 v0;
	v0 =	vmul.f32 $1.442695020e+00, v3;
	v3 =	vsub.f32 $0.0e+00, v5;
	v5 =	vld [tilespmem:s3+$0x1D0]  }
0x2f: {  	v21 =	vpop (erf);
	(erf) = vpow2.f32 v2;
	v2 =	vmul.f32 $1.442695020e+00, v8;
	v6 =	vsub.f32 $0.0e+00, v6;
	v8 =	vld [tilespmem:s3+$0x1E0]  }
0x30: {  	v22 =	vpop (erf);
	v3 =	vmul.f32 $1.442695020e+00, v3;
	v9 =	vsub.f32 $0.0e+00, v9  }
0x31: {  	(erf) = vpow2.f32 v4;
	v4 =	vpop (erf);
	v6 =	vmul.f32 $1.442695020e+00, v6;
	v7 =	vsub.f32 $0.0e+00, v7  }
0x32: {  	v20 =	vsub.f32 $0.0e+00, v20;
	(erf) = vpow2.f32 v0;
	v0 =	vpop (erf);
	v9 =	vmul.f32 $1.442695020e+00, v9  }
0x33: {  	(erf) = vpow2.f32 v2;
	v2 =	vpop (erf);
	v7 =	vmul.f32 $1.442695020e+00, v7;
	v5 =	vsub.f32 $0.0e+00, v5  }
0x34: {  	v20 =	vmul.f32 $1.442695020e+00, v20;
	(erf) = vpow2.f32 v3;
	v3 =	vpop (erf);
	v8 =	vsub.f32 $0.0e+00, v8  }
0x35: {  	(erf) = vpow2.f32 v6;
	v6 =	vpop (erf);
	v5 =	vmul.f32 $1.442695020e+00, v5  }
0x36: {  	(erf) = vpow2.f32 v9;
	v9 =	vpop (erf);
	v8 =	vmul.f32 $1.442695020e+00, v8  }
0x37: {  	v10 =	vadd.f32 $1.000000000e+00, v10;
	(erf) = vpow2.f32 v7;
	v7 =	vpop (erf)  }
0x38: {  	v11 =	vadd.f32 $1.000000000e+00, v11;
	(erf) = vpow2.f32 v20;
	v52 =	vpop (erf)  }
0x39: {  	(erf) = vpow2.f32 v5;
	v5 =	vpop (erf)  }
0x3a: {  	(erf) = vpow2.f32 v8;
	v8 =	vpop (erf)  }
0x3b: {  	v12 =	vadd.f32 $1.000000000e+00, v12;
	(erf) = vrcp.f32 v10;
	v10 =	vpop (erf)  }
0x3c: {  	v13 =	vadd.f32 $1.000000000e+00, v13;
	(erf) = vrcp.f32 v11;
	v11 =	vpop (erf)  }
0x3d: {  	v14 =	vadd.f32 $1.000000000e+00, v14;
	(erf) = vrcp.f32 v12;
	v53 =	vpop (erf)  }
0x3e: {  	v15 =	vadd.f32 $1.000000000e+00, v15;
	(erf) = vrcp.f32 v13;
	v54 =	vpop (erf)  }
0x3f: {  	v16 =	vadd.f32 $1.000000000e+00, v16;
	(erf) = vrcp.f32 v14;
	v55 =	vpop (erf)  }
0x40: {  	v17 =	vadd.f32 $1.000000000e+00, v17;
	(erf) = vrcp.f32 v15;
	v56 =	vpop (erf)  }
0x41: {  	v18 =	vadd.f32 $1.000000000e+00, v18;
	(erf) = vrcp.f32 v16;
	v57 =	vpop (erf)  }
0x42: {  	v19 =	vadd.f32 $1.000000000e+00, v19;
	(erf) = vrcp.f32 v17;
	v58 =	vpop (erf)  }
0x43: {  	v21 =	vadd.f32 $1.000000000e+00, v21;
	(erf) = vrcp.f32 v18;
	v59 =	vpop (erf)  }
0x44: {  	[tilespmem:s3+$0x85F0] =	vst v1;
	v1 =	vadd.f32 $1.000000000e+00, v22;
	v60 =	vpop (erf);
	(erf) = vrcp.f32 v19  }
0x45: {  	v4 =	vadd.f32 $1.000000000e+00, v4;
	[tilespmem:s3+$0x8400] =	vst v60;
	v61 =	vpop (erf);
	(erf) = vrcp.f32 v21  }
0x46: {  	v0 =	vadd.f32 $1.000000000e+00, v0;
	[tilespmem:s3+$0x8410] =	vst v61;
	v62 =	vpop (erf);
	(erf) = vrcp.f32 v1  }
0x47: {  	v1 =	vadd.f32 $1.000000000e+00, v2;
	[tilespmem:s3+$0x8420] =	vst v62;
	v2 =	vpop (erf);
	(erf) = vrcp.f32 v4  }
0x48: {  	v3 =	vadd.f32 $1.000000000e+00, v3;
	[tilespmem:s3+$0x8430] =	vst v2;
	v2 =	vpop (erf);
	(erf) = vrcp.f32 v0;
	v0 =	vadd.f32 $1.000000000e+00, v6  }
0x49: {  	[tilespmem:s3+$0x8440] =	vst v2;
	v2 =	vpop (erf);
	(erf) = vrcp.f32 v1  }
0x4a: {  	v63 =	vadd.f32 $1.000000000e+00, v8;
	v1 =	vadd.f32 $1.000000000e+00, v9;
	[tilespmem:s3+$0x8450] =	vst v2;
	v2 =	vpop (erf);
	(erf) = vrcp.f32 v3  }
0x4b: {  	v8 =	vadd.f32 $1.000000000e+00, v10;
	v4 =	vadd.f32 $1.000000000e+00, v7;
	[tilespmem:s3+$0x8460] =	vst v2;
	v2 =	vpop (erf);
	(erf) = vrcp.f32 v0  }
0x4c: {  	v9 =	vadd.f32 $1.000000000e+00, v5;
	v3 =	vadd.f32 $1.000000000e+00, v52;
	[tilespmem:s3+$0x8470] =	vst v2;
	v0 =	vpop (erf);
	(erf) = vrcp.f32 v1  }
0x4d: {  	v7 =	vadd.f32 $1.000000000e+00, v11;
	v6 =	vadd.f32 $1.000000000e+00, v53;
	[tilespmem:s3+$0x8480] =	vst v0;
	v0 =	vpop (erf);
	(erf) = vrcp.f32 v4  }
0x4e: {  	v5 =	vadd.f32 $1.000000000e+00, v54;
	v2 =	vadd.f32 $1.000000000e+00, v57;
	[tilespmem:s3+$0x8490] =	vst v0;
	v0 =	vpop (erf);
	(erf) = vrcp.f32 v3  }
0x4f: {  	s2 =	sadd.s32 s4, s2;
	v1 =	vadd.f32 $1.000000000e+00, v58;
	v4 =	vadd.f32 $1.000000000e+00, v55;
	[tilespmem:s3+$0x84A0] =	vst v0;
	v10 =	vpop (erf);
	(erf) = vrcp.f32 v9  }
0x50: {  	s4 =	simm.s32 $0x200;
	s2 =	sadd.s32 $0x400, s2;
	s5 =	simm.s32 $0x1000;
	v3 =	vadd.f32 $1.000000000e+00, v56;
	v0 =	vadd.f32 $1.000000000e+00, v59;
	[tilespmem:s3+$0x84B0] =	vst v10;
	v9 =	vpop (erf);
	(erf) = vrcp.f32 v63  }
.LBB2_2:
0x51: {  	p0 =	sne.s32 s5, $0xF800;
	v10 =	vld [tilespmem:s4+$0x1F0];
	[tilespmem:s3+$0x84C0] =	vst v9;
	v9 =	vpop (erf);
	(erf) = vrcp.f32 v8  }
0x52: {  	v8 =	vld [tilespmem:s4+$0x0];
	[tilespmem:s3+$0x84D0] =	vst v9;
	v9 =	vpop (erf);
	(erf) = vrcp.f32 v7  }
0x53: {  	v7 =	vld [tilespmem:s4+$0x10];
	[tilespmem:s3+$0x84E0] =	vst v9;
	v9 =	vpop (erf);
	(erf) = vrcp.f32 v6  }
0x54: {  	v6 =	vld [tilespmem:s4+$0x20];
	[tilespmem:s3+$0x84F0] =	vst v9;
	v9 =	vpop (erf);
	(erf) = vrcp.f32 v5  }
0x55: {  	v5 =	vld [tilespmem:s4+$0x30];
	[tilespmem:s3+$0x8500] =	vst v9;
	v9 =	vpop (erf);
	(erf) = vrcp.f32 v4  }
0x56: {  	v4 =	vld [tilespmem:s4+$0x40];
	v10 =	vsub.f32 $0.0e+00, v10;
	[tilespmem:s3+$0x8510] =	vst v9;
	v9 =	vpop (erf);
	(erf) = vrcp.f32 v3  }
0x57: {  	v3 =	vsub.f32 $0.0e+00, v8;
	v8 =	vld [tilespmem:s4+$0x50];
	[tilespmem:s3+$0x8520] =	vst v9;
	v9 =	vpop (erf);
	(erf) = vrcp.f32 v2  }
0x58: {  	v2 =	vsub.f32 $0.0e+00, v7;
	v7 =	vld [tilespmem:s4+$0x60];
	v10 =	vmul.f32 $1.442695020e+00, v10;
	[tilespmem:s3+$0x8530] =	vst v9;
	v9 =	vpop (erf);
	(erf) = vrcp.f32 v1  }
0x59: {  	v11 =	vmul.f32 $1.442695020e+00, v3;
	v3 =	vsub.f32 $0.0e+00, v6;
	v6 =	vld [tilespmem:s4+$0x70];
	[tilespmem:s3+$0x8540] =	vst v9;
	v9 =	vpop (erf);
	(erf) = vrcp.f32 v0  }
0x5a: {  	v12 =	vmul.f32 $1.442695020e+00, v2;
	v2 =	vsub.f32 $0.0e+00, v5;
	v5 =	vld [tilespmem:s4+$0x80];
	(erf) = vpow2.f32 v10;
	[tilespmem:s3+$0x8550] =	vst v9;
	v9 =	vpop (erf)  }
0x5b: {  	v3 =	vmul.f32 $1.442695020e+00, v3;
	v4 =	vsub.f32 $0.0e+00, v4;
	v10 =	vld [tilespmem:s4+$0x90];
	(erf) = vpow2.f32 v11;
	[tilespmem:s3+$0x8560] =	vst v9;
	v1 =	vpop (erf)  }
0x5c: {  	v2 =	vmul.f32 $1.442695020e+00, v2;
	v8 =	vsub.f32 $0.0e+00, v8;
	v9 =	vld [tilespmem:s4+$0xA0];
	(erf) = vpow2.f32 v12;
	[tilespmem:s3+$0x8570] =	vst v1;
	v0 =	vpop (erf)  }
0x5d: {  	v1 =	vmul.f32 $1.442695020e+00, v4;
	v4 =	vsub.f32 $0.0e+00, v7;
	v7 =	vld [tilespmem:s4+$0xB0];
	(erf) = vpow2.f32 v3;
	[tilespmem:s3+$0x8580] =	vst v0;
	v0 =	vpop (erf)  }
0x5e: {  	v3 =	vmul.f32 $1.442695020e+00, v8;
	v6 =	vsub.f32 $0.0e+00, v6;
	v8 =	vld [tilespmem:s4+$0xC0];
	(erf) = vpow2.f32 v2;
	[tilespmem:s3+$0x8590] =	vst v0;
	v0 =	vpop (erf)  }
0x5f: {  	v2 =	vmul.f32 $1.442695020e+00, v4;
	v4 =	vsub.f32 $0.0e+00, v5;
	v5 =	vld [tilespmem:s4+$0xD0];
	(erf) = vpow2.f32 v1;
	[tilespmem:s3+$0x85A0] =	vst v0;
	v0 =	vpop (erf)  }
0x60: {  	v1 =	vmul.f32 $1.442695020e+00, v6;
	v6 =	vsub.f32 $0.0e+00, v10;
	v10 =	vld [tilespmem:s4+$0xE0];
	(erf) = vpow2.f32 v3;
	[tilespmem:s3+$0x85B0] =	vst v0;
	v0 =	vpop (erf)  }
0x61: {  	v12 =	vmul.f32 $1.442695020e+00, v4;
	v4 =	vsub.f32 $0.0e+00, v9;
	v9 =	vld [tilespmem:s4+$0xF0];
	(erf) = vpow2.f32 v2;
	[tilespmem:s3+$0x85C0] =	vst v0;
	v0 =	vpop (erf)  }
0x62: {  	v2 =	vmul.f32 $1.442695020e+00, v6;
	v6 =	vsub.f32 $0.0e+00, v7;
	v7 =	vld [tilespmem:s4+$0x100];
	(erf) = vpow2.f32 v1;
	[tilespmem:s3+$0x85D0] =	vst v0;
	v0 =	vpop (erf)  }
0x63: {  	v1 =	vmul.f32 $1.442695020e+00, v4;
	v4 =	vsub.f32 $0.0e+00, v8;
	v8 =	vld [tilespmem:s4+$0x110];
	(erf) = vpow2.f32 v12;
	v3 =	vpop (erf);
	[tilespmem:s3+$0x85E0] =	vst v0;
	s3 =	smov.u32 s4  }
0x64: {  	v0 =	vmul.f32 $1.442695020e+00, v6;
	v5 =	vsub.f32 $0.0e+00, v5;
	v6 =	vld [tilespmem:s3+$0x120];
	v3 =	vadd.f32 $1.000000000e+00, v3;
	v11 =	vpop (erf)  }
0x65: {  	v4 =	vmul.f32 $1.442695020e+00, v4;
	v10 =	vsub.f32 $0.0e+00, v10;
	v12 =	vld [tilespmem:s3+$0x130];
	v13 =	vpop (erf);
	(erf) = vpow2.f32 v2  }
0x66: {  	v2 =	vmul.f32 $1.442695020e+00, v5;
	v5 =	vsub.f32 $0.0e+00, v9;
	v9 =	vld [tilespmem:s3+$0x140];
	v14 =	vpop (erf);
	(erf) = vrcp.f32 v3  }
0x67: {  	v3 =	vmul.f32 $1.442695020e+00, v10;
	v7 =	vsub.f32 $0.0e+00, v7;
	v10 =	vld [tilespmem:s3+$0x150];
	v15 =	vpop (erf);
	(erf) = vpow2.f32 v1  }
0x68: {  	v1 =	vmul.f32 $1.442695020e+00, v5;
	v5 =	vsub.f32 $0.0e+00, v8;
	v8 =	vld [tilespmem:s3+$0x160];
	v16 =	vpop (erf);
	(erf) = vpow2.f32 v0  }
0x69: {  	v0 =	vmul.f32 $1.442695020e+00, v7;
	v6 =	vsub.f32 $0.0e+00, v6;
	v7 =	vld [tilespmem:s3+$0x170];
	v17 =	vpop (erf);
	(erf) = vpow2.f32 v4  }
0x6a: {  	v4 =	vmul.f32 $1.442695020e+00, v5;
	v5 =	vsub.f32 $0.0e+00, v12;
	v12 =	vld [tilespmem:s3+$0x180];
	v18 =	vpop (erf);
	(erf) = vpow2.f32 v2  }
0x6b: {  	v2 =	vmul.f32 $1.442695020e+00, v6;
	v6 =	vsub.f32 $0.0e+00, v9;
	v9 =	vld [tilespmem:s3+$0x190];
	v19 =	vpop (erf);
	(erf) = vpow2.f32 v3  }
0x6c: {  	v3 =	vmul.f32 $1.442695020e+00, v5;
	v5 =	vsub.f32 $0.0e+00, v10;
	v10 =	vld [tilespmem:s3+$0x1A0];
	v20 =	vpop (erf);
	(erf) = vpow2.f32 v1  }
0x6d: {  	v1 =	vmul.f32 $1.442695020e+00, v6;
	v6 =	vsub.f32 $0.0e+00, v8;
	v8 =	vld [tilespmem:s3+$0x1B0];
	(erf) = vpow2.f32 v0  }
0x6e: {  	v0 =	vmul.f32 $1.442695020e+00, v5;
	v5 =	vsub.f32 $0.0e+00, v7;
	v7 =	vld [tilespmem:s3+$0x1C0];
	v21 =	vpop (erf);
	(erf) = vpow2.f32 v4  }
0x6f: {  	v4 =	vmul.f32 $1.442695020e+00, v6;
	v6 =	vsub.f32 $0.0e+00, v12;
	v12 =	vld [tilespmem:s3+$0x1D0];
	(erf) = vpow2.f32 v2;
	v2 =	vpop (erf)  }
0x70: {  	v5 =	vmul.f32 $1.442695020e+00, v5;
	v23 =	vsub.f32 $0.0e+00, v9;
	v22 =	vld [tilespmem:s3+$0x1E0];
	[tilespmem:s3+$0x85F0] =	vst v2;
	v2 =	vpop (erf);
	(erf) = vpow2.f32 v3  }
0x71: {  	v3 =	vmul.f32 $1.442695020e+00, v6;
	v6 =	vsub.f32 $0.0e+00, v10;
	v10 =	vpop (erf);
	(erf) = vpow2.f32 v1  }
0x72: {  	v1 =	vmul.f32 $1.442695020e+00, v23;
	v8 =	vsub.f32 $0.0e+00, v8;
	v9 =	vpop (erf);
	(erf) = vpow2.f32 v0  }
0x73: {  	v0 =	vmul.f32 $1.442695020e+00, v6;
	v6 =	vsub.f32 $0.0e+00, v7;
	v7 =	vpop (erf);
	(erf) = vpow2.f32 v4  }
0x74: {  	v4 =	vmul.f32 $1.442695020e+00, v8;
	v8 =	vsub.f32 $0.0e+00, v12;
	v12 =	vpop (erf);
	(erf) = vpow2.f32 v5  }
0x75: {  	v5 =	vmul.f32 $1.442695020e+00, v6;
	v6 =	vsub.f32 $0.0e+00, v22;
	v22 =	vpop (erf);
	(erf) = vpow2.f32 v3  }
0x76: {  	v3 =	vadd.f32 $1.000000000e+00, v11;
	v8 =	vmul.f32 $1.442695020e+00, v8;
	v11 =	vpop (erf);
	(erf) = vpow2.f32 v1  }
0x77: {  	v1 =	vadd.f32 $1.000000000e+00, v13;
	v6 =	vmul.f32 $1.442695020e+00, v6;
	v13 =	vpop (erf);
	(erf) = vpow2.f32 v0  }
0x78: {  	v0 =	vadd.f32 $1.000000000e+00, v14;
	v14 =	vadd.f32 $1.000000000e+00, v15;
	v15 =	vpop (erf);
	(erf) = vpow2.f32 v4  }
0x79: {  	v4 =	vadd.f32 $1.000000000e+00, v16;
	v16 =	vadd.f32 $1.000000000e+00, v17;
	v17 =	vpop (erf);
	(erf) = vpow2.f32 v5  }
0x7a: {  	v5 =	vadd.f32 $1.000000000e+00, v18;
	v18 =	vadd.f32 $1.000000000e+00, v19;
	v19 =	vpop (erf);
	(erf) = vpow2.f32 v8  }
0x7b: {  	v20 =	vadd.f32 $1.000000000e+00, v20;
	v21 =	vadd.f32 $1.000000000e+00, v21;
	v8 =	vpop (erf);
	(erf) = vpow2.f32 v6  }
0x7c: {  	v23 =	vadd.f32 $1.000000000e+00, v2;
	v10 =	vadd.f32 $1.000000000e+00, v10;
	(erf) = vrcp.f32 v3;
	v2 =	vpop (erf)  }
0x7d: {  	v9 =	vadd.f32 $1.000000000e+00, v9;
	v24 =	vadd.f32 $1.000000000e+00, v7;
	(erf) = vrcp.f32 v1;
	v1 =	vpop (erf)  }
0x7e: {  	v12 =	vadd.f32 $1.000000000e+00, v12;
	v22 =	vadd.f32 $1.000000000e+00, v22;
	(erf) = vrcp.f32 v0;
	v0 =	vpop (erf)  }
0x7f: {  	v11 =	vadd.f32 $1.000000000e+00, v11;
	v13 =	vadd.f32 $1.000000000e+00, v13;
	(erf) = vrcp.f32 v14;
	v3 =	vpop (erf)  }
0x80: {  	v14 =	vadd.f32 $1.000000000e+00, v15;
	v15 =	vadd.f32 $1.000000000e+00, v17;
	(erf) = vrcp.f32 v4;
	v4 =	vpop (erf)  }
0x81: {  	v17 =	vadd.f32 $1.000000000e+00, v19;
	v19 =	vadd.f32 $1.000000000e+00, v8;
	(erf) = vrcp.f32 v16;
	v16 =	vpop (erf)  }
0x82: {  	v7 =	vadd.f32 $1.000000000e+00, v1;
	v8 =	vadd.f32 $1.000000000e+00, v2;
	(erf) = vrcp.f32 v5;
	v1 =	vpop (erf)  }
0x83: {  	v6 =	vadd.f32 $1.000000000e+00, v0;
	v5 =	vadd.f32 $1.000000000e+00, v3;
	(erf) = vrcp.f32 v18;
	v0 =	vpop (erf)  }
0x84: {  	v4 =	vadd.f32 $1.000000000e+00, v4;
	v3 =	vadd.f32 $1.000000000e+00, v16;
	(erf) = vrcp.f32 v20;
	v16 =	vpop (erf)  }
0x85: {  	v2 =	vadd.f32 $1.000000000e+00, v1;
	v1 =	vadd.f32 $1.000000000e+00, v0;
	v0 =	vpop (erf);
	(erf) = vrcp.f32 v21  }
0x86: {  	[tilespmem:s3+$0x8400] =	vst v0;
	v0 =	vadd.f32 $1.000000000e+00, v16;
	v16 =	vpop (erf);
	(erf) = vrcp.f32 v23  }
0x87: {  	[tilespmem:s3+$0x8410] =	vst v16;
	v16 =	vpop (erf);
	(erf) = vrcp.f32 v10  }
0x88: {  	[tilespmem:s3+$0x8420] =	vst v16;
	v10 =	vpop (erf);
	(erf) = vrcp.f32 v9  }
0x89: {  	[tilespmem:s3+$0x8430] =	vst v10;
	v9 =	vpop (erf);
	(erf) = vrcp.f32 v24  }
0x8a: {  	[tilespmem:s3+$0x8440] =	vst v9;
	v9 =	vpop (erf);
	(erf) = vrcp.f32 v12  }
0x8b: {  	[tilespmem:s3+$0x8450] =	vst v9;
	v9 =	vpop (erf);
	(erf) = vrcp.f32 v22  }
0x8c: {  	[tilespmem:s3+$0x8460] =	vst v9;
	v9 =	vpop (erf);
	(erf) = vrcp.f32 v11  }
.Ltmp1:
0x8d: {  	[tilespmem:s3+$0x8470] =	vst v9;
	v9 =	vpop (erf);
	(erf) = vrcp.f32 v13;
	(pc) =	sbr.rel @p0 .LBB2_2-.Ltmp1, $4  }
0x8e: {  	[tilespmem:s3+$0x8480] =	vst v9;
	v9 =	vpop (erf);
	(erf) = vrcp.f32 v14  }
0x8f: {  	[tilespmem:s3+$0x8490] =	vst v9;
	v9 =	vpop (erf);
	(erf) = vrcp.f32 v15  }
0x90: {  	[tilespmem:s3+$0x84A0] =	vst v9;
	v9 =	vpop (erf);
	(erf) = vrcp.f32 v17  }
0x91: {  	s4 =	sshra.s32 s5, $0x2;
	s5 =	sadd.s32 $0x800, s5;
	[tilespmem:s3+$0x84B0] =	vst v9;
	v9 =	vpop (erf);
	(erf) = vrcp.f32 v19  }
0x92: {  	v53 =	vpop (erf)  }
0x93: {  	v54 =	vpop (erf)  }
0x94: {  	v55 =	vpop (erf)  }
0x95: {  	v56 =	vpop (erf)  }
0x96: {  	v10 =	vld [tilespmem:s4+$0x1F0];
	[tilespmem:s3+$0x84C0] =	vst v9;
	(erf) = vrcp.f32 v8;
	v57 =	vpop (erf)  }
0x97: {  	v11 =	vld [tilespmem:s4+$0x0];
	[tilespmem:s3+$0x84D0] =	vst v53;
	v58 =	vpop (erf);
	(erf) = vrcp.f32 v7  }
0x98: {  	v12 =	vld [tilespmem:s4+$0x10];
	[tilespmem:s3+$0x84E0] =	vst v54;
	(erf) = vrcp.f32 v6  }
0x99: {  	v13 =	vld [tilespmem:s4+$0x20];
	[tilespmem:s3+$0x84F0] =	vst v55;
	v59 =	vpop (erf);
	(erf) = vrcp.f32 v5  }
0x9a: {  	v14 =	vld [tilespmem:s4+$0x30];
	[tilespmem:s3+$0x8500] =	vst v56  }
0x9b: {  	v15 =	vld [tilespmem:s4+$0x40];
	[tilespmem:s3+$0x8510] =	vst v57;
	(erf) = vrcp.f32 v4  }
0x9c: {  	v9 =	vld [tilespmem:s4+$0x50];
	[tilespmem:s3+$0x8520] =	vst v58;
	v60 =	vpop (erf)  }
0x9d: {  	v8 =	vld [tilespmem:s4+$0x60];
	[tilespmem:s3+$0x8530] =	vst v59;
	v61 =	vpop (erf);
	(erf) = vrcp.f32 v3  }
0x9e: {  	v7 =	vld [tilespmem:s4+$0x70];
	[tilespmem:s3+$0x8540] =	vst v60;
	(erf) = vrcp.f32 v2;
	v2 =	vsub.f32 $0.0e+00, v11  }
0x9f: {  	v6 =	vld [tilespmem:s4+$0x80];
	[tilespmem:s3+$0x8550] =	vst v61;
	v3 =	vsub.f32 $0.0e+00, v10;
	v62 =	vpop (erf);
	(erf) = vrcp.f32 v1  }
0xa0: {  	v5 =	vld [tilespmem:s4+$0x90];
	[tilespmem:s3+$0x8560] =	vst v62;
	(erf) = vrcp.f32 v0;
	v0 =	vmul.f32 $1.442695020e+00, v2;
	v63 =	vpop (erf)  }
0xa1: {  	v17 =	vsub.f32 $0.0e+00, v12;
	v3 =	vmul.f32 $1.442695020e+00, v3;
	v16 =	vld [tilespmem:s4+$0xA0];
	[tilespmem:s3+$0x8570] =	vst v63;
	v1 =	vpop (erf)  }
0xa2: {  	v4 =	vld [tilespmem:s4+$0xB0];
	[tilespmem:s3+$0x8580] =	vst v1;
	v1 =	vsub.f32 $0.0e+00, v13;
	v2 =	vpop (erf)  }
0xa3: {  	v11 =	vmul.f32 $1.442695020e+00, v17;
	(erf) = vpow2.f32 v3;
	v3 =	vld [tilespmem:s4+$0xC0];
	[tilespmem:s3+$0x8590] =	vst v2;
	v2 =	vsub.f32 $0.0e+00, v15  }
0xa4: {  	v18 =	vsub.f32 $0.0e+00, v14;
	(erf) = vpow2.f32 v0;
	v0 =	vpop (erf);
	v1 =	vmul.f32 $1.442695020e+00, v1  }
0xa5: {  	v19 =	vld [tilespmem:s4+$0xD0];
	[tilespmem:s3+$0x85A0] =	vst v0;
	v0 =	vmul.f32 $1.442695020e+00, v2  }
0xa6: {  	v12 =	vmul.f32 $1.442695020e+00, v18;
	v9 =	vsub.f32 $0.0e+00, v9;
	(erf) = vpow2.f32 v11  }
0xa7: {  	v2 =	vsub.f32 $0.0e+00, v8;
	(erf) = vpow2.f32 v1  }
0xa8: {  	v9 =	vmul.f32 $1.442695020e+00, v9;
	v7 =	vsub.f32 $0.0e+00, v7;
	(erf) = vpow2.f32 v12;
	v1 =	vpop (erf)  }
0xa9: {  	v20 =	vld [tilespmem:s4+$0xE0];
	(erf) = vpow2.f32 v0;
	[tilespmem:s3+$0x85B0] =	vst v1;
	v1 =	vmul.f32 $1.442695020e+00, v2;
	v2 =	vsub.f32 $0.0e+00, v6;
	v0 =	vpop (erf)  }
0xaa: {  	v7 =	vmul.f32 $1.442695020e+00, v7;
	v5 =	vsub.f32 $0.0e+00, v5;
	(erf) = vpow2.f32 v9;
	v21 =	vld [tilespmem:s4+$0xF0];
	[tilespmem:s3+$0x85C0] =	vst v0;
	v0 =	vpop (erf)  }
0xab: {  	v2 =	vmul.f32 $1.442695020e+00, v2;
	(erf) = vpow2.f32 v1;
	v22 =	vpop (erf)  }
0xac: {  	v5 =	vmul.f32 $1.442695020e+00, v5;
	v10 =	vsub.f32 $0.0e+00, v16;
	v1 =	vld [tilespmem:s4+$0x100];
	[tilespmem:s3+$0x85D0] =	vst v0;
	(erf) = vpow2.f32 v7;
	v0 =	vpop (erf)  }
0xad: {  	v4 =	vsub.f32 $0.0e+00, v4;
	v23 =	vld [tilespmem:s4+$0x110];
	[tilespmem:s3+$0x85E0] =	vst v22;
	(erf) = vpow2.f32 v2;
	v0 =	vadd.f32 $1.000000000e+00, v0  }
0xae: {  	v3 =	vsub.f32 $0.0e+00, v3;
	v2 =	vmul.f32 $1.442695020e+00, v10;
	v24 =	vpop (erf);
	v26 =	vld [tilespmem:s4+$0x120];
	(erf) = vpow2.f32 v5  }
0xaf: {  	v4 =	vmul.f32 $1.442695020e+00, v4;
	v25 =	vsub.f32 $0.0e+00, v19;
	v11 =	vpop (erf);
	(erf) = vrcp.f32 v0  }
0xb0: {  	v32 =	vld [tilespmem:s4+$0x150];
	v0 =	vmul.f32 $1.442695020e+00, v3;
	v3 =	vsub.f32 $0.0e+00, v20;
	v28 =	vpop (erf);
	(erf) = vpow2.f32 v2  }
0xb1: {  	v27 =	vld [tilespmem:s4+$0x130];
	v29 =	vsub.f32 $0.0e+00, v21;
	v2 =	vmul.f32 $1.442695020e+00, v25;
	v31 =	vpop (erf);
	(erf) = vpow2.f32 v4  }
0xb2: {  	v30 =	vld [tilespmem:s4+$0x140];
	v1 =	vsub.f32 $0.0e+00, v1;
	v3 =	vmul.f32 $1.442695020e+00, v3;
	v33 =	vpop (erf);
	(erf) = vpow2.f32 v0  }
0xb3: {  	v35 =	vld [tilespmem:s4+$0x160];
	v0 =	vmul.f32 $1.442695020e+00, v29;
	v36 =	vpop (erf);
	(erf) = vpow2.f32 v2;
	v2 =	vsub.f32 $0.0e+00, v26  }
0xb4: {  	v37 =	vld [tilespmem:s4+$0x170];
	v34 =	vsub.f32 $0.0e+00, v23;
	v1 =	vmul.f32 $1.442695020e+00, v1;
	v16 =	vpop (erf);
	(erf) = vpow2.f32 v3  }
0xb5: {  	v39 =	vld [tilespmem:s4+$0x180];
	v4 =	vsub.f32 $0.0e+00, v32;
	v17 =	vpop (erf);
	(erf) = vpow2.f32 v0;
	v0 =	vmul.f32 $1.442695020e+00, v2  }
0xb6: {  	v38 =	vsub.f32 $0.0e+00, v27;
	v3 =	vmul.f32 $1.442695020e+00, v34  }
0xb7: {  	v4 =	vmul.f32 $1.442695020e+00, v4;
	v2 =	vsub.f32 $0.0e+00, v30;
	v18 =	vpop (erf);
	(erf) = vpow2.f32 v1  }
0xb8: {  	v40 =	vld [tilespmem:s4+$0x190];
	v1 =	vmul.f32 $1.442695020e+00, v38;
	v19 =	vpop (erf);
	(erf) = vpow2.f32 v3;
	v3 =	vsub.f32 $0.0e+00, v35  }
0xb9: {  	v41 =	vld [tilespmem:s4+$0x1A0];
	v10 =	vsub.f32 $0.0e+00, v37;
	v2 =	vmul.f32 $1.442695020e+00, v2;
	(erf) = vpow2.f32 v0;
	v0 =	vpop (erf)  }
0xba: {  	v42 =	vld [tilespmem:s4+$0x1B0];
	(erf) = vpow2.f32 v1;
	v1 =	vmul.f32 $1.442695020e+00, v3;
	v3 =	vsub.f32 $0.0e+00, v39;
	v21 =	vpop (erf)  }
0xbb: {  	v20 =	vld [tilespmem:s4+$0x1C0];
	v22 =	vpop (erf);
	(erf) = vpow2.f32 v2;
	v2 =	vmul.f32 $1.442695020e+00, v10  }
0xbc: {  	v43 =	vld [tilespmem:s4+$0x1D0];
	v3 =	vmul.f32 $1.442695020e+00, v3  }
0xbd: {  	v44 =	vld [tilespmem:s4+$0x1E0];
	v6 =	vsub.f32 $0.0e+00, v40;
	(erf) = vpow2.f32 v4;
	v45 =	vpop (erf)  }
0xbe: {  	v5 =	vsub.f32 $0.0e+00, v41;
	(erf) = vpow2.f32 v1;
	v1 =	vpop (erf)  }
0xbf: {  	v7 =	vsub.f32 $0.0e+00, v42;
	v6 =	vmul.f32 $1.442695020e+00, v6;
	(erf) = vpow2.f32 v2;
	v2 =	vpop (erf)  }
0xc0: {  	v5 =	vmul.f32 $1.442695020e+00, v5;
	v20 =	vsub.f32 $0.0e+00, v20;
	(erf) = vpow2.f32 v3;
	v3 =	vpop (erf)  }
0xc1: {  	v8 =	vsub.f32 $0.0e+00, v43;
	v7 =	vmul.f32 $1.442695020e+00, v7;
	(erf) = vpow2.f32 v6;
	v46 =	vpop (erf)  }
0xc2: {  	v20 =	vmul.f32 $1.442695020e+00, v20;
	v10 =	vsub.f32 $0.0e+00, v44;
	(erf) = vpow2.f32 v5;
	v47 =	vpop (erf)  }
0xc3: {  	v8 =	vmul.f32 $1.442695020e+00, v8;
	(erf) = vpow2.f32 v7;
	v48 =	vpop (erf)  }
0xc4: {  	v10 =	vmul.f32 $1.442695020e+00, v10;
	(erf) = vpow2.f32 v20;
	v49 =	vpop (erf)  }
0xc5: {  	v9 =	vadd.f32 $1.000000000e+00, v24;
	(erf) = vpow2.f32 v8;
	v50 =	vpop (erf)  }
0xc6: {  	v11 =	vadd.f32 $1.000000000e+00, v11;
	(erf) = vpow2.f32 v10;
	v51 =	vpop (erf)  }
0xc7: {  	v12 =	vadd.f32 $1.000000000e+00, v28;
	(erf) = vrcp.f32 v9;
	v52 =	vpop (erf)  }
0xc8: {  	v13 =	vadd.f32 $1.000000000e+00, v31;
	(erf) = vrcp.f32 v11;
	v53 =	vpop (erf)  }
0xc9: {  	v14 =	vadd.f32 $1.000000000e+00, v33;
	(erf) = vrcp.f32 v12;
	v54 =	vpop (erf)  }
0xca: {  	v15 =	vadd.f32 $1.000000000e+00, v36;
	(erf) = vrcp.f32 v13;
	v55 =	vpop (erf)  }
0xcb: {  	v16 =	vadd.f32 $1.000000000e+00, v16;
	(erf) = vrcp.f32 v14;
	v56 =	vpop (erf)  }
0xcc: {  	v17 =	vadd.f32 $1.000000000e+00, v17;
	(erf) = vrcp.f32 v15;
	v57 =	vpop (erf)  }
0xcd: {  	v18 =	vadd.f32 $1.000000000e+00, v18;
	(erf) = vrcp.f32 v16;
	v58 =	vpop (erf)  }
0xce: {  	v19 =	vadd.f32 $1.000000000e+00, v19;
	(erf) = vrcp.f32 v17;
	v59 =	vpop (erf)  }
0xcf: {  	v21 =	vadd.f32 $1.000000000e+00, v21;
	(erf) = vrcp.f32 v18;
	v60 =	vpop (erf)  }
0xd0: {  	[tilespmem:s4+$0x85F0] =	vst v0;
	v0 =	vadd.f32 $1.000000000e+00, v22;
	(erf) = vrcp.f32 v19;
	v61 =	vpop (erf)  }
0xd1: {  	v4 =	vadd.f32 $1.000000000e+00, v45;
	(erf) = vrcp.f32 v21;
	[tilespmem:s4+$0x8400] =	vst v61;
	v62 =	vpop (erf)  }
0xd2: {  	v1 =	vadd.f32 $1.000000000e+00, v1;
	[tilespmem:s4+$0x8410] =	vst v62;
	v63 =	vpop (erf);
	(erf) = vrcp.f32 v0  }
0xd3: {  	v0 =	vadd.f32 $1.000000000e+00, v2;
	[tilespmem:s4+$0x8420] =	vst v63;
	v2 =	vpop (erf);
	(erf) = vrcp.f32 v4  }
0xd4: {  	v3 =	vadd.f32 $1.000000000e+00, v3;
	[tilespmem:s4+$0x8430] =	vst v2;
	v2 =	vpop (erf);
	(erf) = vrcp.f32 v1  }
0xd5: {  	v1 =	vadd.f32 $1.000000000e+00, v46;
	[tilespmem:s4+$0x8440] =	vst v2;
	v2 =	vpop (erf);
	(erf) = vrcp.f32 v0  }
0xd6: {  	v0 =	vadd.f32 $1.000000000e+00, v47;
	[tilespmem:s4+$0x8450] =	vst v2;
	v2 =	vpop (erf);
	(erf) = vrcp.f32 v3  }
0xd7: {  	v3 =	vadd.f32 $1.000000000e+00, v48;
	[tilespmem:s4+$0x8460] =	vst v2;
	v2 =	vpop (erf);
	(erf) = vrcp.f32 v1  }
0xd8: {  	v1 =	vadd.f32 $1.000000000e+00, v49;
	[tilespmem:s4+$0x8470] =	vst v2;
	v2 =	vpop (erf);
	(erf) = vrcp.f32 v0  }
0xd9: {  	v0 =	vadd.f32 $1.000000000e+00, v50;
	[tilespmem:s4+$0x8480] =	vst v2;
	v2 =	vpop (erf);
	(erf) = vrcp.f32 v3  }
0xda: {  	v3 =	vadd.f32 $1.000000000e+00, v51;
	[tilespmem:s4+$0x8490] =	vst v2;
	v2 =	vpop (erf);
	(erf) = vrcp.f32 v1  }
0xdb: {  	v1 =	vadd.f32 $1.000000000e+00, v52;
	[tilespmem:s4+$0x84A0] =	vst v2;
	v2 =	vpop (erf);
	(erf) = vrcp.f32 v0  }
0xdc: {  	v0 =	vadd.f32 $1.000000000e+00, v53;
	[tilespmem:s4+$0x84B0] =	vst v2;
	v2 =	vpop (erf);
	(erf) = vrcp.f32 v3  }
0xdd: {  	v3 =	vadd.f32 $1.000000000e+00, v54;
	[tilespmem:s4+$0x84C0] =	vst v2;
	v2 =	vpop (erf);
	(erf) = vrcp.f32 v1  }
0xde: {  	v1 =	vadd.f32 $1.000000000e+00, v55;
	[tilespmem:s4+$0x84D0] =	vst v2;
	v2 =	vpop (erf);
	(erf) = vrcp.f32 v0  }
0xdf: {  	v0 =	vadd.f32 $1.000000000e+00, v56;
	[tilespmem:s4+$0x84E0] =	vst v2;
	v2 =	vpop (erf);
	(erf) = vrcp.f32 v3  }
0xe0: {  	v3 =	vadd.f32 $1.000000000e+00, v57;
	[tilespmem:s4+$0x84F0] =	vst v2;
	v2 =	vpop (erf);
	(erf) = vrcp.f32 v1;
	v1 =	vadd.f32 $1.000000000e+00, v58  }
0xe1: {  	[tilespmem:s4+$0x8500] =	vst v2;
	v2 =	vpop (erf);
	(erf) = vrcp.f32 v0;
	v0 =	vadd.f32 $1.000000000e+00, v59  }
0xe2: {  	[tilespmem:s4+$0x8510] =	vst v2;
	v2 =	vpop (erf);
	(erf) = vrcp.f32 v3  }
0xe3: {  	v3 =	vadd.f32 $1.000000000e+00, v60;
	[tilespmem:s4+$0x8520] =	vst v2;
	v2 =	vpop (erf);
	(erf) = vrcp.f32 v1  }
0xe4: {  	[tilespmem:s4+$0x8530] =	vst v2;
	v1 =	vpop (erf);
	(erf) = vrcp.f32 v0  }
0xe5: {  	[tilespmem:s4+$0x8540] =	vst v1;
	v0 =	vpop (erf);
	(erf) = vrcp.f32 v3  }
0xe6: {  	[tilespmem:s4+$0x8550] =	vst v0;
	v0 =	vpop (erf)  }
0xe7: {  	[tilespmem:s4+$0x8560] =	vst v0;
	v0 =	vpop (erf)  }
0xe8: {  	[tilespmem:s4+$0x8570] =	vst v0;
	v0 =	vpop (erf)  }
0xe9: {  	[tilespmem:s4+$0x8580] =	vst v0;
	v0 =	vpop (erf)  }
0xea: {  	[tilespmem:s4+$0x8590] =	vst v0;
	v0 =	vpop (erf)  }
0xeb: {  	[tilespmem:s4+$0x85A0] =	vst v0;
	v0 =	vpop (erf)  }
0xec: {  	[tilespmem:s4+$0x85B0] =	vst v0;
	v0 =	vpop (erf)  }
0xed: {  	[tilespmem:s4+$0x85C0] =	vst v0;
	v0 =	vpop (erf)  }
0xee: {  	[tilespmem:s4+$0x85D0] =	vst v0;
	v0 =	vpop (erf)  }
0xef: {  	[tilespmem:s4+$0x85E0] =	vst v0;
	v0 =	vimm.f32 $1.000000000e+00  }
0xf0: {  	[tilespmem:$0x8000] =	vst v0  }
0xf1: {  	[tilespmem:$0x8200] =	vst v0  }
0xf2: {  	v1 =	vimm.f32 $2.000000000e+00;
	[tilespmem:$0x8010] =	vst v0  }
0xf3: {  	[tilespmem:$0x8210] =	vst v1  }
0xf4: {  	[tilespmem:$0x8020] =	vst v0  }
0xf5: {  	[tilespmem:$0x8030] =	vst v0  }
0xf6: {  	[tilespmem:$0x8040] =	vst v0  }
0xf7: {  	[tilespmem:$0x8050] =	vst v0  }
0xf8: {  	[tilespmem:$0x8060] =	vst v0  }
0xf9: {  	[tilespmem:$0x8070] =	vst v0  }
0xfa: {  	[tilespmem:$0x8080] =	vst v0  }
0xfb: {  	[tilespmem:$0x8090] =	vst v0  }
0xfc: {  	[tilespmem:$0x80A0] =	vst v0  }
0xfd: {  	[tilespmem:$0x80B0] =	vst v0  }
0xfe: {  	[tilespmem:$0x80C0] =	vst v0  }
0xff: {  	[tilespmem:$0x80D0] =	vst v0  }
0x100: {  	[tilespmem:$0x80E0] =	vst v0  }
0x101: {  	[tilespmem:$0x80F0] =	vst v0  }
0x102: {  	[tilespmem:$0x8100] =	vst v0  }
0x103: {  	[tilespmem:$0x8110] =	vst v0  }
0x104: {  	[tilespmem:$0x8120] =	vst v0  }
0x105: {  	[tilespmem:$0x8130] =	vst v0  }
0x106: {  	[tilespmem:$0x8140] =	vst v0  }
0x107: {  	[tilespmem:$0x8150] =	vst v0  }
0x108: {  	[tilespmem:$0x8160] =	vst v0  }
0x109: {  	[tilespmem:$0x8170] =	vst v0  }
0x10a: {  	[tilespmem:$0x8180] =	vst v0  }
0x10b: {  	[tilespmem:$0x8190] =	vst v0  }
0x10c: {  	[tilespmem:$0x81A0] =	vst v0  }
0x10d: {  	[tilespmem:$0x81B0] =	vst v0  }
0x10e: {  	[tilespmem:$0x81C0] =	vst v0  }
0x10f: {  	[tilespmem:$0x81D0] =	vst v0  }
0x110: {  	[tilespmem:$0x81E0] =	vst v0  }
0x111: {  	v1 =	vimm.f32 $3.000000000e+00;
	[tilespmem:$0x81F0] =	vst v0  }
0x112: {  	v0 =	vimm.f32 $3.200000000e+01;
	[tilespmem:$0x8220] =	vst v1  }
0x113: {  	[tilespmem:$0x83F0] =	vst v0  }
0x114: {  	v1 =	vimm.f32 $4.000000000e+00;
	[tilespmem:$0xC400] =	vst v0  }
0x115: {  	[tilespmem:$0x8230] =	vst v1;
	v1 =	vimm.f32 $5.000000000e+00  }
0x116: {  	[tilespmem:$0x8240] =	vst v1;
	v1 =	vimm.f32 $6.000000000e+00  }
0x117: {  	[tilespmem:$0x8250] =	vst v1;
	v1 =	vimm.f32 $7.000000000e+00  }
0x118: {  	[tilespmem:$0x8260] =	vst v1;
	v1 =	vimm.f32 $8.000000000e+00  }
0x119: {  	[tilespmem:$0x8270] =	vst v1;
	v1 =	vimm.f32 $9.000000000e+00  }
0x11a: {  	[tilespmem:$0x8280] =	vst v1;
	v1 =	vimm.f32 $1.000000000e+01  }
0x11b: {  	[tilespmem:$0x8290] =	vst v1;
	v1 =	vimm.f32 $1.100000000e+01  }
0x11c: {  	[tilespmem:$0x82A0] =	vst v1;
	v1 =	vimm.f32 $1.200000000e+01  }
0x11d: {  	[tilespmem:$0x82B0] =	vst v1;
	v1 =	vimm.f32 $1.300000000e+01  }
0x11e: {  	[tilespmem:$0x82C0] =	vst v1;
	v1 =	vimm.f32 $1.400000000e+01  }
0x11f: {  	[tilespmem:$0x82D0] =	vst v1;
	v1 =	vimm.f32 $1.500000000e+01  }
0x120: {  	[tilespmem:$0x82E0] =	vst v1;
	v1 =	vimm.f32 $1.600000000e+01  }
0x121: {  	[tilespmem:$0x82F0] =	vst v1;
	v1 =	vimm.f32 $1.700000000e+01  }
0x122: {  	[tilespmem:$0x8300] =	vst v1;
	v1 =	vimm.f32 $1.800000000e+01  }
0x123: {  	[tilespmem:$0x8310] =	vst v1;
	v1 =	vimm.f32 $1.900000000e+01  }
0x124: {  	[tilespmem:$0x8320] =	vst v1;
	v1 =	vimm.f32 $2.000000000e+01  }
0x125: {  	[tilespmem:$0x8330] =	vst v1;
	v1 =	vimm.f32 $2.100000000e+01  }
0x126: {  	[tilespmem:$0x8340] =	vst v1;
	v1 =	vimm.f32 $2.200000000e+01  }
0x127: {  	[tilespmem:$0x8350] =	vst v1;
	v1 =	vimm.f32 $2.300000000e+01  }
0x128: {  	[tilespmem:$0x8360] =	vst v1;
	v1 =	vimm.f32 $2.400000000e+01  }
0x129: {  	[tilespmem:$0x8370] =	vst v1;
	v1 =	vimm.f32 $2.500000000e+01  }
0x12a: {  	[tilespmem:$0x8380] =	vst v1;
	v1 =	vimm.f32 $2.600000000e+01  }
0x12b: {  	[tilespmem:$0x8390] =	vst v1;
	v1 =	vimm.f32 $2.700000000e+01  }
0x12c: {  	[tilespmem:$0x83A0] =	vst v1;
	v1 =	vimm.f32 $2.800000000e+01  }
0x12d: {  	[tilespmem:$0x83B0] =	vst v1;
	v1 =	vimm.f32 $2.900000000e+01  }
0x12e: {  	[tilespmem:$0x83C0] =	vst v1;
	v1 =	vimm.f32 $3.000000000e+01  }
0x12f: {  	[tilespmem:$0x83D0] =	vst v1;
	v1 =	vimm.f32 $3.100000000e+01  }
0x130: {  	s3 =	simm.s32 $0x0;
	[tilespmem:$0x83E0] =	vst v1  }
.LBB2_4:
0x131: {  	v1 =	vld [tilespmem:$0x8200];
	_ =	sdelay $0x1  }
0x132: {  	v2 =	vld [tilespmem:$0x8000]  }
0x133: {  	v0 =	vsub.f32 $1.000000000e+00, v0  }
0x134: {  	s4 =	sshra.s32 s3, $0x2  }
0x135: {  	v3 =	vld [tilespmem:s4+$0x8400];
	v1 =	vadd.f32 v1, v0;
	_ =	sdelay $0x1  }
0x136: {  	v4 =	vmin.f32 v2, $1.000000000e+00;
	v1 =	vmax.f32 v1, $0.0e+00  }
0x137: {  	v4 =	vsub.f32 v4, v1;
	_ =	sdelay $0x1  }
0x138: {  	v3 =	vmul.f32 v4, v3;
	_ =	sdelay $0x1  }
0x139: {  	v1 =	vadd.f32 v3, v1;
	_ =	sdelay $0x1  }
0x13a: {  	[tilespmem:s4+$0x4000] =	vst v1;
	v2 =	vsub.f32 v2, v1  }
0x13b: {  	v3 =	vld [tilespmem:$0x8210]  }
0x13c: {  	v28 =	vmax.f32 v2, $0.0e+00  }
0x13d: {  	v5 =	vld [tilespmem:$0x8010];
	v4 =	vadd.f32 $0.0e+00, v28  }
0x13e: {  	v0 =	vsub.f32 v0, v1;
	[tilespmem:$0x8000] =	vst v2  }
0x13f: {  	[tilespmem:$0x8200] =	vst v4  }
0x140: {  	v1 =	vsub.f32 $1.000000000e+00, v1;
	v2 =	vadd.f32 v3, v0;
	v3 =	vld [tilespmem:s4+$0x8410];
	_ =	sdelay $0x1  }
0x141: {  	v6 =	vmin.f32 v1, v5;
	v2 =	vmax.f32 v2, $0.0e+00  }
0x142: {  	v6 =	vsub.f32 v6, v2;
	_ =	sdelay $0x1  }
0x143: {  	v3 =	vmul.f32 v6, v3;
	_ =	sdelay $0x1  }
0x144: {  	v2 =	vadd.f32 v3, v2;
	_ =	sdelay $0x1  }
0x145: {  	[tilespmem:s4+$0x4010] =	vst v2;
	v3 =	vsub.f32 v5, v2  }
0x146: {  	v29 =	vld [tilespmem:$0x8220]  }
0x147: {  	v30 =	vmax.f32 v3, $0.0e+00  }
0x148: {  	v31 =	vld [tilespmem:$0x8020];
	v4 =	vadd.f32 v30, v4  }
0x149: {  	v0 =	vsub.f32 v0, v2;
	[tilespmem:$0x8010] =	vst v3  }
0x14a: {  	[tilespmem:$0x8210] =	vst v4  }
0x14b: {  	v1 =	vsub.f32 v1, v2;
	v2 =	vadd.f32 v29, v0;
	v3 =	vld [tilespmem:s4+$0x8420];
	_ =	sdelay $0x1  }
0x14c: {  	v32 =	vmin.f32 v1, v31;
	v2 =	vmax.f32 v2, $0.0e+00  }
0x14d: {  	v5 =	vsub.f32 v32, v2;
	_ =	sdelay $0x1  }
0x14e: {  	v3 =	vmul.f32 v5, v3;
	_ =	sdelay $0x1  }
0x14f: {  	v2 =	vadd.f32 v3, v2;
	_ =	sdelay $0x1  }
0x150: {  	[tilespmem:s4+$0x4020] =	vst v2;
	v3 =	vsub.f32 v31, v2  }
0x151: {  	v33 =	vld [tilespmem:$0x8230]  }
0x152: {  	v6 =	vmax.f32 v3, $0.0e+00  }
0x153: {  	v34 =	vld [tilespmem:$0x8030];
	v4 =	vadd.f32 v6, v4  }
0x154: {  	v0 =	vsub.f32 v0, v2;
	[tilespmem:$0x8020] =	vst v3  }
0x155: {  	[tilespmem:$0x8220] =	vst v4  }
0x156: {  	v1 =	vsub.f32 v1, v2;
	v2 =	vadd.f32 v33, v0;
	v3 =	vld [tilespmem:s4+$0x8430];
	_ =	sdelay $0x1  }
0x157: {  	v35 =	vmin.f32 v1, v34;
	v2 =	vmax.f32 v2, $0.0e+00  }
0x158: {  	v5 =	vsub.f32 v35, v2;
	_ =	sdelay $0x1  }
0x159: {  	v3 =	vmul.f32 v5, v3;
	_ =	sdelay $0x1  }
0x15a: {  	v2 =	vadd.f32 v3, v2;
	_ =	sdelay $0x1  }
0x15b: {  	[tilespmem:s4+$0x4030] =	vst v2;
	v3 =	vsub.f32 v34, v2  }
0x15c: {  	v36 =	vld [tilespmem:$0x8240]  }
0x15d: {  	v6 =	vmax.f32 v3, $0.0e+00  }
0x15e: {  	v37 =	vld [tilespmem:$0x8040];
	v4 =	vadd.f32 v6, v4  }
0x15f: {  	v0 =	vsub.f32 v0, v2;
	[tilespmem:$0x8030] =	vst v3  }
0x160: {  	[tilespmem:$0x8230] =	vst v4  }
0x161: {  	v1 =	vsub.f32 v1, v2;
	v2 =	vadd.f32 v36, v0;
	v3 =	vld [tilespmem:s4+$0x8440];
	_ =	sdelay $0x1  }
0x162: {  	v38 =	vmin.f32 v1, v37;
	v2 =	vmax.f32 v2, $0.0e+00  }
0x163: {  	v5 =	vsub.f32 v38, v2;
	_ =	sdelay $0x1  }
0x164: {  	v3 =	vmul.f32 v5, v3;
	_ =	sdelay $0x1  }
0x165: {  	v2 =	vadd.f32 v3, v2;
	_ =	sdelay $0x1  }
0x166: {  	[tilespmem:s4+$0x4040] =	vst v2;
	v3 =	vsub.f32 v37, v2  }
0x167: {  	v39 =	vld [tilespmem:$0x8250]  }
0x168: {  	v6 =	vmax.f32 v3, $0.0e+00  }
0x169: {  	v40 =	vld [tilespmem:$0x8050];
	v4 =	vadd.f32 v6, v4  }
0x16a: {  	v0 =	vsub.f32 v0, v2;
	[tilespmem:$0x8040] =	vst v3  }
0x16b: {  	[tilespmem:$0x8240] =	vst v4  }
0x16c: {  	v1 =	vsub.f32 v1, v2;
	v2 =	vadd.f32 v39, v0;
	v3 =	vld [tilespmem:s4+$0x8450];
	_ =	sdelay $0x1  }
0x16d: {  	v41 =	vmin.f32 v1, v40;
	v2 =	vmax.f32 v2, $0.0e+00  }
0x16e: {  	v5 =	vsub.f32 v41, v2;
	_ =	sdelay $0x1  }
0x16f: {  	v3 =	vmul.f32 v5, v3;
	_ =	sdelay $0x1  }
0x170: {  	v2 =	vadd.f32 v3, v2;
	_ =	sdelay $0x1  }
0x171: {  	[tilespmem:s4+$0x4050] =	vst v2;
	v3 =	vsub.f32 v40, v2  }
0x172: {  	v42 =	vld [tilespmem:$0x8260]  }
0x173: {  	v6 =	vmax.f32 v3, $0.0e+00  }
0x174: {  	v43 =	vld [tilespmem:$0x8060];
	v4 =	vadd.f32 v6, v4  }
0x175: {  	v0 =	vsub.f32 v0, v2;
	[tilespmem:$0x8050] =	vst v3  }
0x176: {  	[tilespmem:$0x8250] =	vst v4  }
0x177: {  	v1 =	vsub.f32 v1, v2;
	v2 =	vadd.f32 v42, v0;
	v3 =	vld [tilespmem:s4+$0x8460];
	_ =	sdelay $0x1  }
0x178: {  	v44 =	vmin.f32 v1, v43;
	v2 =	vmax.f32 v2, $0.0e+00  }
0x179: {  	v5 =	vsub.f32 v44, v2;
	_ =	sdelay $0x1  }
0x17a: {  	v3 =	vmul.f32 v5, v3;
	_ =	sdelay $0x1  }
0x17b: {  	v2 =	vadd.f32 v3, v2;
	_ =	sdelay $0x1  }
0x17c: {  	[tilespmem:s4+$0x4060] =	vst v2;
	v3 =	vsub.f32 v43, v2  }
0x17d: {  	v45 =	vld [tilespmem:$0x8270]  }
0x17e: {  	v6 =	vmax.f32 v3, $0.0e+00  }
0x17f: {  	v46 =	vld [tilespmem:$0x8070];
	v4 =	vadd.f32 v6, v4  }
0x180: {  	v0 =	vsub.f32 v0, v2;
	[tilespmem:$0x8060] =	vst v3  }
0x181: {  	[tilespmem:$0x8260] =	vst v4  }
0x182: {  	v1 =	vsub.f32 v1, v2;
	v2 =	vadd.f32 v45, v0;
	v3 =	vld [tilespmem:s4+$0x8470];
	_ =	sdelay $0x1  }
0x183: {  	v47 =	vmin.f32 v1, v46;
	v2 =	vmax.f32 v2, $0.0e+00  }
0x184: {  	v5 =	vsub.f32 v47, v2;
	_ =	sdelay $0x1  }
0x185: {  	v3 =	vmul.f32 v5, v3;
	_ =	sdelay $0x1  }
0x186: {  	v2 =	vadd.f32 v3, v2;
	_ =	sdelay $0x1  }
0x187: {  	[tilespmem:s4+$0x4070] =	vst v2;
	v3 =	vsub.f32 v46, v2  }
0x188: {  	v48 =	vld [tilespmem:$0x8280]  }
0x189: {  	v6 =	vmax.f32 v3, $0.0e+00  }
0x18a: {  	v49 =	vld [tilespmem:$0x8080];
	v4 =	vadd.f32 v6, v4  }
0x18b: {  	v0 =	vsub.f32 v0, v2;
	[tilespmem:$0x8070] =	vst v3  }
0x18c: {  	[tilespmem:$0x8270] =	vst v4  }
0x18d: {  	v1 =	vsub.f32 v1, v2;
	v2 =	vadd.f32 v48, v0;
	v3 =	vld [tilespmem:s4+$0x8480];
	_ =	sdelay $0x1  }
0x18e: {  	v50 =	vmin.f32 v1, v49;
	v2 =	vmax.f32 v2, $0.0e+00  }
0x18f: {  	v5 =	vsub.f32 v50, v2;
	_ =	sdelay $0x1  }
0x190: {  	v3 =	vmul.f32 v5, v3;
	_ =	sdelay $0x1  }
0x191: {  	v2 =	vadd.f32 v3, v2;
	_ =	sdelay $0x1  }
0x192: {  	[tilespmem:s4+$0x4080] =	vst v2;
	v3 =	vsub.f32 v49, v2  }
0x193: {  	v51 =	vld [tilespmem:$0x8290]  }
0x194: {  	v6 =	vmax.f32 v3, $0.0e+00  }
0x195: {  	v52 =	vld [tilespmem:$0x8090];
	v4 =	vadd.f32 v6, v4  }
0x196: {  	v0 =	vsub.f32 v0, v2;
	[tilespmem:$0x8080] =	vst v3  }
0x197: {  	[tilespmem:$0x8280] =	vst v4  }
0x198: {  	v1 =	vsub.f32 v1, v2;
	v2 =	vadd.f32 v51, v0;
	v3 =	vld [tilespmem:s4+$0x8490];
	_ =	sdelay $0x1  }
0x199: {  	v53 =	vmin.f32 v1, v52;
	v2 =	vmax.f32 v2, $0.0e+00  }
0x19a: {  	v5 =	vsub.f32 v53, v2;
	_ =	sdelay $0x1  }
0x19b: {  	v3 =	vmul.f32 v5, v3;
	_ =	sdelay $0x1  }
0x19c: {  	v2 =	vadd.f32 v3, v2;
	_ =	sdelay $0x1  }
0x19d: {  	[tilespmem:s4+$0x4090] =	vst v2;
	v3 =	vsub.f32 v52, v2  }
0x19e: {  	v54 =	vld [tilespmem:$0x82A0]  }
0x19f: {  	v6 =	vmax.f32 v3, $0.0e+00  }
0x1a0: {  	v55 =	vld [tilespmem:$0x80A0];
	v4 =	vadd.f32 v6, v4  }
0x1a1: {  	v0 =	vsub.f32 v0, v2;
	[tilespmem:$0x8090] =	vst v3  }
0x1a2: {  	[tilespmem:$0x8290] =	vst v4  }
0x1a3: {  	v1 =	vsub.f32 v1, v2;
	v2 =	vadd.f32 v54, v0;
	v3 =	vld [tilespmem:s4+$0x84A0];
	_ =	sdelay $0x1  }
0x1a4: {  	v56 =	vmin.f32 v1, v55;
	v2 =	vmax.f32 v2, $0.0e+00  }
0x1a5: {  	v5 =	vsub.f32 v56, v2;
	_ =	sdelay $0x1  }
0x1a6: {  	v3 =	vmul.f32 v5, v3;
	_ =	sdelay $0x1  }
0x1a7: {  	v2 =	vadd.f32 v3, v2;
	_ =	sdelay $0x1  }
0x1a8: {  	[tilespmem:s4+$0x40A0] =	vst v2;
	v3 =	vsub.f32 v55, v2  }
0x1a9: {  	v57 =	vld [tilespmem:$0x82B0]  }
0x1aa: {  	v6 =	vmax.f32 v3, $0.0e+00  }
0x1ab: {  	v58 =	vld [tilespmem:$0x80B0];
	v4 =	vadd.f32 v6, v4  }
0x1ac: {  	v0 =	vsub.f32 v0, v2;
	[tilespmem:$0x80A0] =	vst v3  }
0x1ad: {  	[tilespmem:$0x82A0] =	vst v4  }
0x1ae: {  	v1 =	vsub.f32 v1, v2;
	v2 =	vadd.f32 v57, v0;
	v3 =	vld [tilespmem:s4+$0x84B0];
	_ =	sdelay $0x1  }
0x1af: {  	v59 =	vmin.f32 v1, v58;
	v2 =	vmax.f32 v2, $0.0e+00  }
0x1b0: {  	v5 =	vsub.f32 v59, v2;
	_ =	sdelay $0x1  }
0x1b1: {  	v3 =	vmul.f32 v5, v3;
	_ =	sdelay $0x1  }
0x1b2: {  	v2 =	vadd.f32 v3, v2;
	_ =	sdelay $0x1  }
0x1b3: {  	[tilespmem:s4+$0x40B0] =	vst v2;
	v3 =	vsub.f32 v58, v2  }
0x1b4: {  	v60 =	vld [tilespmem:$0x82C0]  }
0x1b5: {  	v6 =	vmax.f32 v3, $0.0e+00  }
0x1b6: {  	v61 =	vld [tilespmem:$0x80C0];
	v4 =	vadd.f32 v6, v4  }
0x1b7: {  	v0 =	vsub.f32 v0, v2;
	[tilespmem:$0x80B0] =	vst v3  }
0x1b8: {  	[tilespmem:$0x82B0] =	vst v4  }
0x1b9: {  	v1 =	vsub.f32 v1, v2;
	v2 =	vadd.f32 v60, v0;
	v3 =	vld [tilespmem:s4+$0x84C0];
	_ =	sdelay $0x1  }
0x1ba: {  	v62 =	vmin.f32 v1, v61;
	v2 =	vmax.f32 v2, $0.0e+00  }
0x1bb: {  	v5 =	vsub.f32 v62, v2;
	_ =	sdelay $0x1  }
0x1bc: {  	v3 =	vmul.f32 v5, v3;
	_ =	sdelay $0x1  }
0x1bd: {  	v2 =	vadd.f32 v3, v2;
	_ =	sdelay $0x1  }
0x1be: {  	[tilespmem:s4+$0x40C0] =	vst v2;
	v3 =	vsub.f32 v61, v2  }
0x1bf: {  	v63 =	vld [tilespmem:$0x82D0]  }
0x1c0: {  	v6 =	vmax.f32 v3, $0.0e+00  }
0x1c1: {  	v9 =	vld [tilespmem:$0x80D0];
	v4 =	vadd.f32 v6, v4  }
0x1c2: {  	v0 =	vsub.f32 v0, v2;
	[tilespmem:$0x80C0] =	vst v3  }
0x1c3: {  	[tilespmem:$0x82C0] =	vst v4  }
0x1c4: {  	v1 =	vsub.f32 v1, v2;
	v2 =	vadd.f32 v63, v0;
	v3 =	vld [tilespmem:s4+$0x84D0];
	_ =	sdelay $0x1  }
0x1c5: {  	v10 =	vmin.f32 v1, v9;
	v2 =	vmax.f32 v2, $0.0e+00  }
0x1c6: {  	v5 =	vsub.f32 v10, v2;
	_ =	sdelay $0x1  }
0x1c7: {  	v3 =	vmul.f32 v5, v3;
	_ =	sdelay $0x1  }
0x1c8: {  	v2 =	vadd.f32 v3, v2;
	_ =	sdelay $0x1  }
0x1c9: {  	[tilespmem:s4+$0x40D0] =	vst v2;
	v3 =	vsub.f32 v9, v2  }
0x1ca: {  	v11 =	vld [tilespmem:$0x82E0]  }
0x1cb: {  	v6 =	vmax.f32 v3, $0.0e+00  }
0x1cc: {  	v12 =	vld [tilespmem:$0x80E0];
	v4 =	vadd.f32 v6, v4  }
0x1cd: {  	v0 =	vsub.f32 v0, v2;
	[tilespmem:$0x80D0] =	vst v3  }
0x1ce: {  	[tilespmem:$0x82D0] =	vst v4  }
0x1cf: {  	v1 =	vsub.f32 v1, v2;
	v2 =	vadd.f32 v11, v0;
	v3 =	vld [tilespmem:s4+$0x84E0];
	_ =	sdelay $0x1  }
0x1d0: {  	v13 =	vmin.f32 v1, v12;
	v2 =	vmax.f32 v2, $0.0e+00  }
0x1d1: {  	v5 =	vsub.f32 v13, v2;
	_ =	sdelay $0x1  }
0x1d2: {  	v3 =	vmul.f32 v5, v3;
	_ =	sdelay $0x1  }
0x1d3: {  	v2 =	vadd.f32 v3, v2;
	_ =	sdelay $0x1  }
0x1d4: {  	[tilespmem:s4+$0x40E0] =	vst v2;
	v3 =	vsub.f32 v12, v2  }
0x1d5: {  	v14 =	vld [tilespmem:$0x82F0]  }
0x1d6: {  	v6 =	vmax.f32 v3, $0.0e+00  }
0x1d7: {  	v15 =	vld [tilespmem:$0x80F0];
	v4 =	vadd.f32 v6, v4  }
0x1d8: {  	v0 =	vsub.f32 v0, v2;
	[tilespmem:$0x80E0] =	vst v3  }
0x1d9: {  	[tilespmem:$0x82E0] =	vst v4  }
0x1da: {  	v1 =	vsub.f32 v1, v2;
	v2 =	vadd.f32 v14, v0;
	v3 =	vld [tilespmem:s4+$0x84F0];
	_ =	sdelay $0x1  }
0x1db: {  	v16 =	vmin.f32 v1, v15;
	v2 =	vmax.f32 v2, $0.0e+00  }
0x1dc: {  	v5 =	vsub.f32 v16, v2;
	_ =	sdelay $0x1  }
0x1dd: {  	v3 =	vmul.f32 v5, v3;
	_ =	sdelay $0x1  }
0x1de: {  	v2 =	vadd.f32 v3, v2;
	_ =	sdelay $0x1  }
0x1df: {  	[tilespmem:s4+$0x40F0] =	vst v2;
	v3 =	vsub.f32 v15, v2  }
0x1e0: {  	v17 =	vld [tilespmem:$0x8300]  }
0x1e1: {  	v6 =	vmax.f32 v3, $0.0e+00  }
0x1e2: {  	v18 =	vld [tilespmem:$0x8100];
	v4 =	vadd.f32 v6, v4  }
0x1e3: {  	v0 =	vsub.f32 v0, v2;
	[tilespmem:$0x80F0] =	vst v3  }
0x1e4: {  	[tilespmem:$0x82F0] =	vst v4  }
0x1e5: {  	v1 =	vsub.f32 v1, v2;
	v2 =	vadd.f32 v17, v0;
	v3 =	vld [tilespmem:s4+$0x8500];
	_ =	sdelay $0x1  }
0x1e6: {  	v19 =	vmin.f32 v1, v18;
	v2 =	vmax.f32 v2, $0.0e+00  }
0x1e7: {  	v5 =	vsub.f32 v19, v2;
	_ =	sdelay $0x1  }
0x1e8: {  	v3 =	vmul.f32 v5, v3;
	_ =	sdelay $0x1  }
0x1e9: {  	v2 =	vadd.f32 v3, v2;
	_ =	sdelay $0x1  }
0x1ea: {  	[tilespmem:s4+$0x4100] =	vst v2;
	v3 =	vsub.f32 v18, v2  }
0x1eb: {  	v20 =	vld [tilespmem:$0x8310]  }
0x1ec: {  	v6 =	vmax.f32 v3, $0.0e+00  }
0x1ed: {  	v21 =	vld [tilespmem:$0x8110];
	v4 =	vadd.f32 v6, v4  }
0x1ee: {  	v0 =	vsub.f32 v0, v2;
	[tilespmem:$0x8100] =	vst v3  }
0x1ef: {  	[tilespmem:$0x8300] =	vst v4  }
0x1f0: {  	v1 =	vsub.f32 v1, v2;
	v2 =	vadd.f32 v20, v0;
	v3 =	vld [tilespmem:s4+$0x8510];
	_ =	sdelay $0x1  }
0x1f1: {  	v22 =	vmin.f32 v1, v21;
	v2 =	vmax.f32 v2, $0.0e+00  }
0x1f2: {  	v5 =	vsub.f32 v22, v2;
	_ =	sdelay $0x1  }
0x1f3: {  	v3 =	vmul.f32 v5, v3;
	_ =	sdelay $0x1  }
0x1f4: {  	v2 =	vadd.f32 v3, v2;
	_ =	sdelay $0x1  }
0x1f5: {  	[tilespmem:s4+$0x4110] =	vst v2;
	v3 =	vsub.f32 v21, v2  }
0x1f6: {  	v23 =	vld [tilespmem:$0x8320]  }
0x1f7: {  	v6 =	vmax.f32 v3, $0.0e+00  }
0x1f8: {  	v24 =	vld [tilespmem:$0x8120];
	v4 =	vadd.f32 v6, v4  }
0x1f9: {  	v0 =	vsub.f32 v0, v2;
	[tilespmem:$0x8110] =	vst v3  }
0x1fa: {  	[tilespmem:$0x8310] =	vst v4  }
0x1fb: {  	v1 =	vsub.f32 v1, v2;
	v2 =	vadd.f32 v23, v0;
	v3 =	vld [tilespmem:s4+$0x8520];
	_ =	sdelay $0x1  }
0x1fc: {  	v25 =	vmin.f32 v1, v24;
	v2 =	vmax.f32 v2, $0.0e+00  }
0x1fd: {  	v5 =	vsub.f32 v25, v2;
	_ =	sdelay $0x1  }
0x1fe: {  	v3 =	vmul.f32 v5, v3;
	_ =	sdelay $0x1  }
0x1ff: {  	v2 =	vadd.f32 v3, v2;
	_ =	sdelay $0x1  }
0x200: {  	[tilespmem:s4+$0x4120] =	vst v2;
	v3 =	vsub.f32 v24, v2  }
0x201: {  	v26 =	vld [tilespmem:$0x8330]  }
0x202: {  	v6 =	vmax.f32 v3, $0.0e+00  }
0x203: {  	v27 =	vld [tilespmem:$0x8130];
	v4 =	vadd.f32 v6, v4  }
0x204: {  	v0 =	vsub.f32 v0, v2;
	[tilespmem:$0x8120] =	vst v3  }
0x205: {  	[tilespmem:$0x8320] =	vst v4  }
0x206: {  	v1 =	vsub.f32 v1, v2;
	v2 =	vadd.f32 v26, v0;
	v3 =	vld [tilespmem:s4+$0x8530];
	_ =	sdelay $0x1  }
0x207: {  	v28 =	vmin.f32 v1, v27;
	v2 =	vmax.f32 v2, $0.0e+00  }
0x208: {  	v5 =	vsub.f32 v28, v2;
	_ =	sdelay $0x1  }
0x209: {  	v3 =	vmul.f32 v5, v3;
	_ =	sdelay $0x1  }
0x20a: {  	v2 =	vadd.f32 v3, v2;
	_ =	sdelay $0x1  }
0x20b: {  	[tilespmem:s4+$0x4130] =	vst v2;
	v3 =	vsub.f32 v27, v2  }
0x20c: {  	v29 =	vld [tilespmem:$0x8340]  }
0x20d: {  	v6 =	vmax.f32 v3, $0.0e+00  }
0x20e: {  	v30 =	vld [tilespmem:$0x8140];
	v4 =	vadd.f32 v6, v4  }
0x20f: {  	v0 =	vsub.f32 v0, v2;
	[tilespmem:$0x8130] =	vst v3  }
0x210: {  	[tilespmem:$0x8330] =	vst v4  }
0x211: {  	v1 =	vsub.f32 v1, v2;
	v2 =	vadd.f32 v29, v0;
	v3 =	vld [tilespmem:s4+$0x8540];
	_ =	sdelay $0x1  }
0x212: {  	v31 =	vmin.f32 v1, v30;
	v2 =	vmax.f32 v2, $0.0e+00  }
0x213: {  	v5 =	vsub.f32 v31, v2;
	_ =	sdelay $0x1  }
0x214: {  	v3 =	vmul.f32 v5, v3;
	_ =	sdelay $0x1  }
0x215: {  	v2 =	vadd.f32 v3, v2;
	_ =	sdelay $0x1  }
0x216: {  	[tilespmem:s4+$0x4140] =	vst v2;
	v3 =	vsub.f32 v30, v2  }
0x217: {  	v32 =	vld [tilespmem:$0x8350]  }
0x218: {  	v6 =	vmax.f32 v3, $0.0e+00  }
0x219: {  	v33 =	vld [tilespmem:$0x8150];
	v4 =	vadd.f32 v6, v4  }
0x21a: {  	v0 =	vsub.f32 v0, v2;
	[tilespmem:$0x8140] =	vst v3  }
0x21b: {  	[tilespmem:$0x8340] =	vst v4  }
0x21c: {  	v1 =	vsub.f32 v1, v2;
	v2 =	vadd.f32 v32, v0;
	v3 =	vld [tilespmem:s4+$0x8550];
	_ =	sdelay $0x1  }
0x21d: {  	v34 =	vmin.f32 v1, v33;
	v2 =	vmax.f32 v2, $0.0e+00  }
0x21e: {  	v5 =	vsub.f32 v34, v2;
	_ =	sdelay $0x1  }
0x21f: {  	v3 =	vmul.f32 v5, v3;
	_ =	sdelay $0x1  }
0x220: {  	v2 =	vadd.f32 v3, v2;
	_ =	sdelay $0x1  }
0x221: {  	[tilespmem:s4+$0x4150] =	vst v2;
	v3 =	vsub.f32 v33, v2  }
0x222: {  	v35 =	vld [tilespmem:$0x8360]  }
0x223: {  	v6 =	vmax.f32 v3, $0.0e+00  }
0x224: {  	v36 =	vld [tilespmem:$0x8160];
	v4 =	vadd.f32 v6, v4  }
0x225: {  	v0 =	vsub.f32 v0, v2;
	[tilespmem:$0x8150] =	vst v3  }
0x226: {  	[tilespmem:$0x8350] =	vst v4  }
0x227: {  	v1 =	vsub.f32 v1, v2;
	v2 =	vadd.f32 v35, v0;
	v3 =	vld [tilespmem:s4+$0x8560];
	_ =	sdelay $0x1  }
0x228: {  	v37 =	vmin.f32 v1, v36;
	v2 =	vmax.f32 v2, $0.0e+00  }
0x229: {  	v5 =	vsub.f32 v37, v2;
	_ =	sdelay $0x1  }
0x22a: {  	v3 =	vmul.f32 v5, v3;
	_ =	sdelay $0x1  }
0x22b: {  	v2 =	vadd.f32 v3, v2;
	_ =	sdelay $0x1  }
0x22c: {  	[tilespmem:s4+$0x4160] =	vst v2;
	v3 =	vsub.f32 v36, v2  }
0x22d: {  	v38 =	vld [tilespmem:$0x8370]  }
0x22e: {  	v6 =	vmax.f32 v3, $0.0e+00  }
0x22f: {  	v39 =	vld [tilespmem:$0x8170];
	v4 =	vadd.f32 v6, v4  }
0x230: {  	v0 =	vsub.f32 v0, v2;
	[tilespmem:$0x8160] =	vst v3  }
0x231: {  	[tilespmem:$0x8360] =	vst v4  }
0x232: {  	v1 =	vsub.f32 v1, v2;
	v2 =	vadd.f32 v38, v0;
	v3 =	vld [tilespmem:s4+$0x8570];
	_ =	sdelay $0x1  }
0x233: {  	v40 =	vmin.f32 v1, v39;
	v2 =	vmax.f32 v2, $0.0e+00  }
0x234: {  	v5 =	vsub.f32 v40, v2;
	_ =	sdelay $0x1  }
0x235: {  	v3 =	vmul.f32 v5, v3;
	_ =	sdelay $0x1  }
0x236: {  	v2 =	vadd.f32 v3, v2;
	_ =	sdelay $0x1  }
0x237: {  	[tilespmem:s4+$0x4170] =	vst v2;
	v3 =	vsub.f32 v39, v2  }
0x238: {  	v41 =	vld [tilespmem:$0x8380]  }
0x239: {  	v6 =	vmax.f32 v3, $0.0e+00  }
0x23a: {  	v42 =	vld [tilespmem:$0x8180];
	v4 =	vadd.f32 v6, v4  }
0x23b: {  	v0 =	vsub.f32 v0, v2;
	[tilespmem:$0x8170] =	vst v3  }
0x23c: {  	[tilespmem:$0x8370] =	vst v4  }
0x23d: {  	v1 =	vsub.f32 v1, v2;
	v2 =	vadd.f32 v41, v0;
	v3 =	vld [tilespmem:s4+$0x8580];
	_ =	sdelay $0x1  }
0x23e: {  	v43 =	vmin.f32 v1, v42;
	v2 =	vmax.f32 v2, $0.0e+00  }
0x23f: {  	v5 =	vsub.f32 v43, v2;
	_ =	sdelay $0x1  }
0x240: {  	v3 =	vmul.f32 v5, v3;
	_ =	sdelay $0x1  }
0x241: {  	v2 =	vadd.f32 v3, v2;
	_ =	sdelay $0x1  }
0x242: {  	[tilespmem:s4+$0x4180] =	vst v2;
	v3 =	vsub.f32 v42, v2  }
0x243: {  	v44 =	vld [tilespmem:$0x8390]  }
0x244: {  	v6 =	vmax.f32 v3, $0.0e+00  }
0x245: {  	v45 =	vld [tilespmem:$0x8190];
	v4 =	vadd.f32 v6, v4  }
0x246: {  	v0 =	vsub.f32 v0, v2;
	[tilespmem:$0x8180] =	vst v3  }
0x247: {  	[tilespmem:$0x8380] =	vst v4  }
0x248: {  	v1 =	vsub.f32 v1, v2;
	v2 =	vadd.f32 v44, v0;
	v3 =	vld [tilespmem:s4+$0x8590];
	_ =	sdelay $0x1  }
0x249: {  	v46 =	vmin.f32 v1, v45;
	v2 =	vmax.f32 v2, $0.0e+00  }
0x24a: {  	v5 =	vsub.f32 v46, v2;
	_ =	sdelay $0x1  }
0x24b: {  	v3 =	vmul.f32 v5, v3;
	_ =	sdelay $0x1  }
0x24c: {  	v2 =	vadd.f32 v3, v2;
	_ =	sdelay $0x1  }
0x24d: {  	[tilespmem:s4+$0x4190] =	vst v2;
	v3 =	vsub.f32 v45, v2  }
0x24e: {  	v47 =	vld [tilespmem:$0x83A0]  }
0x24f: {  	v6 =	vmax.f32 v3, $0.0e+00  }
0x250: {  	v48 =	vld [tilespmem:$0x81A0];
	v4 =	vadd.f32 v6, v4  }
0x251: {  	v0 =	vsub.f32 v0, v2;
	[tilespmem:$0x8190] =	vst v3  }
0x252: {  	[tilespmem:$0x8390] =	vst v4  }
0x253: {  	v1 =	vsub.f32 v1, v2;
	v2 =	vadd.f32 v47, v0;
	v3 =	vld [tilespmem:s4+$0x85A0];
	_ =	sdelay $0x1  }
0x254: {  	v49 =	vmin.f32 v1, v48;
	v2 =	vmax.f32 v2, $0.0e+00  }
0x255: {  	v5 =	vsub.f32 v49, v2;
	_ =	sdelay $0x1  }
0x256: {  	v3 =	vmul.f32 v5, v3;
	_ =	sdelay $0x1  }
0x257: {  	v2 =	vadd.f32 v3, v2;
	_ =	sdelay $0x1  }
0x258: {  	[tilespmem:s4+$0x41A0] =	vst v2;
	v3 =	vsub.f32 v48, v2  }
0x259: {  	v50 =	vld [tilespmem:$0x83B0]  }
0x25a: {  	v6 =	vmax.f32 v3, $0.0e+00  }
0x25b: {  	v51 =	vld [tilespmem:$0x81B0];
	v4 =	vadd.f32 v6, v4  }
0x25c: {  	v0 =	vsub.f32 v0, v2;
	[tilespmem:$0x81A0] =	vst v3  }
0x25d: {  	[tilespmem:$0x83A0] =	vst v4  }
0x25e: {  	v1 =	vsub.f32 v1, v2;
	v2 =	vadd.f32 v50, v0;
	v3 =	vld [tilespmem:s4+$0x85B0];
	_ =	sdelay $0x1  }
0x25f: {  	v52 =	vmin.f32 v1, v51;
	v2 =	vmax.f32 v2, $0.0e+00  }
0x260: {  	v5 =	vsub.f32 v52, v2;
	_ =	sdelay $0x1  }
0x261: {  	v3 =	vmul.f32 v5, v3;
	_ =	sdelay $0x1  }
0x262: {  	v2 =	vadd.f32 v3, v2;
	_ =	sdelay $0x1  }
0x263: {  	[tilespmem:s4+$0x41B0] =	vst v2;
	v3 =	vsub.f32 v51, v2  }
0x264: {  	v53 =	vld [tilespmem:$0x83C0]  }
0x265: {  	v6 =	vmax.f32 v3, $0.0e+00  }
0x266: {  	v54 =	vld [tilespmem:$0x81C0];
	v4 =	vadd.f32 v6, v4  }
0x267: {  	v0 =	vsub.f32 v0, v2;
	[tilespmem:$0x81B0] =	vst v3  }
0x268: {  	[tilespmem:$0x83B0] =	vst v4  }
0x269: {  	v1 =	vsub.f32 v1, v2;
	v2 =	vadd.f32 v53, v0;
	v3 =	vld [tilespmem:s4+$0x85C0];
	_ =	sdelay $0x1  }
0x26a: {  	v55 =	vmin.f32 v1, v54;
	v2 =	vmax.f32 v2, $0.0e+00  }
0x26b: {  	v5 =	vsub.f32 v55, v2;
	_ =	sdelay $0x1  }
0x26c: {  	v3 =	vmul.f32 v5, v3;
	_ =	sdelay $0x1  }
0x26d: {  	v2 =	vadd.f32 v3, v2;
	_ =	sdelay $0x1  }
0x26e: {  	[tilespmem:s4+$0x41C0] =	vst v2;
	v3 =	vsub.f32 v54, v2  }
0x26f: {  	v56 =	vld [tilespmem:$0x83D0]  }
0x270: {  	v6 =	vmax.f32 v3, $0.0e+00  }
0x271: {  	v57 =	vld [tilespmem:$0x81D0];
	v4 =	vadd.f32 v6, v4  }
0x272: {  	v0 =	vsub.f32 v0, v2;
	[tilespmem:$0x81C0] =	vst v3  }
0x273: {  	[tilespmem:$0x83C0] =	vst v4  }
0x274: {  	v1 =	vsub.f32 v1, v2;
	v2 =	vadd.f32 v56, v0;
	v3 =	vld [tilespmem:s4+$0x85D0];
	_ =	sdelay $0x1  }
0x275: {  	v58 =	vmin.f32 v1, v57;
	v2 =	vmax.f32 v2, $0.0e+00  }
0x276: {  	v5 =	vsub.f32 v58, v2;
	_ =	sdelay $0x1  }
0x277: {  	v3 =	vmul.f32 v5, v3;
	_ =	sdelay $0x1  }
0x278: {  	v2 =	vadd.f32 v3, v2;
	_ =	sdelay $0x1  }
0x279: {  	[tilespmem:s4+$0x41D0] =	vst v2;
	v3 =	vsub.f32 v57, v2  }
0x27a: {  	v59 =	vld [tilespmem:$0x83E0]  }
0x27b: {  	v6 =	vmax.f32 v3, $0.0e+00  }
0x27c: {  	v60 =	vld [tilespmem:$0x81E0];
	v4 =	vadd.f32 v6, v4  }
0x27d: {  	v0 =	vsub.f32 v0, v2;
	[tilespmem:$0x81D0] =	vst v3  }
0x27e: {  	[tilespmem:$0x83D0] =	vst v4  }
0x27f: {  	v1 =	vsub.f32 v1, v2;
	v2 =	vadd.f32 v59, v0;
	v3 =	vld [tilespmem:s4+$0x85E0];
	_ =	sdelay $0x1  }
0x280: {  	v61 =	vmin.f32 v1, v60;
	v2 =	vmax.f32 v2, $0.0e+00  }
0x281: {  	v5 =	vsub.f32 v61, v2;
	_ =	sdelay $0x1  }
0x282: {  	v3 =	vmul.f32 v5, v3;
	_ =	sdelay $0x1  }
0x283: {  	v2 =	vadd.f32 v3, v2;
	_ =	sdelay $0x1  }
0x284: {  	[tilespmem:s4+$0x41E0] =	vst v2;
	v3 =	vsub.f32 v60, v2  }
0x285: {  	v62 =	vld [tilespmem:$0x83F0]  }
0x286: {  	v6 =	vmax.f32 v3, $0.0e+00  }
0x287: {  	v63 =	vld [tilespmem:$0x81F0];
	v4 =	vadd.f32 v6, v4  }
0x288: {  	v0 =	vsub.f32 v0, v2;
	[tilespmem:$0x81E0] =	vst v3  }
0x289: {  	[tilespmem:$0x83E0] =	vst v4  }
0x28a: {  	v1 =	vsub.f32 v1, v2;
	v0 =	vadd.f32 v62, v0;
	v2 =	vld [tilespmem:s4+$0x85F0];
	_ =	sdelay $0x1  }
0x28b: {  	v1 =	vmin.f32 v1, v63;
	v0 =	vmax.f32 v0, $0.0e+00  }
0x28c: {  	v1 =	vsub.f32 v1, v0;
	_ =	sdelay $0x1  }
0x28d: {  	v1 =	vmul.f32 v1, v2;
	_ =	sdelay $0x1  }
0x28e: {  	v0 =	vadd.f32 v1, v0;
	_ =	sdelay $0x1  }
0x28f: {  	v1 =	vsub.f32 v63, v0  }
0x290: {  	p0 =	sne.s32 s3, $0xF800  }
.Ltmp2:
0x291: {  	v2 =	vmax.f32 v1, $0.0e+00;
	(pc) =	sbr.rel @p0 .LBB2_4-.Ltmp2, $4  }
0x292: {  	[tilespmem:s4+$0x41F0] =	vst v0;
	v0 =	vadd.f32 v2, v4  }
0x293: {  	[tilespmem:$0x81F0] =	vst v1  }
0x294: {  	[tilespmem:$0x83F0] =	vst v0  }
0x295: {  	s3 =	sadd.s32 $0x800, s3;
	[tilespmem:$0xC400] =	vst v0  }
0x296: {  	s3 =	simm.s32 $0x80  }
0x297: {  	s4 =	simm.s32 $0x100;
	s5 =	simm.s32 $0x4000;
	s31 =	simm.s32 $0x1  }
0x298: {  	[hbm4b:s2+s3] =	stream.strided.scatter [tilespmem:s5], [sflag:$0x1], $0x4000, s4, s3, $0x38;
	[tilespmem:$0xC480] =	vst v63  }
0x299: {  	_ =	swait.ge [sflag:s31], $0x4000  }
0x29a: {  	[sflag:s31] =	ssyncset.done $0x0  }
0x29b: {  	[sflag:s31] =	ssyncadd.s32 $0xFFFFC000  }
.LBB2_6:
0x29c: {  	_ =	sfence.sel $0x180000  }
0x29d: {  	[bflag:$0x0] =	sbarrier.arrive $0xFFFF  }
0x29e: {  	p0 =	sne.s32 s1, $0x0;
	_ =	strace $0x90000047  }
0x29f: {  	s0 =	sadd.s32 @!p0 $0x100000, s0;
	[bflag:$0x2] =	sbarrier.arrive $0xFFFF  }
0x2a0: {  	[sflag:s0] =	ssyncadd.tile.s32 @!p0 $0x1;
	_ =	shalt  }
.Lfunc_end2:
_tile_overlayer_lowered:
.L_overlay_start_2:
0x2a1: {  	(tag) =	ssettag $0x2  }
0x2a2: {  	s0 =	rddreg [dreg:$0x0];
	s2 =	stileid.u32  }
0x2a3: {  	s1 =	rddreg [dreg:$0x1];
	p0 =	sne.s32 s2, $0x0  }
0x2a4: {  	s3 =	rddreg [dreg:$0x2];
	[bflag:$0x3] =	sbarrier.arrive $0xFFFF;
	s2 =	simm.s32 @!p0 $0x1C02  }
0x2a5: {  	[timem:s3], [sflag:s2] =	dma.local @!p0 [hbm:s0], s1  }
0x2a6: {  	s0 =	simm.s32 @!p0 $0x2  }
0x2a7: {  	_ =	swait.ge @!p0 [sflag:s0], s1  }
0x2a8: {  	s1 =	ssub.s32 @!p0 $0x0, s1;
	[sflag:s0] =	ssyncset.done @!p0 $0x0  }
0x2a9: {  	[sflag:s0] =	ssyncadd.s32 @!p0 s1  }
0x2aa: {  	[bflag:$0x3] =	sbarrier.arrive $0xFFFF  }
0x2ab: {  	_ =	shalt  }

</sc_bundles>
